<compile_context>
chip_gen: v7x
topology: tpu7x:2x2x1
jax: 0.10.2.dev20260603
libtpu: 0.0.44.dev20260713+nightly
codegen_flags: <defaults>
</compile_context>

<pallas_src>
import functools

import jax
import jax.numpy as jnp
from jax import lax
from jax.experimental import pallas as pl
from jax.experimental.pallas import tpu as pltpu
from jax.experimental.pallas import tpu_sc as plsc

N = 10000
E = 160000
NF = 10

NC = 2
NS = 16
NB = 40
BE = 125
Np = 10240
STRIPE = Np // NS
FC = 128

BN = 512
NBLK = Np // BN



def _make_agg(G, TR):
  mesh = plsc.VectorSubcoreMesh(core_axis_name="c", subcore_axis_name="s")

  @functools.partial(
      pl.kernel,
      mesh=mesh,
      out_type=jax.ShapeDtypeStruct((NC, G * Np, FC), jnp.float32),
      scratch_types=[
          pltpu.VMEM((NB, BE), jnp.int32),
          pltpu.VMEM((NB, BE), jnp.int32),
          pltpu.VMEM((BE, FC), jnp.float32),
          pltpu.VMEM((BE, FC), jnp.float32),
          pltpu.VMEM_SHARED((Np, FC), jnp.float32),
          pltpu.SemaphoreType.DMA,
          pltpu.SemaphoreType.DMA,
          pltpu.SemaphoreType.DMA,
          pltpu.SemaphoreType.DMA,
      ],
  )
  def agg(hf, zros, src_i, dst_i, out,
          src_v, dst_v, gb0, gb1, acc, s0, s1, ss0, ss1):
    c = lax.axis_index("c")
    s = lax.axis_index("s")
    pltpu.sync_copy(src_i.at[c, s], src_v)
    pltpu.sync_copy(dst_i.at[c, s], dst_v)

    def chunk(g, carry):
      tbl = hf.at[pl.ds(g * Np, Np)]
      pltpu.sync_copy(zros, acc.at[pl.ds(s * STRIPE, STRIPE)])
      plsc.subcore_barrier()

      pltpu.async_copy(tbl.at[src_v.at[0]], gb0, s0)

      def body(bb, bc):
        b0 = 2 * bb
        b1 = b0 + 1
        b2 = b0 + 2
        pltpu.async_copy(tbl.at[src_v.at[b1]], gb1, s1)
        pltpu.make_async_copy(tbl.at[src_v.at[b0]], gb0, s0).wait()
        pltpu.sync_copy(gb0, acc.at[dst_v.at[b0]], add=True)

        @pl.when(b2 < NB)
        def _():
          pltpu.async_copy(tbl.at[src_v.at[b2]], gb0, s0)

        pltpu.make_async_copy(tbl.at[src_v.at[b1]], gb1, s1).wait()
        pltpu.sync_copy(gb1, acc.at[dst_v.at[b1]], add=True)
        return bc

      lax.fori_loop(0, NB // 2, body, 0)
      plsc.subcore_barrier()
      pltpu.sync_copy(acc.at[pl.ds(s * STRIPE, STRIPE)],
                      out.at[c, pl.ds(g * Np + s * STRIPE, STRIPE)])
      return carry

    lax.fori_loop(0, G, chunk, 0)

  return agg


def _make_count():
  mesh = plsc.VectorSubcoreMesh(core_axis_name="c", subcore_axis_name="s")

  @functools.partial(
      pl.kernel,
      mesh=mesh,
      out_type=jax.ShapeDtypeStruct((NC, 2 * Np, FC), jnp.float32),
      scratch_types=[
          pltpu.VMEM((NB, BE), jnp.int32),
          pltpu.VMEM((BE, FC), jnp.float32),
          pltpu.VMEM_SHARED((Np, FC), jnp.float32),
          pltpu.SemaphoreType.DMA,
      ],
  )
  def count(ones_hbm, zros, idx_i, out, idx_v, obuf, acc, sem):
    c = lax.axis_index("c")
    s = lax.axis_index("s")
    pltpu.sync_copy(ones_hbm, obuf)

    def chunk(g, carry):
      pltpu.sync_copy(idx_i.at[c, s, g], idx_v)
      pltpu.sync_copy(zros, acc.at[pl.ds(s * STRIPE, STRIPE)])
      plsc.subcore_barrier()

      def body(b, bc):
        pltpu.async_copy(obuf, acc.at[idx_v.at[b]], sem, add=True)
        return bc

      lax.fori_loop(0, NB, body, 0)

      def drain(b, bc):
        pltpu.make_async_copy(obuf, acc.at[idx_v.at[0]], sem).wait()
        return bc

      lax.fori_loop(0, NB, drain, 0)
      plsc.subcore_barrier()
      pltpu.sync_copy(acc.at[pl.ds(s * STRIPE, STRIPE)],
                      out.at[c, pl.ds(g * Np + s * STRIPE, STRIPE)])
      return carry

    lax.fori_loop(0, 2, chunk, 0)

  return count



def _silu(v):
  return v * (1.0 / (1.0 + jnp.exp(-v)))


def _ln(h, g, b):
  mu = jnp.mean(h, axis=-1, keepdims=True)
  var = jnp.mean((h - mu) ** 2, axis=-1, keepdims=True)
  return (h - mu) * lax.rsqrt(var + 1e-5) * g + b


def _prep_body(degp, xp, ns_ref, nd_ref, xs_ref):
  do = degp[0, 0, :, 0:1] + degp[1, 0, :, 0:1]
  di = degp[0, 1, :, 0:1] + degp[1, 1, :, 0:1]
  ns = lax.rsqrt(jnp.maximum(do, 1.0))
  nd_ref[...] = lax.rsqrt(jnp.maximum(di, 1.0))
  ns_ref[...] = ns
  xs_ref[...] = xp[...] * ns


def _prep(degp, xp):
  return pl.pallas_call(
      _prep_body,
      grid=(NBLK,),
      in_specs=[
          pl.BlockSpec((NC, 2, BN, FC), lambda i: (0, 0, i, 0)),
          pl.BlockSpec((BN, FC), lambda i: (i, 0)),
      ],
      out_specs=[
          pl.BlockSpec((BN, 1), lambda i: (i, 0)),
          pl.BlockSpec((BN, 1), lambda i: (i, 0)),
          pl.BlockSpec((BN, FC), lambda i: (i, 0)),
      ],
      out_shape=[
          jax.ShapeDtypeStruct((Np, 1), jnp.float32),
          jax.ShapeDtypeStruct((Np, 1), jnp.float32),
          jax.ShapeDtypeStruct((Np, FC), jnp.float32),
      ],
  )(degp, xp)


def _l1_body(a1p, nd, ns, w1, b1, g1, be1, out):
  a = (a1p[0, 0] + a1p[1, 0]) * nd[...]
  for g in range(NF // 2):
    for e in range(2):
      f = 2 * g + e
      h = _silu(a[:, f:f + 1] * w1[...] + b1[...])
      out[g, :, e * 64:(e + 1) * 64] = _ln(h, g1[...], be1[...]) * ns[...]


def _l1(a1p, nd, ns, w1, b1, g1, be1):
  return pl.pallas_call(
      _l1_body,
      grid=(NBLK,),
      in_specs=[
          pl.BlockSpec((NC, 1, BN, FC), lambda i: (0, 0, i, 0)),
          pl.BlockSpec((BN, 1), lambda i: (i, 0)),
          pl.BlockSpec((BN, 1), lambda i: (i, 0)),
          pl.BlockSpec((1, 64), lambda i: (0, 0)),
          pl.BlockSpec((1, 64), lambda i: (0, 0)),
          pl.BlockSpec((1, 64), lambda i: (0, 0)),
          pl.BlockSpec((1, 64), lambda i: (0, 0)),
      ],
      out_specs=pl.BlockSpec((NF // 2, BN, FC), lambda i: (0, i, 0)),
      out_shape=jax.ShapeDtypeStruct((NF // 2, Np, FC), jnp.float32),
  )(a1p, nd, ns, w1, b1, g1, be1)


def _l2_body(a2p, nd, ns, w2, b2, g2, be2, out):
  p = (a2p[0, 0] + a2p[1, 0]) * nd[...]
  for e in range(2):
    a = p[:, e * 64:(e + 1) * 64]
    h = _silu(jnp.dot(a, w2[...], preferred_element_type=jnp.float32)
              + b2[...])
    h = _ln(h, g2[...], be2[...]) * ns[...]
    out[0, 2 * e] = h[:, :FC]
    out[0, 2 * e + 1] = h[:, FC:]


def _l2(a2p, nd, ns, w2, b2, g2, be2):
  return pl.pallas_call(
      _l2_body,
      grid=(NF // 2, NBLK),
      in_specs=[
          pl.BlockSpec((NC, 1, BN, FC), lambda g, i: (0, g, i, 0)),
          pl.BlockSpec((BN, 1), lambda g, i: (i, 0)),
          pl.BlockSpec((BN, 1), lambda g, i: (i, 0)),
          pl.BlockSpec((64, 256), lambda g, i: (0, 0)),
          pl.BlockSpec((1, 256), lambda g, i: (0, 0)),
          pl.BlockSpec((1, 256), lambda g, i: (0, 0)),
          pl.BlockSpec((1, 256), lambda g, i: (0, 0)),
      ],
      out_specs=pl.BlockSpec((1, 4, BN, FC), lambda g, i: (g, 0, i, 0)),
      out_shape=jax.ShapeDtypeStruct((NF // 2, 4, Np, FC), jnp.float32),
  )(a2p, nd, ns, w2, b2, g2, be2)


def _l3_body(a3p, nd, w3, b3, g3, be3, dw1, db1, lg1, lb1, dw2, db2, lg2,
             lb2, dw3, db3, lg3, lb3, dw4, db4, acc, out):
  g = pl.program_id(0)
  i = pl.program_id(1)
  p = a3p[0] + a3p[1]
  m = None
  for e in range(2):
    a = jnp.concatenate([p[2 * e], p[2 * e + 1]], axis=-1) * nd[...]
    h = _silu(jnp.dot(a, w3[...], preferred_element_type=jnp.float32)
              + b3[...])
    h = _ln(h, g3[...], be3[...])
    row = i * BN + lax.broadcasted_iota(jnp.int32, (BN, 512), 0)
    h = jnp.where(row < N, h, -jnp.inf)
    hm = jnp.max(h, axis=0, keepdims=True)
    m = hm if m is None else jnp.maximum(m, hm)

  @pl.when(jnp.logical_and(g == 0, i == 0))
  def _():
    acc[...] = m
    out[...] = jnp.zeros((1, 4), jnp.float32)

  @pl.when(jnp.logical_or(g != 0, i != 0))
  def _():
    acc[...] = jnp.maximum(acc[...], m)

  @pl.when(jnp.logical_and(g == NF // 2 - 1, i == NBLK - 1))
  def _():
    o = acc[...]
    o = _silu(jnp.dot(o, dw1[...], preferred_element_type=jnp.float32)
              + db1[...])
    o = _silu(_ln(o, lg1[...], lb1[...]))
    o = _silu(jnp.dot(o, dw2[...], preferred_element_type=jnp.float32)
              + db2[...])
    o = _silu(_ln(o, lg2[...], lb2[...]))
    o = _silu(jnp.dot(o, dw3[...], preferred_element_type=jnp.float32)
              + db3[...])
    o = _silu(_ln(o, lg3[...], lb3[...]))
    o = _silu(jnp.dot(o, dw4[...], preferred_element_type=jnp.float32)
              + db4[...])
    out[...] = 1.0 / (1.0 + jnp.exp(-o))


def _full(s1, s2):
  return pl.BlockSpec((s1, s2), lambda g, i: (0, 0))


def _l3(a3p, nd, w3, b3, g3, be3, dw1, db1, lg1, lb1, dw2, db2, lg2, lb2,
        dw3, db3, lg3, lb3, dw4, db4):
  return pl.pallas_call(
      _l3_body,
      grid=(NF // 2, NBLK),
      in_specs=[
          pl.BlockSpec((NC, 4, BN, FC), lambda g, i: (0, g, i, 0)),
          pl.BlockSpec((BN, 1), lambda g, i: (i, 0)),
          _full(256, 512), _full(1, 512), _full(1, 512), _full(1, 512),
          _full(512, 128), _full(1, 128), _full(1, 128), _full(1, 128),
          _full(128, 64), _full(1, 64), _full(1, 64), _full(1, 64),
          _full(64, 16), _full(1, 16), _full(1, 16), _full(1, 16),
          _full(16, 4), _full(1, 4),
      ],
      out_specs=[
          pl.BlockSpec((1, 512), lambda g, i: (0, 0)),
          pl.BlockSpec((1, 4), lambda g, i: (0, 0)),
      ],
      out_shape=[
          jax.ShapeDtypeStruct((1, 512), jnp.float32),
          jax.ShapeDtypeStruct((1, 4), jnp.float32),
      ],
  )(a3p, nd, w3, b3, g3, be3, dw1, db1, lg1, lb1, dw2, db2, lg2, lb2,
    dw3, db3, lg3, lb3, dw4, db4)


_aggd = _make_count()
_agg1 = _make_agg(1, Np)
_agg5 = _make_agg(NF // 2, (NF // 2) * Np)
_agg20 = _make_agg(2 * NF, 2 * NF * Np)



def kernel(x, edge_index, W1, b1, g1, be1, W2, b2, g2, be2, W3, b3, g3, be3,
           DW1, Db1, DW2, Db2, DW3, Db3, DW4, Db4, Lg1, Lb1, Lg2, Lb2,
           Lg3, Lb3):
  src = edge_index[0].reshape(NC, NS, 1, NB, BE)
  dst = edge_index[1].reshape(NC, NS, 1, NB, BE)
  src_p = src[:, :, 0]
  dst_p = dst[:, :, 0]

  ones128 = jnp.ones((BE, FC), jnp.float32)
  zros = jnp.zeros((STRIPE, FC), jnp.float32)
  xp = jnp.zeros((Np, FC), jnp.float32).at[:N, :NF].set(x)

  sd = jnp.concatenate([src, dst], axis=2)
  degp = _aggd(ones128, zros, sd).reshape(NC, 2, Np, FC)

  ns, nd, xs = _prep(degp, xp)

  a1 = _agg1(xs, zros, src_p, dst_p).reshape(NC, 1, Np, FC)
  h1 = _l1(a1, nd, ns, W1, b1.reshape(1, 64), g1.reshape(1, 64),
           be1.reshape(1, 64))

  a2 = _agg5(h1.reshape((NF // 2) * Np, FC), zros, src_p,
             dst_p).reshape(NC, NF // 2, Np, FC)
  h2 = _l2(a2, nd, ns, W2, b2.reshape(1, 256), g2.reshape(1, 256),
           be2.reshape(1, 256))

  a3 = _agg20(h2.reshape(2 * NF * Np, FC), zros, src_p,
              dst_p).reshape(NC, 2 * NF, Np, FC)

  _, out = _l3(a3, nd, W3, b3.reshape(1, 512), g3.reshape(1, 512),
               be3.reshape(1, 512), DW1, Db1.reshape(1, 128),
               Lg1.reshape(1, 128), Lb1.reshape(1, 128), DW2,
               Db2.reshape(1, 64), Lg2.reshape(1, 64), Lb2.reshape(1, 64),
               DW3, Db3.reshape(1, 16), Lg3.reshape(1, 16),
               Lb3.reshape(1, 16), DW4, Db4.reshape(1, 4))
  return out

# --- scband reference (transcript-rebuilt; emitter-appended) ---
"""Pipeline reference for scband-gconv-net-frames-40475771798169 (READ-ONLY COPY).

The authoritative reference and input builder live on the scoring server;
editing this copy changes nothing except your own understanding.
"""

import jax, jax.numpy as jnp
import numpy as np

N_NODES = 10000
N_EDGES = 160000
N_FRAMES = 10


def _layer_norm(h, g, b):
    mu = jnp.mean(h, axis=-1, keepdims=True)
    var = jnp.mean((h - mu) ** 2, axis=-1, keepdims=True)
    return (h - mu) / jnp.sqrt(var + 1e-5) * g + b


def setup_inputs(seed: int = 0) -> dict:
    key = jax.random.key(seed)
    ks = jax.random.split(key, 16)
    x = jax.random.normal(ks[0], (N_NODES, N_FRAMES), dtype=jnp.float32)
    edge_index = jax.random.randint(ks[1], (2, N_EDGES), 0, N_NODES, dtype=jnp.int32)

    def lin(k, fin, fout):
        return jax.random.normal(k, (fin, fout), dtype=jnp.float32) / np.sqrt(fin)

    inp = {"x": x, "edge_index": edge_index}
    gdims = [(1, 64), (64, 256), (256, 512)]
    for i, (fi, fo) in enumerate(gdims, 1):
        inp[f"W{i}"] = lin(ks[1 + i], fi, fo)
        inp[f"b{i}"] = jnp.zeros((fo,), jnp.float32)
        inp[f"g{i}"] = jnp.ones((fo,), jnp.float32)
        inp[f"be{i}"] = jnp.zeros((fo,), jnp.float32)
    ddims = [(512, 128), (128, 64), (64, 16), (16, 4)]
    for i, (fi, fo) in enumerate(ddims, 1):
        inp[f"DW{i}"] = lin(ks[7 + i], fi, fo)
        inp[f"Db{i}"] = jnp.zeros((fo,), jnp.float32)
    for i, d in enumerate([128, 64, 16], 1):
        inp[f"Lg{i}"] = jnp.ones((d,), jnp.float32)
        inp[f"Lb{i}"] = jnp.zeros((d,), jnp.float32)
    return inp


def _forward(x, edge_index, W1, b1, g1, be1, W2, b2, g2, be2, W3, b3, g3, be3,
             DW1, Db1, DW2, Db2, DW3, Db3, DW4, Db4, Lg1, Lb1, Lg2, Lb2, Lg3, Lb3):
    src = edge_index[0]
    dst = edge_index[1]
    N = x.shape[0]
    ones = jnp.ones((src.shape[0],), jnp.float32)
    deg_out = jax.ops.segment_sum(ones, src, num_segments=N)
    deg_in = jax.ops.segment_sum(ones, dst, num_segments=N)
    ns = jnp.maximum(deg_out, 1.0) ** -0.5
    nd = jnp.maximum(deg_in, 1.0) ** -0.5
    act = jax.nn.silu

    def gconv(h, W, b):
        hn = h * ns[:, None]
        agg = jax.ops.segment_sum(hn[src], dst, num_segments=N)
        hd = agg * nd[:, None]
        return act(hd @ W + b)

    convs = []
    for i in range(x.shape[1]):
        h = x[:, i:i + 1]
        h = _layer_norm(gconv(h, W1, b1), g1, be1)
        h = _layer_norm(gconv(h, W2, b2), g2, be2)
        h = _layer_norm(gconv(h, W3, b3), g3, be3)
        convs.append(h)
    feat = jnp.stack(convs, axis=0)
    max_frame = jnp.max(feat, axis=0)
    out = jnp.max(max_frame, axis=0)
    out = act(out @ DW1 + Db1)
    out = act(_layer_norm(out, Lg1, Lb1))
    out = act(out @ DW2 + Db2)
    out = act(_layer_norm(out, Lg2, Lb2))
    out = act(out @ DW3 + Db3)
    out = act(_layer_norm(out, Lg3, Lb3))
    out = act(out @ DW4 + Db4)
    return jax.nn.sigmoid(out.reshape(1, 4))


def reference(x, edge_index, W1, b1, g1, be1, W2, b2, g2, be2, W3, b3, g3, be3,
              DW1, Db1, DW2, Db2, DW3, Db3, DW4, Db4, Lg1, Lb1, Lg2, Lb2, Lg3, Lb3):
    return _forward(x, edge_index, W1, b1, g1, be1, W2, b2, g2, be2, W3, b3, g3, be3,
                    DW1, Db1, DW2, Db2, DW3, Db3, DW4, Db4, Lg1, Lb1, Lg2, Lb2, Lg3, Lb3)

if __name__ == "__main__":
    import jax
    _d = setup_inputs()
    print(jax.jit(kernel)(*tuple(_d.values())))

</pallas_src>

<mosaic_0001>
#map = affine_map<(d0, d1) -> (0, 0)>
#map1 = affine_map<(d0, d1) -> (0, 0, 0, 0, 0)>
#map2 = affine_map<(d0, d1) -> (0, 0, 0)>
module attributes {stable_mosaic.version = 14 : i64} {
  func.func @count(%arg0: i32, %arg1: i32, %arg2: memref<125x128xf32, #tpu.memory_space<hbm>>, %arg3: memref<640x128xf32, #tpu.memory_space<hbm>>, %arg4: memref<2x16x2x40x125xi32, #tpu.memory_space<hbm>>, %arg5: memref<2x20480x128xf32, #tpu.memory_space<hbm>>, %arg6: memref<40x125xi32, #tpu.memory_space<vmem>>, %arg7: memref<125x128xf32, #tpu.memory_space<vmem>>, %arg8: memref<10240x128xf32, #tpu.memory_space<vmem_shared>>, %arg9: memref<!tpu.dma_semaphore, #tpu.memory_space<semaphore_mem>>) attributes {dimension_semantics = [#tpu.dimension_semantics<core_parallel>, #tpu.dimension_semantics<subcore_parallel>], iteration_bounds = array<i64: 2, 16>, scalar_prefetch = 0 : i64, scratch_operands = 4 : i64, tpu.core_type = #tpu.core_type<sc_vector_subcore>, window_params = [{transform_indices = #map}, {transform_indices = #map}, {transform_indices = #map1}, {transform_indices = #map2}]} {
    "tpu.region"() ({
      %run_scoped3A = tpu.sem_alloc : memref<!tpu.dma_semaphore, #tpu.memory_space<semaphore_mem>>
      tpu.enqueue_dma source(%arg2 : memref<125x128xf32, #tpu.memory_space<hbm>>) target(%arg7 : memref<125x128xf32, #tpu.memory_space<vmem>>) target_semaphore(%run_scoped3A : memref<!tpu.dma_semaphore, #tpu.memory_space<semaphore_mem>>)
      tpu.wait_dma2 semaphore(%run_scoped3A : memref<!tpu.dma_semaphore, #tpu.memory_space<semaphore_mem>>) src(%arg2 : memref<125x128xf32, #tpu.memory_space<hbm>>) dst(%arg7 : memref<125x128xf32, #tpu.memory_space<vmem>>)
      tpu.yield
    }) : () -> ()
    %scan3A = arith.constant 0 : i32
    %scan3A_0 = arith.constant 0 : i32
    %scan3A_1 = arith.constant 2 : i32
    %scan3A_2 = arith.addi %scan3A_0, %scan3A_1 : i32
    %scan3A_3 = arith.constant 1 : i32
    scf.for %scan3A_5 = %scan3A_0 to %scan3A_2 step %scan3A_3  : i32 {
      "tpu.region"() ({
        %run_scoped3A = tpu.sem_alloc : memref<!tpu.dma_semaphore, #tpu.memory_space<semaphore_mem>>
        %dma_start3A = arith.constant 0 : i32
        %dma_start3A_26 = arith.constant 0 : i32
        %dma_start3A_27 = tpu.memref_slice %arg4[%arg0, %arg1, %scan3A_5, %dma_start3A, %dma_start3A_26] : memref<2x16x2x40x125xi32, #tpu.memory_space<hbm>> -> memref<1x1x1x40x125xi32, #tpu.memory_space<hbm>>
        %dma_start3A_28 = tpu.memref_squeeze %dma_start3A_27 : memref<1x1x1x40x125xi32, #tpu.memory_space<hbm>> -> memref<40x125xi32, #tpu.memory_space<hbm>>
        %dma_start3A_29 = arith.constant 0 : i32
        %dma_start3A_30 = arith.constant 0 : i32
        %dma_start3A_31 = tpu.memref_slice %arg4[%arg0, %arg1, %scan3A_5, %dma_start3A_29, %dma_start3A_30] : memref<2x16x2x40x125xi32, #tpu.memory_space<hbm>> -> memref<1x1x1x40x125xi32, #tpu.memory_space<hbm>>
        %dma_start3A_32 = tpu.memref_squeeze %dma_start3A_31 : memref<1x1x1x40x125xi32, #tpu.memory_space<hbm>> -> memref<40x125xi32, #tpu.memory_space<hbm>>
        tpu.enqueue_dma source(%dma_start3A_32 : memref<40x125xi32, #tpu.memory_space<hbm>>) target(%arg6 : memref<40x125xi32, #tpu.memory_space<vmem>>) target_semaphore(%run_scoped3A : memref<!tpu.dma_semaphore, #tpu.memory_space<semaphore_mem>>)
        %dma_wait3A = arith.constant 0 : i32
        %dma_wait3A_33 = arith.constant 0 : i32
        %dma_wait3A_34 = tpu.memref_slice %arg4[%arg0, %arg1, %scan3A_5, %dma_wait3A, %dma_wait3A_33] : memref<2x16x2x40x125xi32, #tpu.memory_space<hbm>> -> memref<1x1x1x40x125xi32, #tpu.memory_space<hbm>>
        %dma_wait3A_35 = tpu.memref_squeeze %dma_wait3A_34 : memref<1x1x1x40x125xi32, #tpu.memory_space<hbm>> -> memref<40x125xi32, #tpu.memory_space<hbm>>
        %dma_wait3A_36 = arith.constant 0 : i32
        %dma_wait3A_37 = arith.constant 0 : i32
        %dma_wait3A_38 = tpu.memref_slice %arg4[%arg0, %arg1, %scan3A_5, %dma_wait3A_36, %dma_wait3A_37] : memref<2x16x2x40x125xi32, #tpu.memory_space<hbm>> -> memref<1x1x1x40x125xi32, #tpu.memory_space<hbm>>
        %dma_wait3A_39 = tpu.memref_squeeze %dma_wait3A_38 : memref<1x1x1x40x125xi32, #tpu.memory_space<hbm>> -> memref<40x125xi32, #tpu.memory_space<hbm>>
        tpu.wait_dma2 semaphore(%run_scoped3A : memref<!tpu.dma_semaphore, #tpu.memory_space<semaphore_mem>>) src(%dma_wait3A_39 : memref<40x125xi32, #tpu.memory_space<hbm>>) dst(%arg6 : memref<40x125xi32, #tpu.memory_space<vmem>>)
        tpu.yield
      }) : () -> ()
      %mul3A = arith.constant 640 : i32
      %mul3A_6 = arith.muli %arg1, %mul3A : i32
      "tpu.region"() ({
        %run_scoped3A = tpu.sem_alloc : memref<!tpu.dma_semaphore, #tpu.memory_space<semaphore_mem>>
        %dma_start3A = arith.constant 0 : i32
        %dma_start3A_26 = tpu.memref_slice %arg8[%mul3A_6, %dma_start3A] : memref<10240x128xf32, #tpu.memory_space<vmem_shared>> -> memref<640x128xf32, #tpu.memory_space<vmem_shared>>
        tpu.enqueue_dma source(%arg3 : memref<640x128xf32, #tpu.memory_space<hbm>>) target(%dma_start3A_26 : memref<640x128xf32, #tpu.memory_space<vmem_shared>>) target_semaphore(%run_scoped3A : memref<!tpu.dma_semaphore, #tpu.memory_space<semaphore_mem>>)
        %dma_wait3A = arith.constant 0 : i32
        %dma_wait3A_27 = tpu.memref_slice %arg8[%mul3A_6, %dma_wait3A] : memref<10240x128xf32, #tpu.memory_space<vmem_shared>> -> memref<640x128xf32, #tpu.memory_space<vmem_shared>>
        tpu.wait_dma2 semaphore(%run_scoped3A : memref<!tpu.dma_semaphore, #tpu.memory_space<semaphore_mem>>) src(%arg3 : memref<640x128xf32, #tpu.memory_space<hbm>>) dst(%dma_wait3A_27 : memref<640x128xf32, #tpu.memory_space<vmem_shared>>)
        tpu.yield
      }) : () -> ()
      %barrier3A = arith.constant 0 : index
      tpu.barrier barrier_id(%barrier3A)
      %scan3A_7 = arith.constant 0 : i32
      %scan3A_8 = arith.constant 0 : i32
      %scan3A_9 = arith.constant 40 : i32
      %scan3A_10 = arith.addi %scan3A_8, %scan3A_9 : i32
      %scan3A_11 = arith.constant 1 : i32
      scf.for %scan3A_26 = %scan3A_8 to %scan3A_10 step %scan3A_11  : i32 {
        %dma_start3A = arith.constant 0 : i32
        %dma_start3A_27 = tpu.memref_slice %arg6[%scan3A_26, %dma_start3A] : memref<40x125xi32, #tpu.memory_space<vmem>> -> memref<1x125xi32, #tpu.memory_space<vmem>>
        %dma_start3A_28 = tpu.memref_squeeze %dma_start3A_27 : memref<1x125xi32, #tpu.memory_space<vmem>> -> memref<125xi32, #tpu.memory_space<vmem>>
        %dma_start3A_29 = arith.constant 0 : i32
        %dma_start3A_30 = arith.constant 0 : i32
        %dma_start3A_31 = tpu.memref_slice %arg8[%dma_start3A_29, %dma_start3A_30] : memref<10240x128xf32, #tpu.memory_space<vmem_shared>> -> memref<10240x128xf32, #tpu.memory_space<vmem_shared>>
        tpu.enqueue_indirect_dma source(%arg7 : memref<125x128xf32, #tpu.memory_space<vmem>>) target(%dma_start3A_31 : memref<10240x128xf32, #tpu.memory_space<vmem_shared>>) offsets(%dma_start3A_28 : memref<125xi32, #tpu.memory_space<vmem>>) semaphore(%arg9 : memref<!tpu.dma_semaphore, #tpu.memory_space<semaphore_mem>>) {add = true}
      }
      %scan3A_12 = arith.constant 40 : i32
      %scan3A_13 = arith.constant 0 : i32
      %scan3A_14 = arith.constant 0 : i32
      %scan3A_15 = arith.constant 40 : i32
      %scan3A_16 = arith.addi %scan3A_14, %scan3A_15 : i32
      %scan3A_17 = arith.constant 1 : i32
      scf.for %scan3A_26 = %scan3A_14 to %scan3A_16 step %scan3A_17  : i32 {
        %dma_wait3A = arith.constant 0 : i32
        %dma_wait3A_27 = arith.constant 0 : i32
        %dma_wait3A_28 = tpu.memref_slice %arg6[%dma_wait3A, %dma_wait3A_27] : memref<40x125xi32, #tpu.memory_space<vmem>> -> memref<1x125xi32, #tpu.memory_space<vmem>>
        %dma_wait3A_29 = tpu.memref_squeeze %dma_wait3A_28 : memref<1x125xi32, #tpu.memory_space<vmem>> -> memref<125xi32, #tpu.memory_space<vmem>>
        %dma_wait3A_30 = arith.constant 0 : i32
        %dma_wait3A_31 = arith.constant 0 : i32
        %dma_wait3A_32 = tpu.memref_slice %arg8[%dma_wait3A_30, %dma_wait3A_31] : memref<10240x128xf32, #tpu.memory_space<vmem_shared>> -> memref<10240x128xf32, #tpu.memory_space<vmem_shared>>
        tpu.wait_indirect_dma semaphore(%arg9 : memref<!tpu.dma_semaphore, #tpu.memory_space<semaphore_mem>>) src(%arg7 : memref<125x128xf32, #tpu.memory_space<vmem>>) dst(%dma_wait3A_32 : memref<10240x128xf32, #tpu.memory_space<vmem_shared>>)
      }
      %scan3A_18 = arith.constant 40 : i32
      %barrier3A_19 = arith.constant 0 : index
      tpu.barrier barrier_id(%barrier3A_19)
      %mul3A_20 = arith.constant 640 : i32
      %mul3A_21 = arith.muli %arg1, %mul3A_20 : i32
      %mul3A_22 = arith.constant 10240 : i32
      %mul3A_23 = arith.muli %scan3A_5, %mul3A_22 : i32
      %mul3A_24 = arith.constant 640 : i32
      %mul3A_25 = arith.muli %arg1, %mul3A_24 : i32
      %add3A = arith.addi %mul3A_23, %mul3A_25 : i32
      "tpu.region"() ({
        %run_scoped3A = tpu.sem_alloc : memref<!tpu.dma_semaphore, #tpu.memory_space<semaphore_mem>>
        %dma_start3A = arith.constant 0 : i32
        %dma_start3A_26 = tpu.memref_slice %arg5[%arg0, %add3A, %dma_start3A] : memref<2x20480x128xf32, #tpu.memory_space<hbm>> -> memref<1x640x128xf32, #tpu.memory_space<hbm>>
        %dma_start3A_27 = tpu.memref_squeeze %dma_start3A_26 : memref<1x640x128xf32, #tpu.memory_space<hbm>> -> memref<640x128xf32, #tpu.memory_space<hbm>>
        %dma_start3A_28 = arith.constant 0 : i32
        %dma_start3A_29 = tpu.memref_slice %arg8[%mul3A_21, %dma_start3A_28] : memref<10240x128xf32, #tpu.memory_space<vmem_shared>> -> memref<640x128xf32, #tpu.memory_space<vmem_shared>>
        tpu.enqueue_dma source(%dma_start3A_29 : memref<640x128xf32, #tpu.memory_space<vmem_shared>>) target(%dma_start3A_27 : memref<640x128xf32, #tpu.memory_space<hbm>>) target_semaphore(%run_scoped3A : memref<!tpu.dma_semaphore, #tpu.memory_space<semaphore_mem>>)
        %dma_wait3A = arith.constant 0 : i32
        %dma_wait3A_30 = tpu.memref_slice %arg5[%arg0, %add3A, %dma_wait3A] : memref<2x20480x128xf32, #tpu.memory_space<hbm>> -> memref<1x640x128xf32, #tpu.memory_space<hbm>>
        %dma_wait3A_31 = tpu.memref_squeeze %dma_wait3A_30 : memref<1x640x128xf32, #tpu.memory_space<hbm>> -> memref<640x128xf32, #tpu.memory_space<hbm>>
        %dma_wait3A_32 = arith.constant 0 : i32
        %dma_wait3A_33 = tpu.memref_slice %arg8[%mul3A_21, %dma_wait3A_32] : memref<10240x128xf32, #tpu.memory_space<vmem_shared>> -> memref<640x128xf32, #tpu.memory_space<vmem_shared>>
        tpu.wait_dma2 semaphore(%run_scoped3A : memref<!tpu.dma_semaphore, #tpu.memory_space<semaphore_mem>>) src(%dma_wait3A_33 : memref<640x128xf32, #tpu.memory_space<vmem_shared>>) dst(%dma_wait3A_31 : memref<640x128xf32, #tpu.memory_space<hbm>>)
        tpu.yield
      }) : () -> ()
    }
    %scan3A_4 = arith.constant 2 : i32
    return
  }
}

#map = affine_map<(d0, d1) -> (0, 0)>
#map1 = affine_map<(d0, d1) -> (0, 0, 0, 0)>
#map2 = affine_map<(d0, d1) -> (0, 0, 0)>
module attributes {stable_mosaic.version = 14 : i64} {
  func.func @agg(%arg0: i32, %arg1: i32, %arg2: memref<51200x128xf32, #tpu.memory_space<hbm>>, %arg3: memref<640x128xf32, #tpu.memory_space<hbm>>, %arg4: memref<2x16x40x125xi32, #tpu.memory_space<hbm>>, %arg5: memref<2x16x40x125xi32, #tpu.memory_space<hbm>>, %arg6: memref<2x51200x128xf32, #tpu.memory_space<hbm>>, %arg7: memref<40x125xi32, #tpu.memory_space<vmem>>, %arg8: memref<40x125xi32, #tpu.memory_space<vmem>>, %arg9: memref<125x128xf32, #tpu.memory_space<vmem>>, %arg10: memref<125x128xf32, #tpu.memory_space<vmem>>, %arg11: memref<10240x128xf32, #tpu.memory_space<vmem_shared>>, %arg12: memref<!tpu.dma_semaphore, #tpu.memory_space<semaphore_mem>>, %arg13: memref<!tpu.dma_semaphore, #tpu.memory_space<semaphore_mem>>, %arg14: memref<!tpu.dma_semaphore, #tpu.memory_space<semaphore_mem>>, %arg15: memref<!tpu.dma_semaphore, #tpu.memory_space<semaphore_mem>>) attributes {dimension_semantics = [#tpu.dimension_semantics<core_parallel>, #tpu.dimension_semantics<subcore_parallel>], iteration_bounds = array<i64: 2, 16>, scalar_prefetch = 0 : i64, scratch_operands = 9 : i64, tpu.core_type = #tpu.core_type<sc_vector_subcore>, window_params = [{transform_indices = #map}, {transform_indices = #map}, {transform_indices = #map1}, {transform_indices = #map1}, {transform_indices = #map2}]} {
    "tpu.region"() ({
      %run_scoped3A = tpu.sem_alloc : memref<!tpu.dma_semaphore, #tpu.memory_space<semaphore_mem>>
      %dma_start3A = arith.constant 0 : i32
      %dma_start3A_5 = arith.constant 0 : i32
      %dma_start3A_6 = tpu.memref_slice %arg4[%arg0, %arg1, %dma_start3A, %dma_start3A_5] : memref<2x16x40x125xi32, #tpu.memory_space<hbm>> -> memref<1x1x40x125xi32, #tpu.memory_space<hbm>>
      %dma_start3A_7 = tpu.memref_squeeze %dma_start3A_6 : memref<1x1x40x125xi32, #tpu.memory_space<hbm>> -> memref<40x125xi32, #tpu.memory_space<hbm>>
      %dma_start3A_8 = arith.constant 0 : i32
      %dma_start3A_9 = arith.constant 0 : i32
      %dma_start3A_10 = tpu.memref_slice %arg4[%arg0, %arg1, %dma_start3A_8, %dma_start3A_9] : memref<2x16x40x125xi32, #tpu.memory_space<hbm>> -> memref<1x1x40x125xi32, #tpu.memory_space<hbm>>
      %dma_start3A_11 = tpu.memref_squeeze %dma_start3A_10 : memref<1x1x40x125xi32, #tpu.memory_space<hbm>> -> memref<40x125xi32, #tpu.memory_space<hbm>>
      tpu.enqueue_dma source(%dma_start3A_11 : memref<40x125xi32, #tpu.memory_space<hbm>>) target(%arg7 : memref<40x125xi32, #tpu.memory_space<vmem>>) target_semaphore(%run_scoped3A : memref<!tpu.dma_semaphore, #tpu.memory_space<semaphore_mem>>)
      %dma_wait3A = arith.constant 0 : i32
      %dma_wait3A_12 = arith.constant 0 : i32
      %dma_wait3A_13 = tpu.memref_slice %arg4[%arg0, %arg1, %dma_wait3A, %dma_wait3A_12] : memref<2x16x40x125xi32, #tpu.memory_space<hbm>> -> memref<1x1x40x125xi32, #tpu.memory_space<hbm>>
      %dma_wait3A_14 = tpu.memref_squeeze %dma_wait3A_13 : memref<1x1x40x125xi32, #tpu.memory_space<hbm>> -> memref<40x125xi32, #tpu.memory_space<hbm>>
      %dma_wait3A_15 = arith.constant 0 : i32
      %dma_wait3A_16 = arith.constant 0 : i32
      %dma_wait3A_17 = tpu.memref_slice %arg4[%arg0, %arg1, %dma_wait3A_15, %dma_wait3A_16] : memref<2x16x40x125xi32, #tpu.memory_space<hbm>> -> memref<1x1x40x125xi32, #tpu.memory_space<hbm>>
      %dma_wait3A_18 = tpu.memref_squeeze %dma_wait3A_17 : memref<1x1x40x125xi32, #tpu.memory_space<hbm>> -> memref<40x125xi32, #tpu.memory_space<hbm>>
      tpu.wait_dma2 semaphore(%run_scoped3A : memref<!tpu.dma_semaphore, #tpu.memory_space<semaphore_mem>>) src(%dma_wait3A_18 : memref<40x125xi32, #tpu.memory_space<hbm>>) dst(%arg7 : memref<40x125xi32, #tpu.memory_space<vmem>>)
      tpu.yield
    }) : () -> ()
    "tpu.region"() ({
      %run_scoped3A = tpu.sem_alloc : memref<!tpu.dma_semaphore, #tpu.memory_space<semaphore_mem>>
      %dma_start3A = arith.constant 0 : i32
      %dma_start3A_5 = arith.constant 0 : i32
      %dma_start3A_6 = tpu.memref_slice %arg5[%arg0, %arg1, %dma_start3A, %dma_start3A_5] : memref<2x16x40x125xi32, #tpu.memory_space<hbm>> -> memref<1x1x40x125xi32, #tpu.memory_space<hbm>>
      %dma_start3A_7 = tpu.memref_squeeze %dma_start3A_6 : memref<1x1x40x125xi32, #tpu.memory_space<hbm>> -> memref<40x125xi32, #tpu.memory_space<hbm>>
      %dma_start3A_8 = arith.constant 0 : i32
      %dma_start3A_9 = arith.constant 0 : i32
      %dma_start3A_10 = tpu.memref_slice %arg5[%arg0, %arg1, %dma_start3A_8, %dma_start3A_9] : memref<2x16x40x125xi32, #tpu.memory_space<hbm>> -> memref<1x1x40x125xi32, #tpu.memory_space<hbm>>
      %dma_start3A_11 = tpu.memref_squeeze %dma_start3A_10 : memref<1x1x40x125xi32, #tpu.memory_space<hbm>> -> memref<40x125xi32, #tpu.memory_space<hbm>>
      tpu.enqueue_dma source(%dma_start3A_11 : memref<40x125xi32, #tpu.memory_space<hbm>>) target(%arg8 : memref<40x125xi32, #tpu.memory_space<vmem>>) target_semaphore(%run_scoped3A : memref<!tpu.dma_semaphore, #tpu.memory_space<semaphore_mem>>)
      %dma_wait3A = arith.constant 0 : i32
      %dma_wait3A_12 = arith.constant 0 : i32
      %dma_wait3A_13 = tpu.memref_slice %arg5[%arg0, %arg1, %dma_wait3A, %dma_wait3A_12] : memref<2x16x40x125xi32, #tpu.memory_space<hbm>> -> memref<1x1x40x125xi32, #tpu.memory_space<hbm>>
      %dma_wait3A_14 = tpu.memref_squeeze %dma_wait3A_13 : memref<1x1x40x125xi32, #tpu.memory_space<hbm>> -> memref<40x125xi32, #tpu.memory_space<hbm>>
      %dma_wait3A_15 = arith.constant 0 : i32
      %dma_wait3A_16 = arith.constant 0 : i32
      %dma_wait3A_17 = tpu.memref_slice %arg5[%arg0, %arg1, %dma_wait3A_15, %dma_wait3A_16] : memref<2x16x40x125xi32, #tpu.memory_space<hbm>> -> memref<1x1x40x125xi32, #tpu.memory_space<hbm>>
      %dma_wait3A_18 = tpu.memref_squeeze %dma_wait3A_17 : memref<1x1x40x125xi32, #tpu.memory_space<hbm>> -> memref<40x125xi32, #tpu.memory_space<hbm>>
      tpu.wait_dma2 semaphore(%run_scoped3A : memref<!tpu.dma_semaphore, #tpu.memory_space<semaphore_mem>>) src(%dma_wait3A_18 : memref<40x125xi32, #tpu.memory_space<hbm>>) dst(%arg8 : memref<40x125xi32, #tpu.memory_space<vmem>>)
      tpu.yield
    }) : () -> ()
    %scan3A = arith.constant 0 : i32
    %scan3A_0 = arith.constant 0 : i32
    %scan3A_1 = arith.constant 5 : i32
    %scan3A_2 = arith.addi %scan3A_0, %scan3A_1 : i32
    %scan3A_3 = arith.constant 1 : i32
    scf.for %scan3A_5 = %scan3A_0 to %scan3A_2 step %scan3A_3  : i32 {
      %mul3A = arith.constant 10240 : i32
      %mul3A_6 = arith.muli %scan3A_5, %mul3A : i32
      %mul3A_7 = arith.constant 640 : i32
      %mul3A_8 = arith.muli %arg1, %mul3A_7 : i32
      "tpu.region"() ({
        %run_scoped3A = tpu.sem_alloc : memref<!tpu.dma_semaphore, #tpu.memory_space<semaphore_mem>>
        %dma_start3A_30 = arith.constant 0 : i32
        %dma_start3A_31 = tpu.memref_slice %arg11[%mul3A_8, %dma_start3A_30] : memref<10240x128xf32, #tpu.memory_space<vmem_shared>> -> memref<640x128xf32, #tpu.memory_space<vmem_shared>>
        tpu.enqueue_dma source(%arg3 : memref<640x128xf32, #tpu.memory_space<hbm>>) target(%dma_start3A_31 : memref<640x128xf32, #tpu.memory_space<vmem_shared>>) target_semaphore(%run_scoped3A : memref<!tpu.dma_semaphore, #tpu.memory_space<semaphore_mem>>)
        %dma_wait3A = arith.constant 0 : i32
        %dma_wait3A_32 = tpu.memref_slice %arg11[%mul3A_8, %dma_wait3A] : memref<10240x128xf32, #tpu.memory_space<vmem_shared>> -> memref<640x128xf32, #tpu.memory_space<vmem_shared>>
        tpu.wait_dma2 semaphore(%run_scoped3A : memref<!tpu.dma_semaphore, #tpu.memory_space<semaphore_mem>>) src(%arg3 : memref<640x128xf32, #tpu.memory_space<hbm>>) dst(%dma_wait3A_32 : memref<640x128xf32, #tpu.memory_space<vmem_shared>>)
        tpu.yield
      }) : () -> ()
      %barrier3A = arith.constant 0 : index
      tpu.barrier barrier_id(%barrier3A)
      %dma_start3A = arith.constant 0 : i32
      %dma_start3A_9 = arith.constant 0 : i32
      %dma_start3A_10 = tpu.memref_slice %arg7[%dma_start3A, %dma_start3A_9] : memref<40x125xi32, #tpu.memory_space<vmem>> -> memref<1x125xi32, #tpu.memory_space<vmem>>
      %dma_start3A_11 = tpu.memref_squeeze %dma_start3A_10 : memref<1x125xi32, #tpu.memory_space<vmem>> -> memref<125xi32, #tpu.memory_space<vmem>>
      %dma_start3A_12 = arith.constant 0 : i32
      %dma_start3A_13 = tpu.memref_slice %arg2[%mul3A_6, %dma_start3A_12] : memref<51200x128xf32, #tpu.memory_space<hbm>> -> memref<10240x128xf32, #tpu.memory_space<hbm>>
      %dma_start3A_14 = arith.constant 0 : i32
      %dma_start3A_15 = arith.constant 0 : i32
      %dma_start3A_16 = tpu.memref_slice %dma_start3A_13[%dma_start3A_14, %dma_start3A_15] : memref<10240x128xf32, #tpu.memory_space<hbm>> -> memref<10240x128xf32, #tpu.memory_space<hbm>>
      tpu.enqueue_indirect_dma source(%dma_start3A_16 : memref<10240x128xf32, #tpu.memory_space<hbm>>) target(%arg9 : memref<125x128xf32, #tpu.memory_space<vmem>>) offsets(%dma_start3A_11 : memref<125xi32, #tpu.memory_space<vmem>>) semaphore(%arg12 : memref<!tpu.dma_semaphore, #tpu.memory_space<semaphore_mem>>)
      %scan3A_17 = arith.constant 0 : i32
      %scan3A_18 = arith.constant 0 : i32
      %scan3A_19 = arith.constant 20 : i32
      %scan3A_20 = arith.addi %scan3A_18, %scan3A_19 : i32
      %scan3A_21 = arith.constant 1 : i32
      scf.for %scan3A_30 = %scan3A_18 to %scan3A_20 step %scan3A_21  : i32 {
        %mul3A_31 = arith.constant 2 : i32
        %mul3A_32 = arith.muli %mul3A_31, %scan3A_30 : i32
        %add3A_33 = arith.constant 1 : i32
        %add3A_34 = arith.addi %mul3A_32, %add3A_33 : i32
        %add3A_35 = arith.constant 2 : i32
        %add3A_36 = arith.addi %mul3A_32, %add3A_35 : i32
        %dma_start3A_37 = arith.constant 0 : i32
        %dma_start3A_38 = tpu.memref_slice %arg7[%add3A_34, %dma_start3A_37] : memref<40x125xi32, #tpu.memory_space<vmem>> -> memref<1x125xi32, #tpu.memory_space<vmem>>
        %dma_start3A_39 = tpu.memref_squeeze %dma_start3A_38 : memref<1x125xi32, #tpu.memory_space<vmem>> -> memref<125xi32, #tpu.memory_space<vmem>>
        %dma_start3A_40 = arith.constant 0 : i32
        %dma_start3A_41 = tpu.memref_slice %arg2[%mul3A_6, %dma_start3A_40] : memref<51200x128xf32, #tpu.memory_space<hbm>> -> memref<10240x128xf32, #tpu.memory_space<hbm>>
        %dma_start3A_42 = arith.constant 0 : i32
        %dma_start3A_43 = arith.constant 0 : i32
        %dma_start3A_44 = tpu.memref_slice %dma_start3A_41[%dma_start3A_42, %dma_start3A_43] : memref<10240x128xf32, #tpu.memory_space<hbm>> -> memref<10240x128xf32, #tpu.memory_space<hbm>>
        tpu.enqueue_indirect_dma source(%dma_start3A_44 : memref<10240x128xf32, #tpu.memory_space<hbm>>) target(%arg10 : memref<125x128xf32, #tpu.memory_space<vmem>>) offsets(%dma_start3A_39 : memref<125xi32, #tpu.memory_space<vmem>>) semaphore(%arg13 : memref<!tpu.dma_semaphore, #tpu.memory_space<semaphore_mem>>)
        %dma_wait3A = arith.constant 0 : i32
        %dma_wait3A_45 = tpu.memref_slice %arg7[%mul3A_32, %dma_wait3A] : memref<40x125xi32, #tpu.memory_space<vmem>> -> memref<1x125xi32, #tpu.memory_space<vmem>>
        %dma_wait3A_46 = tpu.memref_squeeze %dma_wait3A_45 : memref<1x125xi32, #tpu.memory_space<vmem>> -> memref<125xi32, #tpu.memory_space<vmem>>
        %dma_wait3A_47 = arith.constant 0 : i32
        %dma_wait3A_48 = tpu.memref_slice %arg2[%mul3A_6, %dma_wait3A_47] : memref<51200x128xf32, #tpu.memory_space<hbm>> -> memref<10240x128xf32, #tpu.memory_space<hbm>>
        %dma_wait3A_49 = arith.constant 0 : i32
        %dma_wait3A_50 = arith.constant 0 : i32
        %dma_wait3A_51 = tpu.memref_slice %dma_wait3A_48[%dma_wait3A_49, %dma_wait3A_50] : memref<10240x128xf32, #tpu.memory_space<hbm>> -> memref<10240x128xf32, #tpu.memory_space<hbm>>
        tpu.wait_indirect_dma semaphore(%arg12 : memref<!tpu.dma_semaphore, #tpu.memory_space<semaphore_mem>>) src(%dma_wait3A_51 : memref<10240x128xf32, #tpu.memory_space<hbm>>) dst(%arg9 : memref<125x128xf32, #tpu.memory_space<vmem>>)
        "tpu.region"() ({
          %run_scoped3A = tpu.sem_alloc : memref<!tpu.dma_semaphore, #tpu.memory_space<semaphore_mem>>
          %dma_start3A_62 = arith.constant 0 : i32
          %dma_start3A_63 = tpu.memref_slice %arg8[%mul3A_32, %dma_start3A_62] : memref<40x125xi32, #tpu.memory_space<vmem>> -> memref<1x125xi32, #tpu.memory_space<vmem>>
          %dma_start3A_64 = tpu.memref_squeeze %dma_start3A_63 : memref<1x125xi32, #tpu.memory_space<vmem>> -> memref<125xi32, #tpu.memory_space<vmem>>
          %dma_start3A_65 = arith.constant 0 : i32
          %dma_start3A_66 = arith.constant 0 : i32
          %dma_start3A_67 = tpu.memref_slice %arg11[%dma_start3A_65, %dma_start3A_66] : memref<10240x128xf32, #tpu.memory_space<vmem_shared>> -> memref<10240x128xf32, #tpu.memory_space<vmem_shared>>
          tpu.enqueue_indirect_dma source(%arg9 : memref<125x128xf32, #tpu.memory_space<vmem>>) target(%dma_start3A_67 : memref<10240x128xf32, #tpu.memory_space<vmem_shared>>) offsets(%dma_start3A_64 : memref<125xi32, #tpu.memory_space<vmem>>) semaphore(%run_scoped3A : memref<!tpu.dma_semaphore, #tpu.memory_space<semaphore_mem>>) {add = true}
          %dma_wait3A_68 = arith.constant 0 : i32
          %dma_wait3A_69 = tpu.memref_slice %arg8[%mul3A_32, %dma_wait3A_68] : memref<40x125xi32, #tpu.memory_space<vmem>> -> memref<1x125xi32, #tpu.memory_space<vmem>>
          %dma_wait3A_70 = tpu.memref_squeeze %dma_wait3A_69 : memref<1x125xi32, #tpu.memory_space<vmem>> -> memref<125xi32, #tpu.memory_space<vmem>>
          %dma_wait3A_71 = arith.constant 0 : i32
          %dma_wait3A_72 = arith.constant 0 : i32
          %dma_wait3A_73 = tpu.memref_slice %arg11[%dma_wait3A_71, %dma_wait3A_72] : memref<10240x128xf32, #tpu.memory_space<vmem_shared>> -> memref<10240x128xf32, #tpu.memory_space<vmem_shared>>
          tpu.wait_indirect_dma semaphore(%run_scoped3A : memref<!tpu.dma_semaphore, #tpu.memory_space<semaphore_mem>>) src(%arg9 : memref<125x128xf32, #tpu.memory_space<vmem>>) dst(%dma_wait3A_73 : memref<10240x128xf32, #tpu.memory_space<vmem_shared>>)
          tpu.yield
        }) : () -> ()
        %lt3A = arith.constant 40 : i32
        %lt3A_52 = arith.cmpi slt, %add3A_36, %lt3A : i32
        %convert_element_type3A = arith.extui %lt3A_52 : i1 to i32
        %cond3A = arith.constant 0 : i32
        %cond3A_53 = arith.cmpi ne, %convert_element_type3A, %cond3A : i32
        scf.if %cond3A_53 {
          %dma_start3A_62 = arith.constant 0 : i32
          %dma_start3A_63 = tpu.memref_slice %arg7[%add3A_36, %dma_start3A_62] : memref<40x125xi32, #tpu.memory_space<vmem>> -> memref<1x125xi32, #tpu.memory_space<vmem>>
          %dma_start3A_64 = tpu.memref_squeeze %dma_start3A_63 : memref<1x125xi32, #tpu.memory_space<vmem>> -> memref<125xi32, #tpu.memory_space<vmem>>
          %dma_start3A_65 = arith.constant 0 : i32
          %dma_start3A_66 = tpu.memref_slice %arg2[%mul3A_6, %dma_start3A_65] : memref<51200x128xf32, #tpu.memory_space<hbm>> -> memref<10240x128xf32, #tpu.memory_space<hbm>>
          %dma_start3A_67 = arith.constant 0 : i32
          %dma_start3A_68 = arith.constant 0 : i32
          %dma_start3A_69 = tpu.memref_slice %dma_start3A_66[%dma_start3A_67, %dma_start3A_68] : memref<10240x128xf32, #tpu.memory_space<hbm>> -> memref<10240x128xf32, #tpu.memory_space<hbm>>
          tpu.enqueue_indirect_dma source(%dma_start3A_69 : memref<10240x128xf32, #tpu.memory_space<hbm>>) target(%arg9 : memref<125x128xf32, #tpu.memory_space<vmem>>) offsets(%dma_start3A_64 : memref<125xi32, #tpu.memory_space<vmem>>) semaphore(%arg12 : memref<!tpu.dma_semaphore, #tpu.memory_space<semaphore_mem>>)
        } else {
        }
        %dma_wait3A_54 = arith.constant 0 : i32
        %dma_wait3A_55 = tpu.memref_slice %arg7[%add3A_34, %dma_wait3A_54] : memref<40x125xi32, #tpu.memory_space<vmem>> -> memref<1x125xi32, #tpu.memory_space<vmem>>
        %dma_wait3A_56 = tpu.memref_squeeze %dma_wait3A_55 : memref<1x125xi32, #tpu.memory_space<vmem>> -> memref<125xi32, #tpu.memory_space<vmem>>
        %dma_wait3A_57 = arith.constant 0 : i32
        %dma_wait3A_58 = tpu.memref_slice %arg2[%mul3A_6, %dma_wait3A_57] : memref<51200x128xf32, #tpu.memory_space<hbm>> -> memref<10240x128xf32, #tpu.memory_space<hbm>>
        %dma_wait3A_59 = arith.constant 0 : i32
        %dma_wait3A_60 = arith.constant 0 : i32
        %dma_wait3A_61 = tpu.memref_slice %dma_wait3A_58[%dma_wait3A_59, %dma_wait3A_60] : memref<10240x128xf32, #tpu.memory_space<hbm>> -> memref<10240x128xf32, #tpu.memory_space<hbm>>
        tpu.wait_indirect_dma semaphore(%arg13 : memref<!tpu.dma_semaphore, #tpu.memory_space<semaphore_mem>>) src(%dma_wait3A_61 : memref<10240x128xf32, #tpu.memory_space<hbm>>) dst(%arg10 : memref<125x128xf32, #tpu.memory_space<vmem>>)
        "tpu.region"() ({
          %run_scoped3A = tpu.sem_alloc : memref<!tpu.dma_semaphore, #tpu.memory_space<semaphore_mem>>
          %dma_start3A_62 = arith.constant 0 : i32
          %dma_start3A_63 = tpu.memref_slice %arg8[%add3A_34, %dma_start3A_62] : memref<40x125xi32, #tpu.memory_space<vmem>> -> memref<1x125xi32, #tpu.memory_space<vmem>>
          %dma_start3A_64 = tpu.memref_squeeze %dma_start3A_63 : memref<1x125xi32, #tpu.memory_space<vmem>> -> memref<125xi32, #tpu.memory_space<vmem>>
          %dma_start3A_65 = arith.constant 0 : i32
          %dma_start3A_66 = arith.constant 0 : i32
          %dma_start3A_67 = tpu.memref_slice %arg11[%dma_start3A_65, %dma_start3A_66] : memref<10240x128xf32, #tpu.memory_space<vmem_shared>> -> memref<10240x128xf32, #tpu.memory_space<vmem_shared>>
          tpu.enqueue_indirect_dma source(%arg10 : memref<125x128xf32, #tpu.memory_space<vmem>>) target(%dma_start3A_67 : memref<10240x128xf32, #tpu.memory_space<vmem_shared>>) offsets(%dma_start3A_64 : memref<125xi32, #tpu.memory_space<vmem>>) semaphore(%run_scoped3A : memref<!tpu.dma_semaphore, #tpu.memory_space<semaphore_mem>>) {add = true}
          %dma_wait3A_68 = arith.constant 0 : i32
          %dma_wait3A_69 = tpu.memref_slice %arg8[%add3A_34, %dma_wait3A_68] : memref<40x125xi32, #tpu.memory_space<vmem>> -> memref<1x125xi32, #tpu.memory_space<vmem>>
          %dma_wait3A_70 = tpu.memref_squeeze %dma_wait3A_69 : memref<1x125xi32, #tpu.memory_space<vmem>> -> memref<125xi32, #tpu.memory_space<vmem>>
          %dma_wait3A_71 = arith.constant 0 : i32
          %dma_wait3A_72 = arith.constant 0 : i32
          %dma_wait3A_73 = tpu.memref_slice %arg11[%dma_wait3A_71, %dma_wait3A_72] : memref<10240x128xf32, #tpu.memory_space<vmem_shared>> -> memref<10240x128xf32, #tpu.memory_space<vmem_shared>>
          tpu.wait_indirect_dma semaphore(%run_scoped3A : memref<!tpu.dma_semaphore, #tpu.memory_space<semaphore_mem>>) src(%arg10 : memref<125x128xf32, #tpu.memory_space<vmem>>) dst(%dma_wait3A_73 : memref<10240x128xf32, #tpu.memory_space<vmem_shared>>)
          tpu.yield
        }) : () -> ()
      }
      %scan3A_22 = arith.constant 20 : i32
      %barrier3A_23 = arith.constant 0 : index
      tpu.barrier barrier_id(%barrier3A_23)
      %mul3A_24 = arith.constant 640 : i32
      %mul3A_25 = arith.muli %arg1, %mul3A_24 : i32
      %mul3A_26 = arith.constant 10240 : i32
      %mul3A_27 = arith.muli %scan3A_5, %mul3A_26 : i32
      %mul3A_28 = arith.constant 640 : i32
      %mul3A_29 = arith.muli %arg1, %mul3A_28 : i32
      %add3A = arith.addi %mul3A_27, %mul3A_29 : i32
      "tpu.region"() ({
        %run_scoped3A = tpu.sem_alloc : memref<!tpu.dma_semaphore, #tpu.memory_space<semaphore_mem>>
        %dma_start3A_30 = arith.constant 0 : i32
        %dma_start3A_31 = tpu.memref_slice %arg6[%arg0, %add3A, %dma_start3A_30] : memref<2x51200x128xf32, #tpu.memory_space<hbm>> -> memref<1x640x128xf32, #tpu.memory_space<hbm>>
        %dma_start3A_32 = tpu.memref_squeeze %dma_start3A_31 : memref<1x640x128xf32, #tpu.memory_space<hbm>> -> memref<640x128xf32, #tpu.memory_space<hbm>>
        %dma_start3A_33 = arith.constant 0 : i32
        %dma_start3A_34 = tpu.memref_slice %arg11[%mul3A_25, %dma_start3A_33] : memref<10240x128xf32, #tpu.memory_space<vmem_shared>> -> memref<640x128xf32, #tpu.memory_space<vmem_shared>>
        tpu.enqueue_dma source(%dma_start3A_34 : memref<640x128xf32, #tpu.memory_space<vmem_shared>>) target(%dma_start3A_32 : memref<640x128xf32, #tpu.memory_space<hbm>>) target_semaphore(%run_scoped3A : memref<!tpu.dma_semaphore, #tpu.memory_space<semaphore_mem>>)
        %dma_wait3A = arith.constant 0 : i32
        %dma_wait3A_35 = tpu.memref_slice %arg6[%arg0, %add3A, %dma_wait3A] : memref<2x51200x128xf32, #tpu.memory_space<hbm>> -> memref<1x640x128xf32, #tpu.memory_space<hbm>>
        %dma_wait3A_36 = tpu.memref_squeeze %dma_wait3A_35 : memref<1x640x128xf32, #tpu.memory_space<hbm>> -> memref<640x128xf32, #tpu.memory_space<hbm>>
        %dma_wait3A_37 = arith.constant 0 : i32
        %dma_wait3A_38 = tpu.memref_slice %arg11[%mul3A_25, %dma_wait3A_37] : memref<10240x128xf32, #tpu.memory_space<vmem_shared>> -> memref<640x128xf32, #tpu.memory_space<vmem_shared>>
        tpu.wait_dma2 semaphore(%run_scoped3A : memref<!tpu.dma_semaphore, #tpu.memory_space<semaphore_mem>>) src(%dma_wait3A_38 : memref<640x128xf32, #tpu.memory_space<vmem_shared>>) dst(%dma_wait3A_36 : memref<640x128xf32, #tpu.memory_space<hbm>>)
        tpu.yield
      }) : () -> ()
    }
    %scan3A_4 = arith.constant 5 : i32
    return
  }
}

#map = affine_map<(d0, d1) -> (0, 0)>
#map1 = affine_map<(d0, d1) -> (0, 0, 0, 0)>
#map2 = affine_map<(d0, d1) -> (0, 0, 0)>
module attributes {stable_mosaic.version = 14 : i64} {
  func.func @agg(%arg0: i32, %arg1: i32, %arg2: memref<10240x128xf32, #tpu.memory_space<hbm>>, %arg3: memref<640x128xf32, #tpu.memory_space<hbm>>, %arg4: memref<2x16x40x125xi32, #tpu.memory_space<hbm>>, %arg5: memref<2x16x40x125xi32, #tpu.memory_space<hbm>>, %arg6: memref<2x10240x128xf32, #tpu.memory_space<hbm>>, %arg7: memref<40x125xi32, #tpu.memory_space<vmem>>, %arg8: memref<40x125xi32, #tpu.memory_space<vmem>>, %arg9: memref<125x128xf32, #tpu.memory_space<vmem>>, %arg10: memref<125x128xf32, #tpu.memory_space<vmem>>, %arg11: memref<10240x128xf32, #tpu.memory_space<vmem_shared>>, %arg12: memref<!tpu.dma_semaphore, #tpu.memory_space<semaphore_mem>>, %arg13: memref<!tpu.dma_semaphore, #tpu.memory_space<semaphore_mem>>, %arg14: memref<!tpu.dma_semaphore, #tpu.memory_space<semaphore_mem>>, %arg15: memref<!tpu.dma_semaphore, #tpu.memory_space<semaphore_mem>>) attributes {dimension_semantics = [#tpu.dimension_semantics<core_parallel>, #tpu.dimension_semantics<subcore_parallel>], iteration_bounds = array<i64: 2, 16>, scalar_prefetch = 0 : i64, scratch_operands = 9 : i64, tpu.core_type = #tpu.core_type<sc_vector_subcore>, window_params = [{transform_indices = #map}, {transform_indices = #map}, {transform_indices = #map1}, {transform_indices = #map1}, {transform_indices = #map2}]} {
    "tpu.region"() ({
      %run_scoped3A = tpu.sem_alloc : memref<!tpu.dma_semaphore, #tpu.memory_space<semaphore_mem>>
      %dma_start3A_26 = arith.constant 0 : i32
      %dma_start3A_27 = arith.constant 0 : i32
      %dma_start3A_28 = tpu.memref_slice %arg4[%arg0, %arg1, %dma_start3A_26, %dma_start3A_27] : memref<2x16x40x125xi32, #tpu.memory_space<hbm>> -> memref<1x1x40x125xi32, #tpu.memory_space<hbm>>
      %dma_start3A_29 = tpu.memref_squeeze %dma_start3A_28 : memref<1x1x40x125xi32, #tpu.memory_space<hbm>> -> memref<40x125xi32, #tpu.memory_space<hbm>>
      %dma_start3A_30 = arith.constant 0 : i32
      %dma_start3A_31 = arith.constant 0 : i32
      %dma_start3A_32 = tpu.memref_slice %arg4[%arg0, %arg1, %dma_start3A_30, %dma_start3A_31] : memref<2x16x40x125xi32, #tpu.memory_space<hbm>> -> memref<1x1x40x125xi32, #tpu.memory_space<hbm>>
      %dma_start3A_33 = tpu.memref_squeeze %dma_start3A_32 : memref<1x1x40x125xi32, #tpu.memory_space<hbm>> -> memref<40x125xi32, #tpu.memory_space<hbm>>
      tpu.enqueue_dma source(%dma_start3A_33 : memref<40x125xi32, #tpu.memory_space<hbm>>) target(%arg7 : memref<40x125xi32, #tpu.memory_space<vmem>>) target_semaphore(%run_scoped3A : memref<!tpu.dma_semaphore, #tpu.memory_space<semaphore_mem>>)
      %dma_wait3A = arith.constant 0 : i32
      %dma_wait3A_34 = arith.constant 0 : i32
      %dma_wait3A_35 = tpu.memref_slice %arg4[%arg0, %arg1, %dma_wait3A, %dma_wait3A_34] : memref<2x16x40x125xi32, #tpu.memory_space<hbm>> -> memref<1x1x40x125xi32, #tpu.memory_space<hbm>>
      %dma_wait3A_36 = tpu.memref_squeeze %dma_wait3A_35 : memref<1x1x40x125xi32, #tpu.memory_space<hbm>> -> memref<40x125xi32, #tpu.memory_space<hbm>>
      %dma_wait3A_37 = arith.constant 0 : i32
      %dma_wait3A_38 = arith.constant 0 : i32
      %dma_wait3A_39 = tpu.memref_slice %arg4[%arg0, %arg1, %dma_wait3A_37, %dma_wait3A_38] : memref<2x16x40x125xi32, #tpu.memory_space<hbm>> -> memref<1x1x40x125xi32, #tpu.memory_space<hbm>>
      %dma_wait3A_40 = tpu.memref_squeeze %dma_wait3A_39 : memref<1x1x40x125xi32, #tpu.memory_space<hbm>> -> memref<40x125xi32, #tpu.memory_space<hbm>>
      tpu.wait_dma2 semaphore(%run_scoped3A : memref<!tpu.dma_semaphore, #tpu.memory_space<semaphore_mem>>) src(%dma_wait3A_40 : memref<40x125xi32, #tpu.memory_space<hbm>>) dst(%arg7 : memref<40x125xi32, #tpu.memory_space<vmem>>)
      tpu.yield
    }) : () -> ()
    "tpu.region"() ({
      %run_scoped3A = tpu.sem_alloc : memref<!tpu.dma_semaphore, #tpu.memory_space<semaphore_mem>>
      %dma_start3A_26 = arith.constant 0 : i32
      %dma_start3A_27 = arith.constant 0 : i32
      %dma_start3A_28 = tpu.memref_slice %arg5[%arg0, %arg1, %dma_start3A_26, %dma_start3A_27] : memref<2x16x40x125xi32, #tpu.memory_space<hbm>> -> memref<1x1x40x125xi32, #tpu.memory_space<hbm>>
      %dma_start3A_29 = tpu.memref_squeeze %dma_start3A_28 : memref<1x1x40x125xi32, #tpu.memory_space<hbm>> -> memref<40x125xi32, #tpu.memory_space<hbm>>
      %dma_start3A_30 = arith.constant 0 : i32
      %dma_start3A_31 = arith.constant 0 : i32
      %dma_start3A_32 = tpu.memref_slice %arg5[%arg0, %arg1, %dma_start3A_30, %dma_start3A_31] : memref<2x16x40x125xi32, #tpu.memory_space<hbm>> -> memref<1x1x40x125xi32, #tpu.memory_space<hbm>>
      %dma_start3A_33 = tpu.memref_squeeze %dma_start3A_32 : memref<1x1x40x125xi32, #tpu.memory_space<hbm>> -> memref<40x125xi32, #tpu.memory_space<hbm>>
      tpu.enqueue_dma source(%dma_start3A_33 : memref<40x125xi32, #tpu.memory_space<hbm>>) target(%arg8 : memref<40x125xi32, #tpu.memory_space<vmem>>) target_semaphore(%run_scoped3A : memref<!tpu.dma_semaphore, #tpu.memory_space<semaphore_mem>>)
      %dma_wait3A = arith.constant 0 : i32
      %dma_wait3A_34 = arith.constant 0 : i32
      %dma_wait3A_35 = tpu.memref_slice %arg5[%arg0, %arg1, %dma_wait3A, %dma_wait3A_34] : memref<2x16x40x125xi32, #tpu.memory_space<hbm>> -> memref<1x1x40x125xi32, #tpu.memory_space<hbm>>
      %dma_wait3A_36 = tpu.memref_squeeze %dma_wait3A_35 : memref<1x1x40x125xi32, #tpu.memory_space<hbm>> -> memref<40x125xi32, #tpu.memory_space<hbm>>
      %dma_wait3A_37 = arith.constant 0 : i32
      %dma_wait3A_38 = arith.constant 0 : i32
      %dma_wait3A_39 = tpu.memref_slice %arg5[%arg0, %arg1, %dma_wait3A_37, %dma_wait3A_38] : memref<2x16x40x125xi32, #tpu.memory_space<hbm>> -> memref<1x1x40x125xi32, #tpu.memory_space<hbm>>
      %dma_wait3A_40 = tpu.memref_squeeze %dma_wait3A_39 : memref<1x1x40x125xi32, #tpu.memory_space<hbm>> -> memref<40x125xi32, #tpu.memory_space<hbm>>
      tpu.wait_dma2 semaphore(%run_scoped3A : memref<!tpu.dma_semaphore, #tpu.memory_space<semaphore_mem>>) src(%dma_wait3A_40 : memref<40x125xi32, #tpu.memory_space<hbm>>) dst(%arg8 : memref<40x125xi32, #tpu.memory_space<vmem>>)
      tpu.yield
    }) : () -> ()
    %scan3A = arith.constant 0 : i32
    %scan3A_0 = arith.constant 0 : i32
    %mul3A = arith.constant 10240 : i32
    %mul3A_1 = arith.muli %scan3A_0, %mul3A : i32
    %mul3A_2 = arith.constant 640 : i32
    %mul3A_3 = arith.muli %arg1, %mul3A_2 : i32
    "tpu.region"() ({
      %run_scoped3A = tpu.sem_alloc : memref<!tpu.dma_semaphore, #tpu.memory_space<semaphore_mem>>
      %dma_start3A_26 = arith.constant 0 : i32
      %dma_start3A_27 = tpu.memref_slice %arg11[%mul3A_3, %dma_start3A_26] : memref<10240x128xf32, #tpu.memory_space<vmem_shared>> -> memref<640x128xf32, #tpu.memory_space<vmem_shared>>
      tpu.enqueue_dma source(%arg3 : memref<640x128xf32, #tpu.memory_space<hbm>>) target(%dma_start3A_27 : memref<640x128xf32, #tpu.memory_space<vmem_shared>>) target_semaphore(%run_scoped3A : memref<!tpu.dma_semaphore, #tpu.memory_space<semaphore_mem>>)
      %dma_wait3A = arith.constant 0 : i32
      %dma_wait3A_28 = tpu.memref_slice %arg11[%mul3A_3, %dma_wait3A] : memref<10240x128xf32, #tpu.memory_space<vmem_shared>> -> memref<640x128xf32, #tpu.memory_space<vmem_shared>>
      tpu.wait_dma2 semaphore(%run_scoped3A : memref<!tpu.dma_semaphore, #tpu.memory_space<semaphore_mem>>) src(%arg3 : memref<640x128xf32, #tpu.memory_space<hbm>>) dst(%dma_wait3A_28 : memref<640x128xf32, #tpu.memory_space<vmem_shared>>)
      tpu.yield
    }) : () -> ()
    %barrier3A = arith.constant 0 : index
    tpu.barrier barrier_id(%barrier3A)
    %dma_start3A = arith.constant 0 : i32
    %dma_start3A_4 = arith.constant 0 : i32
    %dma_start3A_5 = tpu.memref_slice %arg7[%dma_start3A, %dma_start3A_4] : memref<40x125xi32, #tpu.memory_space<vmem>> -> memref<1x125xi32, #tpu.memory_space<vmem>>
    %dma_start3A_6 = tpu.memref_squeeze %dma_start3A_5 : memref<1x125xi32, #tpu.memory_space<vmem>> -> memref<125xi32, #tpu.memory_space<vmem>>
    %dma_start3A_7 = arith.constant 0 : i32
    %dma_start3A_8 = tpu.memref_slice %arg2[%mul3A_1, %dma_start3A_7] : memref<10240x128xf32, #tpu.memory_space<hbm>> -> memref<10240x128xf32, #tpu.memory_space<hbm>>
    %dma_start3A_9 = arith.constant 0 : i32
    %dma_start3A_10 = arith.constant 0 : i32
    %dma_start3A_11 = tpu.memref_slice %dma_start3A_8[%dma_start3A_9, %dma_start3A_10] : memref<10240x128xf32, #tpu.memory_space<hbm>> -> memref<10240x128xf32, #tpu.memory_space<hbm>>
    tpu.enqueue_indirect_dma source(%dma_start3A_11 : memref<10240x128xf32, #tpu.memory_space<hbm>>) target(%arg9 : memref<125x128xf32, #tpu.memory_space<vmem>>) offsets(%dma_start3A_6 : memref<125xi32, #tpu.memory_space<vmem>>) semaphore(%arg12 : memref<!tpu.dma_semaphore, #tpu.memory_space<semaphore_mem>>)
    %scan3A_12 = arith.constant 0 : i32
    %scan3A_13 = arith.constant 0 : i32
    %scan3A_14 = arith.constant 20 : i32
    %scan3A_15 = arith.addi %scan3A_13, %scan3A_14 : i32
    %scan3A_16 = arith.constant 1 : i32
    scf.for %scan3A_26 = %scan3A_13 to %scan3A_15 step %scan3A_16  : i32 {
      %mul3A_27 = arith.constant 2 : i32
      %mul3A_28 = arith.muli %mul3A_27, %scan3A_26 : i32
      %add3A_29 = arith.constant 1 : i32
      %add3A_30 = arith.addi %mul3A_28, %add3A_29 : i32
      %add3A_31 = arith.constant 2 : i32
      %add3A_32 = arith.addi %mul3A_28, %add3A_31 : i32
      %dma_start3A_33 = arith.constant 0 : i32
      %dma_start3A_34 = tpu.memref_slice %arg7[%add3A_30, %dma_start3A_33] : memref<40x125xi32, #tpu.memory_space<vmem>> -> memref<1x125xi32, #tpu.memory_space<vmem>>
      %dma_start3A_35 = tpu.memref_squeeze %dma_start3A_34 : memref<1x125xi32, #tpu.memory_space<vmem>> -> memref<125xi32, #tpu.memory_space<vmem>>
      %dma_start3A_36 = arith.constant 0 : i32
      %dma_start3A_37 = tpu.memref_slice %arg2[%mul3A_1, %dma_start3A_36] : memref<10240x128xf32, #tpu.memory_space<hbm>> -> memref<10240x128xf32, #tpu.memory_space<hbm>>
      %dma_start3A_38 = arith.constant 0 : i32
      %dma_start3A_39 = arith.constant 0 : i32
      %dma_start3A_40 = tpu.memref_slice %dma_start3A_37[%dma_start3A_38, %dma_start3A_39] : memref<10240x128xf32, #tpu.memory_space<hbm>> -> memref<10240x128xf32, #tpu.memory_space<hbm>>
      tpu.enqueue_indirect_dma source(%dma_start3A_40 : memref<10240x128xf32, #tpu.memory_space<hbm>>) target(%arg10 : memref<125x128xf32, #tpu.memory_space<vmem>>) offsets(%dma_start3A_35 : memref<125xi32, #tpu.memory_space<vmem>>) semaphore(%arg13 : memref<!tpu.dma_semaphore, #tpu.memory_space<semaphore_mem>>)
      %dma_wait3A = arith.constant 0 : i32
      %dma_wait3A_41 = tpu.memref_slice %arg7[%mul3A_28, %dma_wait3A] : memref<40x125xi32, #tpu.memory_space<vmem>> -> memref<1x125xi32, #tpu.memory_space<vmem>>
      %dma_wait3A_42 = tpu.memref_squeeze %dma_wait3A_41 : memref<1x125xi32, #tpu.memory_space<vmem>> -> memref<125xi32, #tpu.memory_space<vmem>>
      %dma_wait3A_43 = arith.constant 0 : i32
      %dma_wait3A_44 = tpu.memref_slice %arg2[%mul3A_1, %dma_wait3A_43] : memref<10240x128xf32, #tpu.memory_space<hbm>> -> memref<10240x128xf32, #tpu.memory_space<hbm>>
      %dma_wait3A_45 = arith.constant 0 : i32
      %dma_wait3A_46 = arith.constant 0 : i32
      %dma_wait3A_47 = tpu.memref_slice %dma_wait3A_44[%dma_wait3A_45, %dma_wait3A_46] : memref<10240x128xf32, #tpu.memory_space<hbm>> -> memref<10240x128xf32, #tpu.memory_space<hbm>>
      tpu.wait_indirect_dma semaphore(%arg12 : memref<!tpu.dma_semaphore, #tpu.memory_space<semaphore_mem>>) src(%dma_wait3A_47 : memref<10240x128xf32, #tpu.memory_space<hbm>>) dst(%arg9 : memref<125x128xf32, #tpu.memory_space<vmem>>)
      "tpu.region"() ({
        %run_scoped3A = tpu.sem_alloc : memref<!tpu.dma_semaphore, #tpu.memory_space<semaphore_mem>>
        %dma_start3A_58 = arith.constant 0 : i32
        %dma_start3A_59 = tpu.memref_slice %arg8[%mul3A_28, %dma_start3A_58] : memref<40x125xi32, #tpu.memory_space<vmem>> -> memref<1x125xi32, #tpu.memory_space<vmem>>
        %dma_start3A_60 = tpu.memref_squeeze %dma_start3A_59 : memref<1x125xi32, #tpu.memory_space<vmem>> -> memref<125xi32, #tpu.memory_space<vmem>>
        %dma_start3A_61 = arith.constant 0 : i32
        %dma_start3A_62 = arith.constant 0 : i32
        %dma_start3A_63 = tpu.memref_slice %arg11[%dma_start3A_61, %dma_start3A_62] : memref<10240x128xf32, #tpu.memory_space<vmem_shared>> -> memref<10240x128xf32, #tpu.memory_space<vmem_shared>>
        tpu.enqueue_indirect_dma source(%arg9 : memref<125x128xf32, #tpu.memory_space<vmem>>) target(%dma_start3A_63 : memref<10240x128xf32, #tpu.memory_space<vmem_shared>>) offsets(%dma_start3A_60 : memref<125xi32, #tpu.memory_space<vmem>>) semaphore(%run_scoped3A : memref<!tpu.dma_semaphore, #tpu.memory_space<semaphore_mem>>) {add = true}
        %dma_wait3A_64 = arith.constant 0 : i32
        %dma_wait3A_65 = tpu.memref_slice %arg8[%mul3A_28, %dma_wait3A_64] : memref<40x125xi32, #tpu.memory_space<vmem>> -> memref<1x125xi32, #tpu.memory_space<vmem>>
        %dma_wait3A_66 = tpu.memref_squeeze %dma_wait3A_65 : memref<1x125xi32, #tpu.memory_space<vmem>> -> memref<125xi32, #tpu.memory_space<vmem>>
        %dma_wait3A_67 = arith.constant 0 : i32
        %dma_wait3A_68 = arith.constant 0 : i32
        %dma_wait3A_69 = tpu.memref_slice %arg11[%dma_wait3A_67, %dma_wait3A_68] : memref<10240x128xf32, #tpu.memory_space<vmem_shared>> -> memref<10240x128xf32, #tpu.memory_space<vmem_shared>>
        tpu.wait_indirect_dma semaphore(%run_scoped3A : memref<!tpu.dma_semaphore, #tpu.memory_space<semaphore_mem>>) src(%arg9 : memref<125x128xf32, #tpu.memory_space<vmem>>) dst(%dma_wait3A_69 : memref<10240x128xf32, #tpu.memory_space<vmem_shared>>)
        tpu.yield
      }) : () -> ()
      %lt3A = arith.constant 40 : i32
      %lt3A_48 = arith.cmpi slt, %add3A_32, %lt3A : i32
      %convert_element_type3A = arith.extui %lt3A_48 : i1 to i32
      %cond3A = arith.constant 0 : i32
      %cond3A_49 = arith.cmpi ne, %convert_element_type3A, %cond3A : i32
      scf.if %cond3A_49 {
        %dma_start3A_58 = arith.constant 0 : i32
        %dma_start3A_59 = tpu.memref_slice %arg7[%add3A_32, %dma_start3A_58] : memref<40x125xi32, #tpu.memory_space<vmem>> -> memref<1x125xi32, #tpu.memory_space<vmem>>
        %dma_start3A_60 = tpu.memref_squeeze %dma_start3A_59 : memref<1x125xi32, #tpu.memory_space<vmem>> -> memref<125xi32, #tpu.memory_space<vmem>>
        %dma_start3A_61 = arith.constant 0 : i32
        %dma_start3A_62 = tpu.memref_slice %arg2[%mul3A_1, %dma_start3A_61] : memref<10240x128xf32, #tpu.memory_space<hbm>> -> memref<10240x128xf32, #tpu.memory_space<hbm>>
        %dma_start3A_63 = arith.constant 0 : i32
        %dma_start3A_64 = arith.constant 0 : i32
        %dma_start3A_65 = tpu.memref_slice %dma_start3A_62[%dma_start3A_63, %dma_start3A_64] : memref<10240x128xf32, #tpu.memory_space<hbm>> -> memref<10240x128xf32, #tpu.memory_space<hbm>>
        tpu.enqueue_indirect_dma source(%dma_start3A_65 : memref<10240x128xf32, #tpu.memory_space<hbm>>) target(%arg9 : memref<125x128xf32, #tpu.memory_space<vmem>>) offsets(%dma_start3A_60 : memref<125xi32, #tpu.memory_space<vmem>>) semaphore(%arg12 : memref<!tpu.dma_semaphore, #tpu.memory_space<semaphore_mem>>)
      } else {
      }
      %dma_wait3A_50 = arith.constant 0 : i32
      %dma_wait3A_51 = tpu.memref_slice %arg7[%add3A_30, %dma_wait3A_50] : memref<40x125xi32, #tpu.memory_space<vmem>> -> memref<1x125xi32, #tpu.memory_space<vmem>>
      %dma_wait3A_52 = tpu.memref_squeeze %dma_wait3A_51 : memref<1x125xi32, #tpu.memory_space<vmem>> -> memref<125xi32, #tpu.memory_space<vmem>>
      %dma_wait3A_53 = arith.constant 0 : i32
      %dma_wait3A_54 = tpu.memref_slice %arg2[%mul3A_1, %dma_wait3A_53] : memref<10240x128xf32, #tpu.memory_space<hbm>> -> memref<10240x128xf32, #tpu.memory_space<hbm>>
      %dma_wait3A_55 = arith.constant 0 : i32
      %dma_wait3A_56 = arith.constant 0 : i32
      %dma_wait3A_57 = tpu.memref_slice %dma_wait3A_54[%dma_wait3A_55, %dma_wait3A_56] : memref<10240x128xf32, #tpu.memory_space<hbm>> -> memref<10240x128xf32, #tpu.memory_space<hbm>>
      tpu.wait_indirect_dma semaphore(%arg13 : memref<!tpu.dma_semaphore, #tpu.memory_space<semaphore_mem>>) src(%dma_wait3A_57 : memref<10240x128xf32, #tpu.memory_space<hbm>>) dst(%arg10 : memref<125x128xf32, #tpu.memory_space<vmem>>)
      "tpu.region"() ({
        %run_scoped3A = tpu.sem_alloc : memref<!tpu.dma_semaphore, #tpu.memory_space<semaphore_mem>>
        %dma_start3A_58 = arith.constant 0 : i32
        %dma_start3A_59 = tpu.memref_slice %arg8[%add3A_30, %dma_start3A_58] : memref<40x125xi32, #tpu.memory_space<vmem>> -> memref<1x125xi32, #tpu.memory_space<vmem>>
        %dma_start3A_60 = tpu.memref_squeeze %dma_start3A_59 : memref<1x125xi32, #tpu.memory_space<vmem>> -> memref<125xi32, #tpu.memory_space<vmem>>
        %dma_start3A_61 = arith.constant 0 : i32
        %dma_start3A_62 = arith.constant 0 : i32
        %dma_start3A_63 = tpu.memref_slice %arg11[%dma_start3A_61, %dma_start3A_62] : memref<10240x128xf32, #tpu.memory_space<vmem_shared>> -> memref<10240x128xf32, #tpu.memory_space<vmem_shared>>
        tpu.enqueue_indirect_dma source(%arg10 : memref<125x128xf32, #tpu.memory_space<vmem>>) target(%dma_start3A_63 : memref<10240x128xf32, #tpu.memory_space<vmem_shared>>) offsets(%dma_start3A_60 : memref<125xi32, #tpu.memory_space<vmem>>) semaphore(%run_scoped3A : memref<!tpu.dma_semaphore, #tpu.memory_space<semaphore_mem>>) {add = true}
        %dma_wait3A_64 = arith.constant 0 : i32
        %dma_wait3A_65 = tpu.memref_slice %arg8[%add3A_30, %dma_wait3A_64] : memref<40x125xi32, #tpu.memory_space<vmem>> -> memref<1x125xi32, #tpu.memory_space<vmem>>
        %dma_wait3A_66 = tpu.memref_squeeze %dma_wait3A_65 : memref<1x125xi32, #tpu.memory_space<vmem>> -> memref<125xi32, #tpu.memory_space<vmem>>
        %dma_wait3A_67 = arith.constant 0 : i32
        %dma_wait3A_68 = arith.constant 0 : i32
        %dma_wait3A_69 = tpu.memref_slice %arg11[%dma_wait3A_67, %dma_wait3A_68] : memref<10240x128xf32, #tpu.memory_space<vmem_shared>> -> memref<10240x128xf32, #tpu.memory_space<vmem_shared>>
        tpu.wait_indirect_dma semaphore(%run_scoped3A : memref<!tpu.dma_semaphore, #tpu.memory_space<semaphore_mem>>) src(%arg10 : memref<125x128xf32, #tpu.memory_space<vmem>>) dst(%dma_wait3A_69 : memref<10240x128xf32, #tpu.memory_space<vmem_shared>>)
        tpu.yield
      }) : () -> ()
    }
    %scan3A_17 = arith.constant 20 : i32
    %barrier3A_18 = arith.constant 0 : index
    tpu.barrier barrier_id(%barrier3A_18)
    %mul3A_19 = arith.constant 640 : i32
    %mul3A_20 = arith.muli %arg1, %mul3A_19 : i32
    %mul3A_21 = arith.constant 10240 : i32
    %mul3A_22 = arith.muli %scan3A_0, %mul3A_21 : i32
    %mul3A_23 = arith.constant 640 : i32
    %mul3A_24 = arith.muli %arg1, %mul3A_23 : i32
    %add3A = arith.addi %mul3A_22, %mul3A_24 : i32
    "tpu.region"() ({
      %run_scoped3A = tpu.sem_alloc : memref<!tpu.dma_semaphore, #tpu.memory_space<semaphore_mem>>
      %dma_start3A_26 = arith.constant 0 : i32
      %dma_start3A_27 = tpu.memref_slice %arg6[%arg0, %add3A, %dma_start3A_26] : memref<2x10240x128xf32, #tpu.memory_space<hbm>> -> memref<1x640x128xf32, #tpu.memory_space<hbm>>
      %dma_start3A_28 = tpu.memref_squeeze %dma_start3A_27 : memref<1x640x128xf32, #tpu.memory_space<hbm>> -> memref<640x128xf32, #tpu.memory_space<hbm>>
      %dma_start3A_29 = arith.constant 0 : i32
      %dma_start3A_30 = tpu.memref_slice %arg11[%mul3A_20, %dma_start3A_29] : memref<10240x128xf32, #tpu.memory_space<vmem_shared>> -> memref<640x128xf32, #tpu.memory_space<vmem_shared>>
      tpu.enqueue_dma source(%dma_start3A_30 : memref<640x128xf32, #tpu.memory_space<vmem_shared>>) target(%dma_start3A_28 : memref<640x128xf32, #tpu.memory_space<hbm>>) target_semaphore(%run_scoped3A : memref<!tpu.dma_semaphore, #tpu.memory_space<semaphore_mem>>)
      %dma_wait3A = arith.constant 0 : i32
      %dma_wait3A_31 = tpu.memref_slice %arg6[%arg0, %add3A, %dma_wait3A] : memref<2x10240x128xf32, #tpu.memory_space<hbm>> -> memref<1x640x128xf32, #tpu.memory_space<hbm>>
      %dma_wait3A_32 = tpu.memref_squeeze %dma_wait3A_31 : memref<1x640x128xf32, #tpu.memory_space<hbm>> -> memref<640x128xf32, #tpu.memory_space<hbm>>
      %dma_wait3A_33 = arith.constant 0 : i32
      %dma_wait3A_34 = tpu.memref_slice %arg11[%mul3A_20, %dma_wait3A_33] : memref<10240x128xf32, #tpu.memory_space<vmem_shared>> -> memref<640x128xf32, #tpu.memory_space<vmem_shared>>
      tpu.wait_dma2 semaphore(%run_scoped3A : memref<!tpu.dma_semaphore, #tpu.memory_space<semaphore_mem>>) src(%dma_wait3A_34 : memref<640x128xf32, #tpu.memory_space<vmem_shared>>) dst(%dma_wait3A_32 : memref<640x128xf32, #tpu.memory_space<hbm>>)
      tpu.yield
    }) : () -> ()
    %scan3A_25 = arith.constant 1 : i32
    return
  }
}

#map = affine_map<(d0, d1) -> (0, 0)>
#map1 = affine_map<(d0, d1) -> (0, 0, 0, 0)>
#map2 = affine_map<(d0, d1) -> (0, 0, 0)>
module attributes {stable_mosaic.version = 14 : i64} {
  func.func @agg(%arg0: i32, %arg1: i32, %arg2: memref<204800x128xf32, #tpu.memory_space<hbm>>, %arg3: memref<640x128xf32, #tpu.memory_space<hbm>>, %arg4: memref<2x16x40x125xi32, #tpu.memory_space<hbm>>, %arg5: memref<2x16x40x125xi32, #tpu.memory_space<hbm>>, %arg6: memref<2x204800x128xf32, #tpu.memory_space<hbm>>, %arg7: memref<40x125xi32, #tpu.memory_space<vmem>>, %arg8: memref<40x125xi32, #tpu.memory_space<vmem>>, %arg9: memref<125x128xf32, #tpu.memory_space<vmem>>, %arg10: memref<125x128xf32, #tpu.memory_space<vmem>>, %arg11: memref<10240x128xf32, #tpu.memory_space<vmem_shared>>, %arg12: memref<!tpu.dma_semaphore, #tpu.memory_space<semaphore_mem>>, %arg13: memref<!tpu.dma_semaphore, #tpu.memory_space<semaphore_mem>>, %arg14: memref<!tpu.dma_semaphore, #tpu.memory_space<semaphore_mem>>, %arg15: memref<!tpu.dma_semaphore, #tpu.memory_space<semaphore_mem>>) attributes {dimension_semantics = [#tpu.dimension_semantics<core_parallel>, #tpu.dimension_semantics<subcore_parallel>], iteration_bounds = array<i64: 2, 16>, scalar_prefetch = 0 : i64, scratch_operands = 9 : i64, tpu.core_type = #tpu.core_type<sc_vector_subcore>, window_params = [{transform_indices = #map}, {transform_indices = #map}, {transform_indices = #map1}, {transform_indices = #map1}, {transform_indices = #map2}]} {
    "tpu.region"() ({
      %run_scoped3A = tpu.sem_alloc : memref<!tpu.dma_semaphore, #tpu.memory_space<semaphore_mem>>
      %dma_start3A = arith.constant 0 : i32
      %dma_start3A_5 = arith.constant 0 : i32
      %dma_start3A_6 = tpu.memref_slice %arg4[%arg0, %arg1, %dma_start3A, %dma_start3A_5] : memref<2x16x40x125xi32, #tpu.memory_space<hbm>> -> memref<1x1x40x125xi32, #tpu.memory_space<hbm>>
      %dma_start3A_7 = tpu.memref_squeeze %dma_start3A_6 : memref<1x1x40x125xi32, #tpu.memory_space<hbm>> -> memref<40x125xi32, #tpu.memory_space<hbm>>
      %dma_start3A_8 = arith.constant 0 : i32
      %dma_start3A_9 = arith.constant 0 : i32
      %dma_start3A_10 = tpu.memref_slice %arg4[%arg0, %arg1, %dma_start3A_8, %dma_start3A_9] : memref<2x16x40x125xi32, #tpu.memory_space<hbm>> -> memref<1x1x40x125xi32, #tpu.memory_space<hbm>>
      %dma_start3A_11 = tpu.memref_squeeze %dma_start3A_10 : memref<1x1x40x125xi32, #tpu.memory_space<hbm>> -> memref<40x125xi32, #tpu.memory_space<hbm>>
      tpu.enqueue_dma source(%dma_start3A_11 : memref<40x125xi32, #tpu.memory_space<hbm>>) target(%arg7 : memref<40x125xi32, #tpu.memory_space<vmem>>) target_semaphore(%run_scoped3A : memref<!tpu.dma_semaphore, #tpu.memory_space<semaphore_mem>>)
      %dma_wait3A = arith.constant 0 : i32
      %dma_wait3A_12 = arith.constant 0 : i32
      %dma_wait3A_13 = tpu.memref_slice %arg4[%arg0, %arg1, %dma_wait3A, %dma_wait3A_12] : memref<2x16x40x125xi32, #tpu.memory_space<hbm>> -> memref<1x1x40x125xi32, #tpu.memory_space<hbm>>
      %dma_wait3A_14 = tpu.memref_squeeze %dma_wait3A_13 : memref<1x1x40x125xi32, #tpu.memory_space<hbm>> -> memref<40x125xi32, #tpu.memory_space<hbm>>
      %dma_wait3A_15 = arith.constant 0 : i32
      %dma_wait3A_16 = arith.constant 0 : i32
      %dma_wait3A_17 = tpu.memref_slice %arg4[%arg0, %arg1, %dma_wait3A_15, %dma_wait3A_16] : memref<2x16x40x125xi32, #tpu.memory_space<hbm>> -> memref<1x1x40x125xi32, #tpu.memory_space<hbm>>
      %dma_wait3A_18 = tpu.memref_squeeze %dma_wait3A_17 : memref<1x1x40x125xi32, #tpu.memory_space<hbm>> -> memref<40x125xi32, #tpu.memory_space<hbm>>
      tpu.wait_dma2 semaphore(%run_scoped3A : memref<!tpu.dma_semaphore, #tpu.memory_space<semaphore_mem>>) src(%dma_wait3A_18 : memref<40x125xi32, #tpu.memory_space<hbm>>) dst(%arg7 : memref<40x125xi32, #tpu.memory_space<vmem>>)
      tpu.yield
    }) : () -> ()
    "tpu.region"() ({
      %run_scoped3A = tpu.sem_alloc : memref<!tpu.dma_semaphore, #tpu.memory_space<semaphore_mem>>
      %dma_start3A = arith.constant 0 : i32
      %dma_start3A_5 = arith.constant 0 : i32
      %dma_start3A_6 = tpu.memref_slice %arg5[%arg0, %arg1, %dma_start3A, %dma_start3A_5] : memref<2x16x40x125xi32, #tpu.memory_space<hbm>> -> memref<1x1x40x125xi32, #tpu.memory_space<hbm>>
      %dma_start3A_7 = tpu.memref_squeeze %dma_start3A_6 : memref<1x1x40x125xi32, #tpu.memory_space<hbm>> -> memref<40x125xi32, #tpu.memory_space<hbm>>
      %dma_start3A_8 = arith.constant 0 : i32
      %dma_start3A_9 = arith.constant 0 : i32
      %dma_start3A_10 = tpu.memref_slice %arg5[%arg0, %arg1, %dma_start3A_8, %dma_start3A_9] : memref<2x16x40x125xi32, #tpu.memory_space<hbm>> -> memref<1x1x40x125xi32, #tpu.memory_space<hbm>>
      %dma_start3A_11 = tpu.memref_squeeze %dma_start3A_10 : memref<1x1x40x125xi32, #tpu.memory_space<hbm>> -> memref<40x125xi32, #tpu.memory_space<hbm>>
      tpu.enqueue_dma source(%dma_start3A_11 : memref<40x125xi32, #tpu.memory_space<hbm>>) target(%arg8 : memref<40x125xi32, #tpu.memory_space<vmem>>) target_semaphore(%run_scoped3A : memref<!tpu.dma_semaphore, #tpu.memory_space<semaphore_mem>>)
      %dma_wait3A = arith.constant 0 : i32
      %dma_wait3A_12 = arith.constant 0 : i32
      %dma_wait3A_13 = tpu.memref_slice %arg5[%arg0, %arg1, %dma_wait3A, %dma_wait3A_12] : memref<2x16x40x125xi32, #tpu.memory_space<hbm>> -> memref<1x1x40x125xi32, #tpu.memory_space<hbm>>
      %dma_wait3A_14 = tpu.memref_squeeze %dma_wait3A_13 : memref<1x1x40x125xi32, #tpu.memory_space<hbm>> -> memref<40x125xi32, #tpu.memory_space<hbm>>
      %dma_wait3A_15 = arith.constant 0 : i32
      %dma_wait3A_16 = arith.constant 0 : i32
      %dma_wait3A_17 = tpu.memref_slice %arg5[%arg0, %arg1, %dma_wait3A_15, %dma_wait3A_16] : memref<2x16x40x125xi32, #tpu.memory_space<hbm>> -> memref<1x1x40x125xi32, #tpu.memory_space<hbm>>
      %dma_wait3A_18 = tpu.memref_squeeze %dma_wait3A_17 : memref<1x1x40x125xi32, #tpu.memory_space<hbm>> -> memref<40x125xi32, #tpu.memory_space<hbm>>
      tpu.wait_dma2 semaphore(%run_scoped3A : memref<!tpu.dma_semaphore, #tpu.memory_space<semaphore_mem>>) src(%dma_wait3A_18 : memref<40x125xi32, #tpu.memory_space<hbm>>) dst(%arg8 : memref<40x125xi32, #tpu.memory_space<vmem>>)
      tpu.yield
    }) : () -> ()
    %scan3A = arith.constant 0 : i32
    %scan3A_0 = arith.constant 0 : i32
    %scan3A_1 = arith.constant 20 : i32
    %scan3A_2 = arith.addi %scan3A_0, %scan3A_1 : i32
    %scan3A_3 = arith.constant 1 : i32
    scf.for %scan3A_5 = %scan3A_0 to %scan3A_2 step %scan3A_3  : i32 {
      %mul3A = arith.constant 10240 : i32
      %mul3A_6 = arith.muli %scan3A_5, %mul3A : i32
      %mul3A_7 = arith.constant 640 : i32
      %mul3A_8 = arith.muli %arg1, %mul3A_7 : i32
      "tpu.region"() ({
        %run_scoped3A = tpu.sem_alloc : memref<!tpu.dma_semaphore, #tpu.memory_space<semaphore_mem>>
        %dma_start3A_30 = arith.constant 0 : i32
        %dma_start3A_31 = tpu.memref_slice %arg11[%mul3A_8, %dma_start3A_30] : memref<10240x128xf32, #tpu.memory_space<vmem_shared>> -> memref<640x128xf32, #tpu.memory_space<vmem_shared>>
        tpu.enqueue_dma source(%arg3 : memref<640x128xf32, #tpu.memory_space<hbm>>) target(%dma_start3A_31 : memref<640x128xf32, #tpu.memory_space<vmem_shared>>) target_semaphore(%run_scoped3A : memref<!tpu.dma_semaphore, #tpu.memory_space<semaphore_mem>>)
        %dma_wait3A = arith.constant 0 : i32
        %dma_wait3A_32 = tpu.memref_slice %arg11[%mul3A_8, %dma_wait3A] : memref<10240x128xf32, #tpu.memory_space<vmem_shared>> -> memref<640x128xf32, #tpu.memory_space<vmem_shared>>
        tpu.wait_dma2 semaphore(%run_scoped3A : memref<!tpu.dma_semaphore, #tpu.memory_space<semaphore_mem>>) src(%arg3 : memref<640x128xf32, #tpu.memory_space<hbm>>) dst(%dma_wait3A_32 : memref<640x128xf32, #tpu.memory_space<vmem_shared>>)
        tpu.yield
      }) : () -> ()
      %barrier3A = arith.constant 0 : index
      tpu.barrier barrier_id(%barrier3A)
      %dma_start3A = arith.constant 0 : i32
      %dma_start3A_9 = arith.constant 0 : i32
      %dma_start3A_10 = tpu.memref_slice %arg7[%dma_start3A, %dma_start3A_9] : memref<40x125xi32, #tpu.memory_space<vmem>> -> memref<1x125xi32, #tpu.memory_space<vmem>>
      %dma_start3A_11 = tpu.memref_squeeze %dma_start3A_10 : memref<1x125xi32, #tpu.memory_space<vmem>> -> memref<125xi32, #tpu.memory_space<vmem>>
      %dma_start3A_12 = arith.constant 0 : i32
      %dma_start3A_13 = tpu.memref_slice %arg2[%mul3A_6, %dma_start3A_12] : memref<204800x128xf32, #tpu.memory_space<hbm>> -> memref<10240x128xf32, #tpu.memory_space<hbm>>
      %dma_start3A_14 = arith.constant 0 : i32
      %dma_start3A_15 = arith.constant 0 : i32
      %dma_start3A_16 = tpu.memref_slice %dma_start3A_13[%dma_start3A_14, %dma_start3A_15] : memref<10240x128xf32, #tpu.memory_space<hbm>> -> memref<10240x128xf32, #tpu.memory_space<hbm>>
      tpu.enqueue_indirect_dma source(%dma_start3A_16 : memref<10240x128xf32, #tpu.memory_space<hbm>>) target(%arg9 : memref<125x128xf32, #tpu.memory_space<vmem>>) offsets(%dma_start3A_11 : memref<125xi32, #tpu.memory_space<vmem>>) semaphore(%arg12 : memref<!tpu.dma_semaphore, #tpu.memory_space<semaphore_mem>>)
      %scan3A_17 = arith.constant 0 : i32
      %scan3A_18 = arith.constant 0 : i32
      %scan3A_19 = arith.constant 20 : i32
      %scan3A_20 = arith.addi %scan3A_18, %scan3A_19 : i32
      %scan3A_21 = arith.constant 1 : i32
      scf.for %scan3A_30 = %scan3A_18 to %scan3A_20 step %scan3A_21  : i32 {
        %mul3A_31 = arith.constant 2 : i32
        %mul3A_32 = arith.muli %mul3A_31, %scan3A_30 : i32
        %add3A_33 = arith.constant 1 : i32
        %add3A_34 = arith.addi %mul3A_32, %add3A_33 : i32
        %add3A_35 = arith.constant 2 : i32
        %add3A_36 = arith.addi %mul3A_32, %add3A_35 : i32
        %dma_start3A_37 = arith.constant 0 : i32
        %dma_start3A_38 = tpu.memref_slice %arg7[%add3A_34, %dma_start3A_37] : memref<40x125xi32, #tpu.memory_space<vmem>> -> memref<1x125xi32, #tpu.memory_space<vmem>>
        %dma_start3A_39 = tpu.memref_squeeze %dma_start3A_38 : memref<1x125xi32, #tpu.memory_space<vmem>> -> memref<125xi32, #tpu.memory_space<vmem>>
        %dma_start3A_40 = arith.constant 0 : i32
        %dma_start3A_41 = tpu.memref_slice %arg2[%mul3A_6, %dma_start3A_40] : memref<204800x128xf32, #tpu.memory_space<hbm>> -> memref<10240x128xf32, #tpu.memory_space<hbm>>
        %dma_start3A_42 = arith.constant 0 : i32
        %dma_start3A_43 = arith.constant 0 : i32
        %dma_start3A_44 = tpu.memref_slice %dma_start3A_41[%dma_start3A_42, %dma_start3A_43] : memref<10240x128xf32, #tpu.memory_space<hbm>> -> memref<10240x128xf32, #tpu.memory_space<hbm>>
        tpu.enqueue_indirect_dma source(%dma_start3A_44 : memref<10240x128xf32, #tpu.memory_space<hbm>>) target(%arg10 : memref<125x128xf32, #tpu.memory_space<vmem>>) offsets(%dma_start3A_39 : memref<125xi32, #tpu.memory_space<vmem>>) semaphore(%arg13 : memref<!tpu.dma_semaphore, #tpu.memory_space<semaphore_mem>>)
        %dma_wait3A = arith.constant 0 : i32
        %dma_wait3A_45 = tpu.memref_slice %arg7[%mul3A_32, %dma_wait3A] : memref<40x125xi32, #tpu.memory_space<vmem>> -> memref<1x125xi32, #tpu.memory_space<vmem>>
        %dma_wait3A_46 = tpu.memref_squeeze %dma_wait3A_45 : memref<1x125xi32, #tpu.memory_space<vmem>> -> memref<125xi32, #tpu.memory_space<vmem>>
        %dma_wait3A_47 = arith.constant 0 : i32
        %dma_wait3A_48 = tpu.memref_slice %arg2[%mul3A_6, %dma_wait3A_47] : memref<204800x128xf32, #tpu.memory_space<hbm>> -> memref<10240x128xf32, #tpu.memory_space<hbm>>
        %dma_wait3A_49 = arith.constant 0 : i32
        %dma_wait3A_50 = arith.constant 0 : i32
        %dma_wait3A_51 = tpu.memref_slice %dma_wait3A_48[%dma_wait3A_49, %dma_wait3A_50] : memref<10240x128xf32, #tpu.memory_space<hbm>> -> memref<10240x128xf32, #tpu.memory_space<hbm>>
        tpu.wait_indirect_dma semaphore(%arg12 : memref<!tpu.dma_semaphore, #tpu.memory_space<semaphore_mem>>) src(%dma_wait3A_51 : memref<10240x128xf32, #tpu.memory_space<hbm>>) dst(%arg9 : memref<125x128xf32, #tpu.memory_space<vmem>>)
        "tpu.region"() ({
          %run_scoped3A = tpu.sem_alloc : memref<!tpu.dma_semaphore, #tpu.memory_space<semaphore_mem>>
          %dma_start3A_62 = arith.constant 0 : i32
          %dma_start3A_63 = tpu.memref_slice %arg8[%mul3A_32, %dma_start3A_62] : memref<40x125xi32, #tpu.memory_space<vmem>> -> memref<1x125xi32, #tpu.memory_space<vmem>>
          %dma_start3A_64 = tpu.memref_squeeze %dma_start3A_63 : memref<1x125xi32, #tpu.memory_space<vmem>> -> memref<125xi32, #tpu.memory_space<vmem>>
          %dma_start3A_65 = arith.constant 0 : i32
          %dma_start3A_66 = arith.constant 0 : i32
          %dma_start3A_67 = tpu.memref_slice %arg11[%dma_start3A_65, %dma_start3A_66] : memref<10240x128xf32, #tpu.memory_space<vmem_shared>> -> memref<10240x128xf32, #tpu.memory_space<vmem_shared>>
          tpu.enqueue_indirect_dma source(%arg9 : memref<125x128xf32, #tpu.memory_space<vmem>>) target(%dma_start3A_67 : memref<10240x128xf32, #tpu.memory_space<vmem_shared>>) offsets(%dma_start3A_64 : memref<125xi32, #tpu.memory_space<vmem>>) semaphore(%run_scoped3A : memref<!tpu.dma_semaphore, #tpu.memory_space<semaphore_mem>>) {add = true}
          %dma_wait3A_68 = arith.constant 0 : i32
          %dma_wait3A_69 = tpu.memref_slice %arg8[%mul3A_32, %dma_wait3A_68] : memref<40x125xi32, #tpu.memory_space<vmem>> -> memref<1x125xi32, #tpu.memory_space<vmem>>
          %dma_wait3A_70 = tpu.memref_squeeze %dma_wait3A_69 : memref<1x125xi32, #tpu.memory_space<vmem>> -> memref<125xi32, #tpu.memory_space<vmem>>
          %dma_wait3A_71 = arith.constant 0 : i32
          %dma_wait3A_72 = arith.constant 0 : i32
          %dma_wait3A_73 = tpu.memref_slice %arg11[%dma_wait3A_71, %dma_wait3A_72] : memref<10240x128xf32, #tpu.memory_space<vmem_shared>> -> memref<10240x128xf32, #tpu.memory_space<vmem_shared>>
          tpu.wait_indirect_dma semaphore(%run_scoped3A : memref<!tpu.dma_semaphore, #tpu.memory_space<semaphore_mem>>) src(%arg9 : memref<125x128xf32, #tpu.memory_space<vmem>>) dst(%dma_wait3A_73 : memref<10240x128xf32, #tpu.memory_space<vmem_shared>>)
          tpu.yield
        }) : () -> ()
        %lt3A = arith.constant 40 : i32
        %lt3A_52 = arith.cmpi slt, %add3A_36, %lt3A : i32
        %convert_element_type3A = arith.extui %lt3A_52 : i1 to i32
        %cond3A = arith.constant 0 : i32
        %cond3A_53 = arith.cmpi ne, %convert_element_type3A, %cond3A : i32
        scf.if %cond3A_53 {
          %dma_start3A_62 = arith.constant 0 : i32
          %dma_start3A_63 = tpu.memref_slice %arg7[%add3A_36, %dma_start3A_62] : memref<40x125xi32, #tpu.memory_space<vmem>> -> memref<1x125xi32, #tpu.memory_space<vmem>>
          %dma_start3A_64 = tpu.memref_squeeze %dma_start3A_63 : memref<1x125xi32, #tpu.memory_space<vmem>> -> memref<125xi32, #tpu.memory_space<vmem>>
          %dma_start3A_65 = arith.constant 0 : i32
          %dma_start3A_66 = tpu.memref_slice %arg2[%mul3A_6, %dma_start3A_65] : memref<204800x128xf32, #tpu.memory_space<hbm>> -> memref<10240x128xf32, #tpu.memory_space<hbm>>
          %dma_start3A_67 = arith.constant 0 : i32
          %dma_start3A_68 = arith.constant 0 : i32
          %dma_start3A_69 = tpu.memref_slice %dma_start3A_66[%dma_start3A_67, %dma_start3A_68] : memref<10240x128xf32, #tpu.memory_space<hbm>> -> memref<10240x128xf32, #tpu.memory_space<hbm>>
          tpu.enqueue_indirect_dma source(%dma_start3A_69 : memref<10240x128xf32, #tpu.memory_space<hbm>>) target(%arg9 : memref<125x128xf32, #tpu.memory_space<vmem>>) offsets(%dma_start3A_64 : memref<125xi32, #tpu.memory_space<vmem>>) semaphore(%arg12 : memref<!tpu.dma_semaphore, #tpu.memory_space<semaphore_mem>>)
        } else {
        }
        %dma_wait3A_54 = arith.constant 0 : i32
        %dma_wait3A_55 = tpu.memref_slice %arg7[%add3A_34, %dma_wait3A_54] : memref<40x125xi32, #tpu.memory_space<vmem>> -> memref<1x125xi32, #tpu.memory_space<vmem>>
        %dma_wait3A_56 = tpu.memref_squeeze %dma_wait3A_55 : memref<1x125xi32, #tpu.memory_space<vmem>> -> memref<125xi32, #tpu.memory_space<vmem>>
        %dma_wait3A_57 = arith.constant 0 : i32
        %dma_wait3A_58 = tpu.memref_slice %arg2[%mul3A_6, %dma_wait3A_57] : memref<204800x128xf32, #tpu.memory_space<hbm>> -> memref<10240x128xf32, #tpu.memory_space<hbm>>
        %dma_wait3A_59 = arith.constant 0 : i32
        %dma_wait3A_60 = arith.constant 0 : i32
        %dma_wait3A_61 = tpu.memref_slice %dma_wait3A_58[%dma_wait3A_59, %dma_wait3A_60] : memref<10240x128xf32, #tpu.memory_space<hbm>> -> memref<10240x128xf32, #tpu.memory_space<hbm>>
        tpu.wait_indirect_dma semaphore(%arg13 : memref<!tpu.dma_semaphore, #tpu.memory_space<semaphore_mem>>) src(%dma_wait3A_61 : memref<10240x128xf32, #tpu.memory_space<hbm>>) dst(%arg10 : memref<125x128xf32, #tpu.memory_space<vmem>>)
        "tpu.region"() ({
          %run_scoped3A = tpu.sem_alloc : memref<!tpu.dma_semaphore, #tpu.memory_space<semaphore_mem>>
          %dma_start3A_62 = arith.constant 0 : i32
          %dma_start3A_63 = tpu.memref_slice %arg8[%add3A_34, %dma_start3A_62] : memref<40x125xi32, #tpu.memory_space<vmem>> -> memref<1x125xi32, #tpu.memory_space<vmem>>
          %dma_start3A_64 = tpu.memref_squeeze %dma_start3A_63 : memref<1x125xi32, #tpu.memory_space<vmem>> -> memref<125xi32, #tpu.memory_space<vmem>>
          %dma_start3A_65 = arith.constant 0 : i32
          %dma_start3A_66 = arith.constant 0 : i32
          %dma_start3A_67 = tpu.memref_slice %arg11[%dma_start3A_65, %dma_start3A_66] : memref<10240x128xf32, #tpu.memory_space<vmem_shared>> -> memref<10240x128xf32, #tpu.memory_space<vmem_shared>>
          tpu.enqueue_indirect_dma source(%arg10 : memref<125x128xf32, #tpu.memory_space<vmem>>) target(%dma_start3A_67 : memref<10240x128xf32, #tpu.memory_space<vmem_shared>>) offsets(%dma_start3A_64 : memref<125xi32, #tpu.memory_space<vmem>>) semaphore(%run_scoped3A : memref<!tpu.dma_semaphore, #tpu.memory_space<semaphore_mem>>) {add = true}
          %dma_wait3A_68 = arith.constant 0 : i32
          %dma_wait3A_69 = tpu.memref_slice %arg8[%add3A_34, %dma_wait3A_68] : memref<40x125xi32, #tpu.memory_space<vmem>> -> memref<1x125xi32, #tpu.memory_space<vmem>>
          %dma_wait3A_70 = tpu.memref_squeeze %dma_wait3A_69 : memref<1x125xi32, #tpu.memory_space<vmem>> -> memref<125xi32, #tpu.memory_space<vmem>>
          %dma_wait3A_71 = arith.constant 0 : i32
          %dma_wait3A_72 = arith.constant 0 : i32
          %dma_wait3A_73 = tpu.memref_slice %arg11[%dma_wait3A_71, %dma_wait3A_72] : memref<10240x128xf32, #tpu.memory_space<vmem_shared>> -> memref<10240x128xf32, #tpu.memory_space<vmem_shared>>
          tpu.wait_indirect_dma semaphore(%run_scoped3A : memref<!tpu.dma_semaphore, #tpu.memory_space<semaphore_mem>>) src(%arg10 : memref<125x128xf32, #tpu.memory_space<vmem>>) dst(%dma_wait3A_73 : memref<10240x128xf32, #tpu.memory_space<vmem_shared>>)
          tpu.yield
        }) : () -> ()
      }
      %scan3A_22 = arith.constant 20 : i32
      %barrier3A_23 = arith.constant 0 : index
      tpu.barrier barrier_id(%barrier3A_23)
      %mul3A_24 = arith.constant 640 : i32
      %mul3A_25 = arith.muli %arg1, %mul3A_24 : i32
      %mul3A_26 = arith.constant 10240 : i32
      %mul3A_27 = arith.muli %scan3A_5, %mul3A_26 : i32
      %mul3A_28 = arith.constant 640 : i32
      %mul3A_29 = arith.muli %arg1, %mul3A_28 : i32
      %add3A = arith.addi %mul3A_27, %mul3A_29 : i32
      "tpu.region"() ({
        %run_scoped3A = tpu.sem_alloc : memref<!tpu.dma_semaphore, #tpu.memory_space<semaphore_mem>>
        %dma_start3A_30 = arith.constant 0 : i32
        %dma_start3A_31 = tpu.memref_slice %arg6[%arg0, %add3A, %dma_start3A_30] : memref<2x204800x128xf32, #tpu.memory_space<hbm>> -> memref<1x640x128xf32, #tpu.memory_space<hbm>>
        %dma_start3A_32 = tpu.memref_squeeze %dma_start3A_31 : memref<1x640x128xf32, #tpu.memory_space<hbm>> -> memref<640x128xf32, #tpu.memory_space<hbm>>
        %dma_start3A_33 = arith.constant 0 : i32
        %dma_start3A_34 = tpu.memref_slice %arg11[%mul3A_25, %dma_start3A_33] : memref<10240x128xf32, #tpu.memory_space<vmem_shared>> -> memref<640x128xf32, #tpu.memory_space<vmem_shared>>
        tpu.enqueue_dma source(%dma_start3A_34 : memref<640x128xf32, #tpu.memory_space<vmem_shared>>) target(%dma_start3A_32 : memref<640x128xf32, #tpu.memory_space<hbm>>) target_semaphore(%run_scoped3A : memref<!tpu.dma_semaphore, #tpu.memory_space<semaphore_mem>>)
        %dma_wait3A = arith.constant 0 : i32
        %dma_wait3A_35 = tpu.memref_slice %arg6[%arg0, %add3A, %dma_wait3A] : memref<2x204800x128xf32, #tpu.memory_space<hbm>> -> memref<1x640x128xf32, #tpu.memory_space<hbm>>
        %dma_wait3A_36 = tpu.memref_squeeze %dma_wait3A_35 : memref<1x640x128xf32, #tpu.memory_space<hbm>> -> memref<640x128xf32, #tpu.memory_space<hbm>>
        %dma_wait3A_37 = arith.constant 0 : i32
        %dma_wait3A_38 = tpu.memref_slice %arg11[%mul3A_25, %dma_wait3A_37] : memref<10240x128xf32, #tpu.memory_space<vmem_shared>> -> memref<640x128xf32, #tpu.memory_space<vmem_shared>>
        tpu.wait_dma2 semaphore(%run_scoped3A : memref<!tpu.dma_semaphore, #tpu.memory_space<semaphore_mem>>) src(%dma_wait3A_38 : memref<640x128xf32, #tpu.memory_space<vmem_shared>>) dst(%dma_wait3A_36 : memref<640x128xf32, #tpu.memory_space<hbm>>)
        tpu.yield
      }) : () -> ()
    }
    %scan3A_4 = arith.constant 20 : i32
    return
  }
}

module attributes {stable_mosaic.version = 14 : i64} {
  func.func @_prep_body(%arg0: i32, %arg1: memref<2x2x512x128xf32, #tpu.memory_space<vmem>>, %arg2: memref<512x128xf32, #tpu.memory_space<vmem>>, %arg3: memref<512x1xf32, #tpu.memory_space<vmem>>, %arg4: memref<512x1xf32, #tpu.memory_space<vmem>>, %arg5: memref<512x128xf32, #tpu.memory_space<vmem>>) attributes {dimension_semantics = [#tpu.dimension_semantics<arbitrary>], iteration_bounds = array<i64: 20>, scalar_prefetch = 0 : i64, scratch_operands = 0 : i64, tpu.core_type = #tpu.core_type<tc>, window_params = [{transform_indices = @transform_0, window_bounds = array<i64: 2, 2, 512, 128>}, {transform_indices = @transform_1, window_bounds = array<i64: 512, 128>}, {transform_indices = @transform_2, window_bounds = array<i64: 512, 1>}, {transform_indices = @transform_3, window_bounds = array<i64: 512, 1>}, {transform_indices = @transform_4, window_bounds = array<i64: 512, 128>}]} {
    %get3A = arith.constant 0 : index
    %get3A_0 = arith.constant 0 : index
    %get3A_1 = arith.constant 0 : index
    %get3A_2 = arith.constant 0 : index
    %get3A_3 = vector.load %arg1[%get3A, %get3A_0, %get3A_1, %get3A_2] : memref<2x2x512x128xf32, #tpu.memory_space<vmem>>, vector<1x1x512x1xf32>
    %get3A_4 = vector.shape_cast %get3A_3 : vector<1x1x512x1xf32> to vector<512x1xf32>
    %get3A_5 = arith.constant 1 : index
    %get3A_6 = arith.constant 0 : index
    %get3A_7 = arith.constant 0 : index
    %get3A_8 = arith.constant 0 : index
    %get3A_9 = vector.load %arg1[%get3A_5, %get3A_6, %get3A_7, %get3A_8] : memref<2x2x512x128xf32, #tpu.memory_space<vmem>>, vector<1x1x512x1xf32>
    %get3A_10 = vector.shape_cast %get3A_9 : vector<1x1x512x1xf32> to vector<512x1xf32>
    %add3A = arith.addf %get3A_4, %get3A_10 : vector<512x1xf32>
    %get3A_11 = arith.constant 0 : index
    %get3A_12 = arith.constant 1 : index
    %get3A_13 = arith.constant 0 : index
    %get3A_14 = arith.constant 0 : index
    %get3A_15 = vector.load %arg1[%get3A_11, %get3A_12, %get3A_13, %get3A_14] : memref<2x2x512x128xf32, #tpu.memory_space<vmem>>, vector<1x1x512x1xf32>
    %get3A_16 = vector.shape_cast %get3A_15 : vector<1x1x512x1xf32> to vector<512x1xf32>
    %get3A_17 = arith.constant 1 : index
    %get3A_18 = arith.constant 1 : index
    %get3A_19 = arith.constant 0 : index
    %get3A_20 = arith.constant 0 : index
    %get3A_21 = vector.load %arg1[%get3A_17, %get3A_18, %get3A_19, %get3A_20] : memref<2x2x512x128xf32, #tpu.memory_space<vmem>>, vector<1x1x512x1xf32>
    %get3A_22 = vector.shape_cast %get3A_21 : vector<1x1x512x1xf32> to vector<512x1xf32>
    %add3A_23 = arith.addf %get3A_16, %get3A_22 : vector<512x1xf32>
    %max3A = arith.constant 1.000000e+00 : f32
    %max3A_24 = vector.broadcast %max3A : f32 to vector<512x1xf32>
    %max3A_25 = arith.maximumf %add3A, %max3A_24 : vector<512x1xf32>
    %rsqrt3A = math.rsqrt %max3A_25 : vector<512x1xf32>
    %max3A_26 = arith.constant 1.000000e+00 : f32
    %max3A_27 = vector.broadcast %max3A_26 : f32 to vector<512x1xf32>
    %max3A_28 = arith.maximumf %add3A_23, %max3A_27 : vector<512x1xf32>
    %rsqrt3A_29 = math.rsqrt %max3A_28 : vector<512x1xf32>
    %swap3A = arith.constant 0 : index
    %swap3A_30 = arith.constant 0 : index
    %swap3A_31 = vector.load %arg4[%swap3A, %swap3A_30] : memref<512x1xf32, #tpu.memory_space<vmem>>, vector<512x1xf32>
    tpu.vector_store %arg4[%swap3A, %swap3A_30], %rsqrt3A_29 {strides = array<i32>} : memref<512x1xf32, #tpu.memory_space<vmem>>, vector<512x1xf32>,
    %swap3A_32 = arith.constant 0 : index
    %swap3A_33 = arith.constant 0 : index
    %swap3A_34 = vector.load %arg3[%swap3A_32, %swap3A_33] : memref<512x1xf32, #tpu.memory_space<vmem>>, vector<512x1xf32>
    tpu.vector_store %arg3[%swap3A_32, %swap3A_33], %rsqrt3A {strides = array<i32>} : memref<512x1xf32, #tpu.memory_space<vmem>>, vector<512x1xf32>,
    %get3A_35 = arith.constant 0 : index
    %get3A_36 = arith.constant 0 : index
    %get3A_37 = vector.load %arg2[%get3A_35, %get3A_36] : memref<512x128xf32, #tpu.memory_space<vmem>>, vector<512x128xf32>
    %mul3A = vector.broadcast %rsqrt3A : vector<512x1xf32> to vector<512x128xf32>
    %mul3A_38 = arith.mulf %get3A_37, %mul3A : vector<512x128xf32>
    %swap3A_39 = arith.constant 0 : index
    %swap3A_40 = arith.constant 0 : index
    %swap3A_41 = vector.load %arg5[%swap3A_39, %swap3A_40] : memref<512x128xf32, #tpu.memory_space<vmem>>, vector<512x128xf32>
    tpu.vector_store %arg5[%swap3A_39, %swap3A_40], %mul3A_38 {strides = array<i32>} : memref<512x128xf32, #tpu.memory_space<vmem>>, vector<512x128xf32>,
    return
  }
  func.func @transform_0(%arg0: i32) -> (i32, i32, i32, i32) {
    %c0_i32 = arith.constant 0 : i32
    %c0_i32_0 = arith.constant 0 : i32
    %c0_i32_1 = arith.constant 0 : i32
    %c0_i32_2 = arith.constant 0 : i32
    return %c0_i32, %c0_i32_0, %arg0, %c0_i32_1 : i32, i32, i32, i32
  }
  func.func @transform_1(%arg0: i32) -> (i32, i32) {
    %c0_i32 = arith.constant 0 : i32
    %c0_i32_0 = arith.constant 0 : i32
    return %arg0, %c0_i32 : i32, i32
  }
  func.func @transform_2(%arg0: i32) -> (i32, i32) {
    %c0_i32 = arith.constant 0 : i32
    %c0_i32_0 = arith.constant 0 : i32
    return %arg0, %c0_i32 : i32, i32
  }
  func.func @transform_3(%arg0: i32) -> (i32, i32) {
    %c0_i32 = arith.constant 0 : i32
    %c0_i32_0 = arith.constant 0 : i32
    return %arg0, %c0_i32 : i32, i32
  }
  func.func @transform_4(%arg0: i32) -> (i32, i32) {
    %c0_i32 = arith.constant 0 : i32
    %c0_i32_0 = arith.constant 0 : i32
    return %arg0, %c0_i32 : i32, i32
  }
}

module attributes {stable_mosaic.version = 14 : i64} {
  func.func @_l1_body(%arg0: i32, %arg1: memref<2x1x512x128xf32, #tpu.memory_space<vmem>>, %arg2: memref<512x1xf32, #tpu.memory_space<vmem>>, %arg3: memref<512x1xf32, #tpu.memory_space<vmem>>, %arg4: memref<1x64xf32, #tpu.memory_space<vmem>>, %arg5: memref<1x64xf32, #tpu.memory_space<vmem>>, %arg6: memref<1x64xf32, #tpu.memory_space<vmem>>, %arg7: memref<1x64xf32, #tpu.memory_space<vmem>>, %arg8: memref<5x512x128xf32, #tpu.memory_space<vmem>>) attributes {dimension_semantics = [#tpu.dimension_semantics<arbitrary>], iteration_bounds = array<i64: 20>, scalar_prefetch = 0 : i64, scratch_operands = 0 : i64, tpu.core_type = #tpu.core_type<tc>, window_params = [{transform_indices = @transform_0, window_bounds = array<i64: 2, 1, 512, 128>}, {transform_indices = @transform_1, window_bounds = array<i64: 512, 1>}, {transform_indices = @transform_2, window_bounds = array<i64: 512, 1>}, {pipeline_mode = #tpu.pipeline_mode<synchronous>, transform_indices = @transform_3, window_bounds = array<i64: 1, 64>}, {pipeline_mode = #tpu.pipeline_mode<synchronous>, transform_indices = @transform_4, window_bounds = array<i64: 1, 64>}, {pipeline_mode = #tpu.pipeline_mode<synchronous>, transform_indices = @transform_5, window_bounds = array<i64: 1, 64>}, {pipeline_mode = #tpu.pipeline_mode<synchronous>, transform_indices = @transform_6, window_bounds = array<i64: 1, 64>}, {transform_indices = @transform_7, window_bounds = array<i64: 5, 512, 128>}]} {
    %get3A = arith.constant 0 : index
    %get3A_0 = arith.constant 0 : index
    %get3A_1 = arith.constant 0 : index
    %get3A_2 = arith.constant 0 : index
    %get3A_3 = vector.load %arg1[%get3A, %get3A_0, %get3A_1, %get3A_2] : memref<2x1x512x128xf32, #tpu.memory_space<vmem>>, vector<1x1x512x128xf32>
    %get3A_4 = vector.shape_cast %get3A_3 : vector<1x1x512x128xf32> to vector<512x128xf32>
    %get3A_5 = arith.constant 1 : index
    %get3A_6 = arith.constant 0 : index
    %get3A_7 = arith.constant 0 : index
    %get3A_8 = arith.constant 0 : index
    %get3A_9 = vector.load %arg1[%get3A_5, %get3A_6, %get3A_7, %get3A_8] : memref<2x1x512x128xf32, #tpu.memory_space<vmem>>, vector<1x1x512x128xf32>
    %get3A_10 = vector.shape_cast %get3A_9 : vector<1x1x512x128xf32> to vector<512x128xf32>
    %add3A = arith.addf %get3A_4, %get3A_10 : vector<512x128xf32>
    %get3A_11 = arith.constant 0 : index
    %get3A_12 = arith.constant 0 : index
    %get3A_13 = vector.load %arg2[%get3A_11, %get3A_12] : memref<512x1xf32, #tpu.memory_space<vmem>>, vector<512x1xf32>
    %mul3A = vector.broadcast %get3A_13 : vector<512x1xf32> to vector<512x128xf32>
    %mul3A_14 = arith.mulf %add3A, %mul3A : vector<512x128xf32>
    %slice3A = vector.extract_strided_slice %mul3A_14 {offsets = [0, 0], sizes = [512, 1], strides = [1, 1]} : vector<512x128xf32> to vector<512x1xf32>
    %get3A_15 = arith.constant 0 : index
    %get3A_16 = arith.constant 0 : index
    %get3A_17 = vector.load %arg4[%get3A_15, %get3A_16] : memref<1x64xf32, #tpu.memory_space<vmem>>, vector<1x64xf32>
    %mul3A_18 = vector.broadcast %slice3A : vector<512x1xf32> to vector<512x64xf32>
    %mul3A_19 = vector.broadcast %get3A_17 : vector<1x64xf32> to vector<512x64xf32>
    %mul3A_20 = arith.mulf %mul3A_18, %mul3A_19 : vector<512x64xf32>
    %get3A_21 = arith.constant 0 : index
    %get3A_22 = arith.constant 0 : index
    %get3A_23 = vector.load %arg5[%get3A_21, %get3A_22] : memref<1x64xf32, #tpu.memory_space<vmem>>, vector<1x64xf32>
    %add3A_24 = vector.broadcast %get3A_23 : vector<1x64xf32> to vector<512x64xf32>
    %add3A_25 = arith.addf %mul3A_20, %add3A_24 : vector<512x64xf32>
    %neg3A = arith.constant 0.000000e+00 : f32
    %neg3A_26 = vector.broadcast %neg3A : f32 to vector<512x64xf32>
    %neg3A_27 = arith.subf %neg3A_26, %add3A_25 : vector<512x64xf32>
    %exp3A = math.exp %neg3A_27 : vector<512x64xf32>
    %add3A_28 = arith.constant 1.000000e+00 : f32
    %add3A_29 = vector.broadcast %add3A_28 : f32 to vector<512x64xf32>
    %add3A_30 = arith.addf %add3A_29, %exp3A : vector<512x64xf32>
    %div3A = arith.constant 1.000000e+00 : f32
    %div3A_31 = vector.broadcast %div3A : f32 to vector<512x64xf32>
    %div3A_32 = arith.divf %div3A_31, %add3A_30 : vector<512x64xf32>
    %mul3A_33 = arith.mulf %add3A_25, %div3A_32 : vector<512x64xf32>
    %get3A_34 = arith.constant 0 : index
    %get3A_35 = arith.constant 0 : index
    %get3A_36 = vector.load %arg6[%get3A_34, %get3A_35] : memref<1x64xf32, #tpu.memory_space<vmem>>, vector<1x64xf32>
    %get3A_37 = arith.constant 0 : index
    %get3A_38 = arith.constant 0 : index
    %get3A_39 = vector.load %arg7[%get3A_37, %get3A_38] : memref<1x64xf32, #tpu.memory_space<vmem>>, vector<1x64xf32>
    %reduce_sum3A = arith.constant dense<0.000000e+00> : vector<512xf32>
    %reduce_sum3A_40 = vector.multi_reduction <add>, %mul3A_33, %reduce_sum3A [1] : vector<512x64xf32> to vector<512xf32>
    %broadcast_in_dim3A = vector.shape_cast %reduce_sum3A_40 : vector<512xf32> to vector<512x1xf32>
    %div3A_41 = arith.constant 6.400000e+01 : f32
    %div3A_42 = vector.broadcast %div3A_41 : f32 to vector<512x1xf32>
    %div3A_43 = arith.divf %broadcast_in_dim3A, %div3A_42 : vector<512x1xf32>
    %sub3A = vector.broadcast %div3A_43 : vector<512x1xf32> to vector<512x64xf32>
    %sub3A_44 = arith.subf %mul3A_33, %sub3A : vector<512x64xf32>
    %integer_pow3A = arith.mulf %sub3A_44, %sub3A_44 : vector<512x64xf32>
    %reduce_sum3A_45 = arith.constant dense<0.000000e+00> : vector<512xf32>
    %reduce_sum3A_46 = vector.multi_reduction <add>, %integer_pow3A, %reduce_sum3A_45 [1] : vector<512x64xf32> to vector<512xf32>
    %broadcast_in_dim3A_47 = vector.shape_cast %reduce_sum3A_46 : vector<512xf32> to vector<512x1xf32>
    %div3A_48 = arith.constant 6.400000e+01 : f32
    %div3A_49 = vector.broadcast %div3A_48 : f32 to vector<512x1xf32>
    %div3A_50 = arith.divf %broadcast_in_dim3A_47, %div3A_49 : vector<512x1xf32>
    %sub3A_51 = vector.broadcast %div3A_43 : vector<512x1xf32> to vector<512x64xf32>
    %sub3A_52 = arith.subf %mul3A_33, %sub3A_51 : vector<512x64xf32>
    %add3A_53 = arith.constant 9.99999974E-6 : f32
    %add3A_54 = vector.broadcast %add3A_53 : f32 to vector<512x1xf32>
    %add3A_55 = arith.addf %div3A_50, %add3A_54 : vector<512x1xf32>
    %rsqrt3A = math.rsqrt %add3A_55 : vector<512x1xf32>
    %mul3A_56 = vector.broadcast %rsqrt3A : vector<512x1xf32> to vector<512x64xf32>
    %mul3A_57 = arith.mulf %sub3A_52, %mul3A_56 : vector<512x64xf32>
    %mul3A_58 = vector.broadcast %get3A_36 : vector<1x64xf32> to vector<512x64xf32>
    %mul3A_59 = arith.mulf %mul3A_57, %mul3A_58 : vector<512x64xf32>
    %add3A_60 = vector.broadcast %get3A_39 : vector<1x64xf32> to vector<512x64xf32>
    %add3A_61 = arith.addf %mul3A_59, %add3A_60 : vector<512x64xf32>
    %get3A_62 = arith.constant 0 : index
    %get3A_63 = arith.constant 0 : index
    %get3A_64 = vector.load %arg3[%get3A_62, %get3A_63] : memref<512x1xf32, #tpu.memory_space<vmem>>, vector<512x1xf32>
    %mul3A_65 = vector.broadcast %get3A_64 : vector<512x1xf32> to vector<512x64xf32>
    %mul3A_66 = arith.mulf %add3A_61, %mul3A_65 : vector<512x64xf32>
    %swap3A = arith.constant 0 : index
    %swap3A_67 = arith.constant 0 : index
    %swap3A_68 = arith.constant 0 : index
    %swap3A_69 = vector.load %arg8[%swap3A, %swap3A_67, %swap3A_68] : memref<5x512x128xf32, #tpu.memory_space<vmem>>, vector<1x512x64xf32>
    %swap3A_70 = vector.shape_cast %swap3A_69 : vector<1x512x64xf32> to vector<512x64xf32>
    %swap3A_71 = vector.shape_cast %mul3A_66 : vector<512x64xf32> to vector<1x512x64xf32>
    tpu.vector_store %arg8[%swap3A, %swap3A_67, %swap3A_68], %swap3A_71 {strides = array<i32>} : memref<5x512x128xf32, #tpu.memory_space<vmem>>, vector<1x512x64xf32>,
    %slice3A_72 = vector.extract_strided_slice %mul3A_14 {offsets = [0, 1], sizes = [512, 1], strides = [1, 1]} : vector<512x128xf32> to vector<512x1xf32>
    %get3A_73 = arith.constant 0 : index
    %get3A_74 = arith.constant 0 : index
    %get3A_75 = vector.load %arg4[%get3A_73, %get3A_74] : memref<1x64xf32, #tpu.memory_space<vmem>>, vector<1x64xf32>
    %mul3A_76 = vector.broadcast %slice3A_72 : vector<512x1xf32> to vector<512x64xf32>
    %mul3A_77 = vector.broadcast %get3A_75 : vector<1x64xf32> to vector<512x64xf32>
    %mul3A_78 = arith.mulf %mul3A_76, %mul3A_77 : vector<512x64xf32>
    %get3A_79 = arith.constant 0 : index
    %get3A_80 = arith.constant 0 : index
    %get3A_81 = vector.load %arg5[%get3A_79, %get3A_80] : memref<1x64xf32, #tpu.memory_space<vmem>>, vector<1x64xf32>
    %add3A_82 = vector.broadcast %get3A_81 : vector<1x64xf32> to vector<512x64xf32>
    %add3A_83 = arith.addf %mul3A_78, %add3A_82 : vector<512x64xf32>
    %neg3A_84 = arith.constant 0.000000e+00 : f32
    %neg3A_85 = vector.broadcast %neg3A_84 : f32 to vector<512x64xf32>
    %neg3A_86 = arith.subf %neg3A_85, %add3A_83 : vector<512x64xf32>
    %exp3A_87 = math.exp %neg3A_86 : vector<512x64xf32>
    %add3A_88 = arith.constant 1.000000e+00 : f32
    %add3A_89 = vector.broadcast %add3A_88 : f32 to vector<512x64xf32>
    %add3A_90 = arith.addf %add3A_89, %exp3A_87 : vector<512x64xf32>
    %div3A_91 = arith.constant 1.000000e+00 : f32
    %div3A_92 = vector.broadcast %div3A_91 : f32 to vector<512x64xf32>
    %div3A_93 = arith.divf %div3A_92, %add3A_90 : vector<512x64xf32>
    %mul3A_94 = arith.mulf %add3A_83, %div3A_93 : vector<512x64xf32>
    %get3A_95 = arith.constant 0 : index
    %get3A_96 = arith.constant 0 : index
    %get3A_97 = vector.load %arg6[%get3A_95, %get3A_96] : memref<1x64xf32, #tpu.memory_space<vmem>>, vector<1x64xf32>
    %get3A_98 = arith.constant 0 : index
    %get3A_99 = arith.constant 0 : index
    %get3A_100 = vector.load %arg7[%get3A_98, %get3A_99] : memref<1x64xf32, #tpu.memory_space<vmem>>, vector<1x64xf32>
    %reduce_sum3A_101 = arith.constant dense<0.000000e+00> : vector<512xf32>
    %reduce_sum3A_102 = vector.multi_reduction <add>, %mul3A_94, %reduce_sum3A_101 [1] : vector<512x64xf32> to vector<512xf32>
    %broadcast_in_dim3A_103 = vector.shape_cast %reduce_sum3A_102 : vector<512xf32> to vector<512x1xf32>
    %div3A_104 = arith.constant 6.400000e+01 : f32
    %div3A_105 = vector.broadcast %div3A_104 : f32 to vector<512x1xf32>
    %div3A_106 = arith.divf %broadcast_in_dim3A_103, %div3A_105 : vector<512x1xf32>
    %sub3A_107 = vector.broadcast %div3A_106 : vector<512x1xf32> to vector<512x64xf32>
    %sub3A_108 = arith.subf %mul3A_94, %sub3A_107 : vector<512x64xf32>
    %integer_pow3A_109 = arith.mulf %sub3A_108, %sub3A_108 : vector<512x64xf32>
    %reduce_sum3A_110 = arith.constant dense<0.000000e+00> : vector<512xf32>
    %reduce_sum3A_111 = vector.multi_reduction <add>, %integer_pow3A_109, %reduce_sum3A_110 [1] : vector<512x64xf32> to vector<512xf32>
    %broadcast_in_dim3A_112 = vector.shape_cast %reduce_sum3A_111 : vector<512xf32> to vector<512x1xf32>
    %div3A_113 = arith.constant 6.400000e+01 : f32
    %div3A_114 = vector.broadcast %div3A_113 : f32 to vector<512x1xf32>
    %div3A_115 = arith.divf %broadcast_in_dim3A_112, %div3A_114 : vector<512x1xf32>
    %sub3A_116 = vector.broadcast %div3A_106 : vector<512x1xf32> to vector<512x64xf32>
    %sub3A_117 = arith.subf %mul3A_94, %sub3A_116 : vector<512x64xf32>
    %add3A_118 = arith.constant 9.99999974E-6 : f32
    %add3A_119 = vector.broadcast %add3A_118 : f32 to vector<512x1xf32>
    %add3A_120 = arith.addf %div3A_115, %add3A_119 : vector<512x1xf32>
    %rsqrt3A_121 = math.rsqrt %add3A_120 : vector<512x1xf32>
    %mul3A_122 = vector.broadcast %rsqrt3A_121 : vector<512x1xf32> to vector<512x64xf32>
    %mul3A_123 = arith.mulf %sub3A_117, %mul3A_122 : vector<512x64xf32>
    %mul3A_124 = vector.broadcast %get3A_97 : vector<1x64xf32> to vector<512x64xf32>
    %mul3A_125 = arith.mulf %mul3A_123, %mul3A_124 : vector<512x64xf32>
    %add3A_126 = vector.broadcast %get3A_100 : vector<1x64xf32> to vector<512x64xf32>
    %add3A_127 = arith.addf %mul3A_125, %add3A_126 : vector<512x64xf32>
    %get3A_128 = arith.constant 0 : index
    %get3A_129 = arith.constant 0 : index
    %get3A_130 = vector.load %arg3[%get3A_128, %get3A_129] : memref<512x1xf32, #tpu.memory_space<vmem>>, vector<512x1xf32>
    %mul3A_131 = vector.broadcast %get3A_130 : vector<512x1xf32> to vector<512x64xf32>
    %mul3A_132 = arith.mulf %add3A_127, %mul3A_131 : vector<512x64xf32>
    %swap3A_133 = arith.constant 0 : index
    %swap3A_134 = arith.constant 0 : index
    %swap3A_135 = arith.constant 64 : index
    %swap3A_136 = vector.load %arg8[%swap3A_133, %swap3A_134, %swap3A_135] : memref<5x512x128xf32, #tpu.memory_space<vmem>>, vector<1x512x64xf32>
    %swap3A_137 = vector.shape_cast %swap3A_136 : vector<1x512x64xf32> to vector<512x64xf32>
    %swap3A_138 = vector.shape_cast %mul3A_132 : vector<512x64xf32> to vector<1x512x64xf32>
    tpu.vector_store %arg8[%swap3A_133, %swap3A_134, %swap3A_135], %swap3A_138 {strides = array<i32>} : memref<5x512x128xf32, #tpu.memory_space<vmem>>, vector<1x512x64xf32>,
    %slice3A_139 = vector.extract_strided_slice %mul3A_14 {offsets = [0, 2], sizes = [512, 1], strides = [1, 1]} : vector<512x128xf32> to vector<512x1xf32>
    %get3A_140 = arith.constant 0 : index
    %get3A_141 = arith.constant 0 : index
    %get3A_142 = vector.load %arg4[%get3A_140, %get3A_141] : memref<1x64xf32, #tpu.memory_space<vmem>>, vector<1x64xf32>
    %mul3A_143 = vector.broadcast %slice3A_139 : vector<512x1xf32> to vector<512x64xf32>
    %mul3A_144 = vector.broadcast %get3A_142 : vector<1x64xf32> to vector<512x64xf32>
    %mul3A_145 = arith.mulf %mul3A_143, %mul3A_144 : vector<512x64xf32>
    %get3A_146 = arith.constant 0 : index
    %get3A_147 = arith.constant 0 : index
    %get3A_148 = vector.load %arg5[%get3A_146, %get3A_147] : memref<1x64xf32, #tpu.memory_space<vmem>>, vector<1x64xf32>
    %add3A_149 = vector.broadcast %get3A_148 : vector<1x64xf32> to vector<512x64xf32>
    %add3A_150 = arith.addf %mul3A_145, %add3A_149 : vector<512x64xf32>
    %neg3A_151 = arith.constant 0.000000e+00 : f32
    %neg3A_152 = vector.broadcast %neg3A_151 : f32 to vector<512x64xf32>
    %neg3A_153 = arith.subf %neg3A_152, %add3A_150 : vector<512x64xf32>
    %exp3A_154 = math.exp %neg3A_153 : vector<512x64xf32>
    %add3A_155 = arith.constant 1.000000e+00 : f32
    %add3A_156 = vector.broadcast %add3A_155 : f32 to vector<512x64xf32>
    %add3A_157 = arith.addf %add3A_156, %exp3A_154 : vector<512x64xf32>
    %div3A_158 = arith.constant 1.000000e+00 : f32
    %div3A_159 = vector.broadcast %div3A_158 : f32 to vector<512x64xf32>
    %div3A_160 = arith.divf %div3A_159, %add3A_157 : vector<512x64xf32>
    %mul3A_161 = arith.mulf %add3A_150, %div3A_160 : vector<512x64xf32>
    %get3A_162 = arith.constant 0 : index
    %get3A_163 = arith.constant 0 : index
    %get3A_164 = vector.load %arg6[%get3A_162, %get3A_163] : memref<1x64xf32, #tpu.memory_space<vmem>>, vector<1x64xf32>
    %get3A_165 = arith.constant 0 : index
    %get3A_166 = arith.constant 0 : index
    %get3A_167 = vector.load %arg7[%get3A_165, %get3A_166] : memref<1x64xf32, #tpu.memory_space<vmem>>, vector<1x64xf32>
    %reduce_sum3A_168 = arith.constant dense<0.000000e+00> : vector<512xf32>
    %reduce_sum3A_169 = vector.multi_reduction <add>, %mul3A_161, %reduce_sum3A_168 [1] : vector<512x64xf32> to vector<512xf32>
    %broadcast_in_dim3A_170 = vector.shape_cast %reduce_sum3A_169 : vector<512xf32> to vector<512x1xf32>
    %div3A_171 = arith.constant 6.400000e+01 : f32
    %div3A_172 = vector.broadcast %div3A_171 : f32 to vector<512x1xf32>
    %div3A_173 = arith.divf %broadcast_in_dim3A_170, %div3A_172 : vector<512x1xf32>
    %sub3A_174 = vector.broadcast %div3A_173 : vector<512x1xf32> to vector<512x64xf32>
    %sub3A_175 = arith.subf %mul3A_161, %sub3A_174 : vector<512x64xf32>
    %integer_pow3A_176 = arith.mulf %sub3A_175, %sub3A_175 : vector<512x64xf32>
    %reduce_sum3A_177 = arith.constant dense<0.000000e+00> : vector<512xf32>
    %reduce_sum3A_178 = vector.multi_reduction <add>, %integer_pow3A_176, %reduce_sum3A_177 [1] : vector<512x64xf32> to vector<512xf32>
    %broadcast_in_dim3A_179 = vector.shape_cast %reduce_sum3A_178 : vector<512xf32> to vector<512x1xf32>
    %div3A_180 = arith.constant 6.400000e+01 : f32
    %div3A_181 = vector.broadcast %div3A_180 : f32 to vector<512x1xf32>
    %div3A_182 = arith.divf %broadcast_in_dim3A_179, %div3A_181 : vector<512x1xf32>
    %sub3A_183 = vector.broadcast %div3A_173 : vector<512x1xf32> to vector<512x64xf32>
    %sub3A_184 = arith.subf %mul3A_161, %sub3A_183 : vector<512x64xf32>
    %add3A_185 = arith.constant 9.99999974E-6 : f32
    %add3A_186 = vector.broadcast %add3A_185 : f32 to vector<512x1xf32>
    %add3A_187 = arith.addf %div3A_182, %add3A_186 : vector<512x1xf32>
    %rsqrt3A_188 = math.rsqrt %add3A_187 : vector<512x1xf32>
    %mul3A_189 = vector.broadcast %rsqrt3A_188 : vector<512x1xf32> to vector<512x64xf32>
    %mul3A_190 = arith.mulf %sub3A_184, %mul3A_189 : vector<512x64xf32>
    %mul3A_191 = vector.broadcast %get3A_164 : vector<1x64xf32> to vector<512x64xf32>
    %mul3A_192 = arith.mulf %mul3A_190, %mul3A_191 : vector<512x64xf32>
    %add3A_193 = vector.broadcast %get3A_167 : vector<1x64xf32> to vector<512x64xf32>
    %add3A_194 = arith.addf %mul3A_192, %add3A_193 : vector<512x64xf32>
    %get3A_195 = arith.constant 0 : index
    %get3A_196 = arith.constant 0 : index
    %get3A_197 = vector.load %arg3[%get3A_195, %get3A_196] : memref<512x1xf32, #tpu.memory_space<vmem>>, vector<512x1xf32>
    %mul3A_198 = vector.broadcast %get3A_197 : vector<512x1xf32> to vector<512x64xf32>
    %mul3A_199 = arith.mulf %add3A_194, %mul3A_198 : vector<512x64xf32>
    %swap3A_200 = arith.constant 1 : index
    %swap3A_201 = arith.constant 0 : index
    %swap3A_202 = arith.constant 0 : index
    %swap3A_203 = vector.load %arg8[%swap3A_200, %swap3A_201, %swap3A_202] : memref<5x512x128xf32, #tpu.memory_space<vmem>>, vector<1x512x64xf32>
    %swap3A_204 = vector.shape_cast %swap3A_203 : vector<1x512x64xf32> to vector<512x64xf32>
    %swap3A_205 = vector.shape_cast %mul3A_199 : vector<512x64xf32> to vector<1x512x64xf32>
    tpu.vector_store %arg8[%swap3A_200, %swap3A_201, %swap3A_202], %swap3A_205 {strides = array<i32>} : memref<5x512x128xf32, #tpu.memory_space<vmem>>, vector<1x512x64xf32>,
    %slice3A_206 = vector.extract_strided_slice %mul3A_14 {offsets = [0, 3], sizes = [512, 1], strides = [1, 1]} : vector<512x128xf32> to vector<512x1xf32>
    %get3A_207 = arith.constant 0 : index
    %get3A_208 = arith.constant 0 : index
    %get3A_209 = vector.load %arg4[%get3A_207, %get3A_208] : memref<1x64xf32, #tpu.memory_space<vmem>>, vector<1x64xf32>
    %mul3A_210 = vector.broadcast %slice3A_206 : vector<512x1xf32> to vector<512x64xf32>
    %mul3A_211 = vector.broadcast %get3A_209 : vector<1x64xf32> to vector<512x64xf32>
    %mul3A_212 = arith.mulf %mul3A_210, %mul3A_211 : vector<512x64xf32>
    %get3A_213 = arith.constant 0 : index
    %get3A_214 = arith.constant 0 : index
    %get3A_215 = vector.load %arg5[%get3A_213, %get3A_214] : memref<1x64xf32, #tpu.memory_space<vmem>>, vector<1x64xf32>
    %add3A_216 = vector.broadcast %get3A_215 : vector<1x64xf32> to vector<512x64xf32>
    %add3A_217 = arith.addf %mul3A_212, %add3A_216 : vector<512x64xf32>
    %neg3A_218 = arith.constant 0.000000e+00 : f32
    %neg3A_219 = vector.broadcast %neg3A_218 : f32 to vector<512x64xf32>
    %neg3A_220 = arith.subf %neg3A_219, %add3A_217 : vector<512x64xf32>
    %exp3A_221 = math.exp %neg3A_220 : vector<512x64xf32>
    %add3A_222 = arith.constant 1.000000e+00 : f32
    %add3A_223 = vector.broadcast %add3A_222 : f32 to vector<512x64xf32>
    %add3A_224 = arith.addf %add3A_223, %exp3A_221 : vector<512x64xf32>
    %div3A_225 = arith.constant 1.000000e+00 : f32
    %div3A_226 = vector.broadcast %div3A_225 : f32 to vector<512x64xf32>
    %div3A_227 = arith.divf %div3A_226, %add3A_224 : vector<512x64xf32>
    %mul3A_228 = arith.mulf %add3A_217, %div3A_227 : vector<512x64xf32>
    %get3A_229 = arith.constant 0 : index
    %get3A_230 = arith.constant 0 : index
    %get3A_231 = vector.load %arg6[%get3A_229, %get3A_230] : memref<1x64xf32, #tpu.memory_space<vmem>>, vector<1x64xf32>
    %get3A_232 = arith.constant 0 : index
    %get3A_233 = arith.constant 0 : index
    %get3A_234 = vector.load %arg7[%get3A_232, %get3A_233] : memref<1x64xf32, #tpu.memory_space<vmem>>, vector<1x64xf32>
    %reduce_sum3A_235 = arith.constant dense<0.000000e+00> : vector<512xf32>
    %reduce_sum3A_236 = vector.multi_reduction <add>, %mul3A_228, %reduce_sum3A_235 [1] : vector<512x64xf32> to vector<512xf32>
    %broadcast_in_dim3A_237 = vector.shape_cast %reduce_sum3A_236 : vector<512xf32> to vector<512x1xf32>
    %div3A_238 = arith.constant 6.400000e+01 : f32
    %div3A_239 = vector.broadcast %div3A_238 : f32 to vector<512x1xf32>
    %div3A_240 = arith.divf %broadcast_in_dim3A_237, %div3A_239 : vector<512x1xf32>
    %sub3A_241 = vector.broadcast %div3A_240 : vector<512x1xf32> to vector<512x64xf32>
    %sub3A_242 = arith.subf %mul3A_228, %sub3A_241 : vector<512x64xf32>
    %integer_pow3A_243 = arith.mulf %sub3A_242, %sub3A_242 : vector<512x64xf32>
    %reduce_sum3A_244 = arith.constant dense<0.000000e+00> : vector<512xf32>
    %reduce_sum3A_245 = vector.multi_reduction <add>, %integer_pow3A_243, %reduce_sum3A_244 [1] : vector<512x64xf32> to vector<512xf32>
    %broadcast_in_dim3A_246 = vector.shape_cast %reduce_sum3A_245 : vector<512xf32> to vector<512x1xf32>
    %div3A_247 = arith.constant 6.400000e+01 : f32
    %div3A_248 = vector.broadcast %div3A_247 : f32 to vector<512x1xf32>
    %div3A_249 = arith.divf %broadcast_in_dim3A_246, %div3A_248 : vector<512x1xf32>
    %sub3A_250 = vector.broadcast %div3A_240 : vector<512x1xf32> to vector<512x64xf32>
    %sub3A_251 = arith.subf %mul3A_228, %sub3A_250 : vector<512x64xf32>
    %add3A_252 = arith.constant 9.99999974E-6 : f32
    %add3A_253 = vector.broadcast %add3A_252 : f32 to vector<512x1xf32>
    %add3A_254 = arith.addf %div3A_249, %add3A_253 : vector<512x1xf32>
    %rsqrt3A_255 = math.rsqrt %add3A_254 : vector<512x1xf32>
    %mul3A_256 = vector.broadcast %rsqrt3A_255 : vector<512x1xf32> to vector<512x64xf32>
    %mul3A_257 = arith.mulf %sub3A_251, %mul3A_256 : vector<512x64xf32>
    %mul3A_258 = vector.broadcast %get3A_231 : vector<1x64xf32> to vector<512x64xf32>
    %mul3A_259 = arith.mulf %mul3A_257, %mul3A_258 : vector<512x64xf32>
    %add3A_260 = vector.broadcast %get3A_234 : vector<1x64xf32> to vector<512x64xf32>
    %add3A_261 = arith.addf %mul3A_259, %add3A_260 : vector<512x64xf32>
    %get3A_262 = arith.constant 0 : index
    %get3A_263 = arith.constant 0 : index
    %get3A_264 = vector.load %arg3[%get3A_262, %get3A_263] : memref<512x1xf32, #tpu.memory_space<vmem>>, vector<512x1xf32>
    %mul3A_265 = vector.broadcast %get3A_264 : vector<512x1xf32> to vector<512x64xf32>
    %mul3A_266 = arith.mulf %add3A_261, %mul3A_265 : vector<512x64xf32>
    %swap3A_267 = arith.constant 1 : index
    %swap3A_268 = arith.constant 0 : index
    %swap3A_269 = arith.constant 64 : index
    %swap3A_270 = vector.load %arg8[%swap3A_267, %swap3A_268, %swap3A_269] : memref<5x512x128xf32, #tpu.memory_space<vmem>>, vector<1x512x64xf32>
    %swap3A_271 = vector.shape_cast %swap3A_270 : vector<1x512x64xf32> to vector<512x64xf32>
    %swap3A_272 = vector.shape_cast %mul3A_266 : vector<512x64xf32> to vector<1x512x64xf32>
    tpu.vector_store %arg8[%swap3A_267, %swap3A_268, %swap3A_269], %swap3A_272 {strides = array<i32>} : memref<5x512x128xf32, #tpu.memory_space<vmem>>, vector<1x512x64xf32>,
    %slice3A_273 = vector.extract_strided_slice %mul3A_14 {offsets = [0, 4], sizes = [512, 1], strides = [1, 1]} : vector<512x128xf32> to vector<512x1xf32>
    %get3A_274 = arith.constant 0 : index
    %get3A_275 = arith.constant 0 : index
    %get3A_276 = vector.load %arg4[%get3A_274, %get3A_275] : memref<1x64xf32, #tpu.memory_space<vmem>>, vector<1x64xf32>
    %mul3A_277 = vector.broadcast %slice3A_273 : vector<512x1xf32> to vector<512x64xf32>
    %mul3A_278 = vector.broadcast %get3A_276 : vector<1x64xf32> to vector<512x64xf32>
    %mul3A_279 = arith.mulf %mul3A_277, %mul3A_278 : vector<512x64xf32>
    %get3A_280 = arith.constant 0 : index
    %get3A_281 = arith.constant 0 : index
    %get3A_282 = vector.load %arg5[%get3A_280, %get3A_281] : memref<1x64xf32, #tpu.memory_space<vmem>>, vector<1x64xf32>
    %add3A_283 = vector.broadcast %get3A_282 : vector<1x64xf32> to vector<512x64xf32>
    %add3A_284 = arith.addf %mul3A_279, %add3A_283 : vector<512x64xf32>
    %neg3A_285 = arith.constant 0.000000e+00 : f32
    %neg3A_286 = vector.broadcast %neg3A_285 : f32 to vector<512x64xf32>
    %neg3A_287 = arith.subf %neg3A_286, %add3A_284 : vector<512x64xf32>
    %exp3A_288 = math.exp %neg3A_287 : vector<512x64xf32>
    %add3A_289 = arith.constant 1.000000e+00 : f32
    %add3A_290 = vector.broadcast %add3A_289 : f32 to vector<512x64xf32>
    %add3A_291 = arith.addf %add3A_290, %exp3A_288 : vector<512x64xf32>
    %div3A_292 = arith.constant 1.000000e+00 : f32
    %div3A_293 = vector.broadcast %div3A_292 : f32 to vector<512x64xf32>
    %div3A_294 = arith.divf %div3A_293, %add3A_291 : vector<512x64xf32>
    %mul3A_295 = arith.mulf %add3A_284, %div3A_294 : vector<512x64xf32>
    %get3A_296 = arith.constant 0 : index
    %get3A_297 = arith.constant 0 : index
    %get3A_298 = vector.load %arg6[%get3A_296, %get3A_297] : memref<1x64xf32, #tpu.memory_space<vmem>>, vector<1x64xf32>
    %get3A_299 = arith.constant 0 : index
    %get3A_300 = arith.constant 0 : index
    %get3A_301 = vector.load %arg7[%get3A_299, %get3A_300] : memref<1x64xf32, #tpu.memory_space<vmem>>, vector<1x64xf32>
    %reduce_sum3A_302 = arith.constant dense<0.000000e+00> : vector<512xf32>
    %reduce_sum3A_303 = vector.multi_reduction <add>, %mul3A_295, %reduce_sum3A_302 [1] : vector<512x64xf32> to vector<512xf32>
    %broadcast_in_dim3A_304 = vector.shape_cast %reduce_sum3A_303 : vector<512xf32> to vector<512x1xf32>
    %div3A_305 = arith.constant 6.400000e+01 : f32
    %div3A_306 = vector.broadcast %div3A_305 : f32 to vector<512x1xf32>
    %div3A_307 = arith.divf %broadcast_in_dim3A_304, %div3A_306 : vector<512x1xf32>
    %sub3A_308 = vector.broadcast %div3A_307 : vector<512x1xf32> to vector<512x64xf32>
    %sub3A_309 = arith.subf %mul3A_295, %sub3A_308 : vector<512x64xf32>
    %integer_pow3A_310 = arith.mulf %sub3A_309, %sub3A_309 : vector<512x64xf32>
    %reduce_sum3A_311 = arith.constant dense<0.000000e+00> : vector<512xf32>
    %reduce_sum3A_312 = vector.multi_reduction <add>, %integer_pow3A_310, %reduce_sum3A_311 [1] : vector<512x64xf32> to vector<512xf32>
    %broadcast_in_dim3A_313 = vector.shape_cast %reduce_sum3A_312 : vector<512xf32> to vector<512x1xf32>
    %div3A_314 = arith.constant 6.400000e+01 : f32
    %div3A_315 = vector.broadcast %div3A_314 : f32 to vector<512x1xf32>
    %div3A_316 = arith.divf %broadcast_in_dim3A_313, %div3A_315 : vector<512x1xf32>
    %sub3A_317 = vector.broadcast %div3A_307 : vector<512x1xf32> to vector<512x64xf32>
    %sub3A_318 = arith.subf %mul3A_295, %sub3A_317 : vector<512x64xf32>
    %add3A_319 = arith.constant 9.99999974E-6 : f32
    %add3A_320 = vector.broadcast %add3A_319 : f32 to vector<512x1xf32>
    %add3A_321 = arith.addf %div3A_316, %add3A_320 : vector<512x1xf32>
    %rsqrt3A_322 = math.rsqrt %add3A_321 : vector<512x1xf32>
    %mul3A_323 = vector.broadcast %rsqrt3A_322 : vector<512x1xf32> to vector<512x64xf32>
    %mul3A_324 = arith.mulf %sub3A_318, %mul3A_323 : vector<512x64xf32>
    %mul3A_325 = vector.broadcast %get3A_298 : vector<1x64xf32> to vector<512x64xf32>
    %mul3A_326 = arith.mulf %mul3A_324, %mul3A_325 : vector<512x64xf32>
    %add3A_327 = vector.broadcast %get3A_301 : vector<1x64xf32> to vector<512x64xf32>
    %add3A_328 = arith.addf %mul3A_326, %add3A_327 : vector<512x64xf32>
    %get3A_329 = arith.constant 0 : index
    %get3A_330 = arith.constant 0 : index
    %get3A_331 = vector.load %arg3[%get3A_329, %get3A_330] : memref<512x1xf32, #tpu.memory_space<vmem>>, vector<512x1xf32>
    %mul3A_332 = vector.broadcast %get3A_331 : vector<512x1xf32> to vector<512x64xf32>
    %mul3A_333 = arith.mulf %add3A_328, %mul3A_332 : vector<512x64xf32>
    %swap3A_334 = arith.constant 2 : index
    %swap3A_335 = arith.constant 0 : index
    %swap3A_336 = arith.constant 0 : index
    %swap3A_337 = vector.load %arg8[%swap3A_334, %swap3A_335, %swap3A_336] : memref<5x512x128xf32, #tpu.memory_space<vmem>>, vector<1x512x64xf32>
    %swap3A_338 = vector.shape_cast %swap3A_337 : vector<1x512x64xf32> to vector<512x64xf32>
    %swap3A_339 = vector.shape_cast %mul3A_333 : vector<512x64xf32> to vector<1x512x64xf32>
    tpu.vector_store %arg8[%swap3A_334, %swap3A_335, %swap3A_336], %swap3A_339 {strides = array<i32>} : memref<5x512x128xf32, #tpu.memory_space<vmem>>, vector<1x512x64xf32>,
    %slice3A_340 = vector.extract_strided_slice %mul3A_14 {offsets = [0, 5], sizes = [512, 1], strides = [1, 1]} : vector<512x128xf32> to vector<512x1xf32>
    %get3A_341 = arith.constant 0 : index
    %get3A_342 = arith.constant 0 : index
    %get3A_343 = vector.load %arg4[%get3A_341, %get3A_342] : memref<1x64xf32, #tpu.memory_space<vmem>>, vector<1x64xf32>
    %mul3A_344 = vector.broadcast %slice3A_340 : vector<512x1xf32> to vector<512x64xf32>
    %mul3A_345 = vector.broadcast %get3A_343 : vector<1x64xf32> to vector<512x64xf32>
    %mul3A_346 = arith.mulf %mul3A_344, %mul3A_345 : vector<512x64xf32>
    %get3A_347 = arith.constant 0 : index
    %get3A_348 = arith.constant 0 : index
    %get3A_349 = vector.load %arg5[%get3A_347, %get3A_348] : memref<1x64xf32, #tpu.memory_space<vmem>>, vector<1x64xf32>
    %add3A_350 = vector.broadcast %get3A_349 : vector<1x64xf32> to vector<512x64xf32>
    %add3A_351 = arith.addf %mul3A_346, %add3A_350 : vector<512x64xf32>
    %neg3A_352 = arith.constant 0.000000e+00 : f32
    %neg3A_353 = vector.broadcast %neg3A_352 : f32 to vector<512x64xf32>
    %neg3A_354 = arith.subf %neg3A_353, %add3A_351 : vector<512x64xf32>
    %exp3A_355 = math.exp %neg3A_354 : vector<512x64xf32>
    %add3A_356 = arith.constant 1.000000e+00 : f32
    %add3A_357 = vector.broadcast %add3A_356 : f32 to vector<512x64xf32>
    %add3A_358 = arith.addf %add3A_357, %exp3A_355 : vector<512x64xf32>
    %div3A_359 = arith.constant 1.000000e+00 : f32
    %div3A_360 = vector.broadcast %div3A_359 : f32 to vector<512x64xf32>
    %div3A_361 = arith.divf %div3A_360, %add3A_358 : vector<512x64xf32>
    %mul3A_362 = arith.mulf %add3A_351, %div3A_361 : vector<512x64xf32>
    %get3A_363 = arith.constant 0 : index
    %get3A_364 = arith.constant 0 : index
    %get3A_365 = vector.load %arg6[%get3A_363, %get3A_364] : memref<1x64xf32, #tpu.memory_space<vmem>>, vector<1x64xf32>
    %get3A_366 = arith.constant 0 : index
    %get3A_367 = arith.constant 0 : index
    %get3A_368 = vector.load %arg7[%get3A_366, %get3A_367] : memref<1x64xf32, #tpu.memory_space<vmem>>, vector<1x64xf32>
    %reduce_sum3A_369 = arith.constant dense<0.000000e+00> : vector<512xf32>
    %reduce_sum3A_370 = vector.multi_reduction <add>, %mul3A_362, %reduce_sum3A_369 [1] : vector<512x64xf32> to vector<512xf32>
    %broadcast_in_dim3A_371 = vector.shape_cast %reduce_sum3A_370 : vector<512xf32> to vector<512x1xf32>
    %div3A_372 = arith.constant 6.400000e+01 : f32
    %div3A_373 = vector.broadcast %div3A_372 : f32 to vector<512x1xf32>
    %div3A_374 = arith.divf %broadcast_in_dim3A_371, %div3A_373 : vector<512x1xf32>
    %sub3A_375 = vector.broadcast %div3A_374 : vector<512x1xf32> to vector<512x64xf32>
    %sub3A_376 = arith.subf %mul3A_362, %sub3A_375 : vector<512x64xf32>
    %integer_pow3A_377 = arith.mulf %sub3A_376, %sub3A_376 : vector<512x64xf32>
    %reduce_sum3A_378 = arith.constant dense<0.000000e+00> : vector<512xf32>
    %reduce_sum3A_379 = vector.multi_reduction <add>, %integer_pow3A_377, %reduce_sum3A_378 [1] : vector<512x64xf32> to vector<512xf32>
    %broadcast_in_dim3A_380 = vector.shape_cast %reduce_sum3A_379 : vector<512xf32> to vector<512x1xf32>
    %div3A_381 = arith.constant 6.400000e+01 : f32
    %div3A_382 = vector.broadcast %div3A_381 : f32 to vector<512x1xf32>
    %div3A_383 = arith.divf %broadcast_in_dim3A_380, %div3A_382 : vector<512x1xf32>
    %sub3A_384 = vector.broadcast %div3A_374 : vector<512x1xf32> to vector<512x64xf32>
    %sub3A_385 = arith.subf %mul3A_362, %sub3A_384 : vector<512x64xf32>
    %add3A_386 = arith.constant 9.99999974E-6 : f32
    %add3A_387 = vector.broadcast %add3A_386 : f32 to vector<512x1xf32>
    %add3A_388 = arith.addf %div3A_383, %add3A_387 : vector<512x1xf32>
    %rsqrt3A_389 = math.rsqrt %add3A_388 : vector<512x1xf32>
    %mul3A_390 = vector.broadcast %rsqrt3A_389 : vector<512x1xf32> to vector<512x64xf32>
    %mul3A_391 = arith.mulf %sub3A_385, %mul3A_390 : vector<512x64xf32>
    %mul3A_392 = vector.broadcast %get3A_365 : vector<1x64xf32> to vector<512x64xf32>
    %mul3A_393 = arith.mulf %mul3A_391, %mul3A_392 : vector<512x64xf32>
    %add3A_394 = vector.broadcast %get3A_368 : vector<1x64xf32> to vector<512x64xf32>
    %add3A_395 = arith.addf %mul3A_393, %add3A_394 : vector<512x64xf32>
    %get3A_396 = arith.constant 0 : index
    %get3A_397 = arith.constant 0 : index
    %get3A_398 = vector.load %arg3[%get3A_396, %get3A_397] : memref<512x1xf32, #tpu.memory_space<vmem>>, vector<512x1xf32>
    %mul3A_399 = vector.broadcast %get3A_398 : vector<512x1xf32> to vector<512x64xf32>
    %mul3A_400 = arith.mulf %add3A_395, %mul3A_399 : vector<512x64xf32>
    %swap3A_401 = arith.constant 2 : index
    %swap3A_402 = arith.constant 0 : index
    %swap3A_403 = arith.constant 64 : index
    %swap3A_404 = vector.load %arg8[%swap3A_401, %swap3A_402, %swap3A_403] : memref<5x512x128xf32, #tpu.memory_space<vmem>>, vector<1x512x64xf32>
    %swap3A_405 = vector.shape_cast %swap3A_404 : vector<1x512x64xf32> to vector<512x64xf32>
    %swap3A_406 = vector.shape_cast %mul3A_400 : vector<512x64xf32> to vector<1x512x64xf32>
    tpu.vector_store %arg8[%swap3A_401, %swap3A_402, %swap3A_403], %swap3A_406 {strides = array<i32>} : memref<5x512x128xf32, #tpu.memory_space<vmem>>, vector<1x512x64xf32>,
    %slice3A_407 = vector.extract_strided_slice %mul3A_14 {offsets = [0, 6], sizes = [512, 1], strides = [1, 1]} : vector<512x128xf32> to vector<512x1xf32>
    %get3A_408 = arith.constant 0 : index
    %get3A_409 = arith.constant 0 : index
    %get3A_410 = vector.load %arg4[%get3A_408, %get3A_409] : memref<1x64xf32, #tpu.memory_space<vmem>>, vector<1x64xf32>
    %mul3A_411 = vector.broadcast %slice3A_407 : vector<512x1xf32> to vector<512x64xf32>
    %mul3A_412 = vector.broadcast %get3A_410 : vector<1x64xf32> to vector<512x64xf32>
    %mul3A_413 = arith.mulf %mul3A_411, %mul3A_412 : vector<512x64xf32>
    %get3A_414 = arith.constant 0 : index
    %get3A_415 = arith.constant 0 : index
    %get3A_416 = vector.load %arg5[%get3A_414, %get3A_415] : memref<1x64xf32, #tpu.memory_space<vmem>>, vector<1x64xf32>
    %add3A_417 = vector.broadcast %get3A_416 : vector<1x64xf32> to vector<512x64xf32>
    %add3A_418 = arith.addf %mul3A_413, %add3A_417 : vector<512x64xf32>
    %neg3A_419 = arith.constant 0.000000e+00 : f32
    %neg3A_420 = vector.broadcast %neg3A_419 : f32 to vector<512x64xf32>
    %neg3A_421 = arith.subf %neg3A_420, %add3A_418 : vector<512x64xf32>
    %exp3A_422 = math.exp %neg3A_421 : vector<512x64xf32>
    %add3A_423 = arith.constant 1.000000e+00 : f32
    %add3A_424 = vector.broadcast %add3A_423 : f32 to vector<512x64xf32>
    %add3A_425 = arith.addf %add3A_424, %exp3A_422 : vector<512x64xf32>
    %div3A_426 = arith.constant 1.000000e+00 : f32
    %div3A_427 = vector.broadcast %div3A_426 : f32 to vector<512x64xf32>
    %div3A_428 = arith.divf %div3A_427, %add3A_425 : vector<512x64xf32>
    %mul3A_429 = arith.mulf %add3A_418, %div3A_428 : vector<512x64xf32>
    %get3A_430 = arith.constant 0 : index
    %get3A_431 = arith.constant 0 : index
    %get3A_432 = vector.load %arg6[%get3A_430, %get3A_431] : memref<1x64xf32, #tpu.memory_space<vmem>>, vector<1x64xf32>
    %get3A_433 = arith.constant 0 : index
    %get3A_434 = arith.constant 0 : index
    %get3A_435 = vector.load %arg7[%get3A_433, %get3A_434] : memref<1x64xf32, #tpu.memory_space<vmem>>, vector<1x64xf32>
    %reduce_sum3A_436 = arith.constant dense<0.000000e+00> : vector<512xf32>
    %reduce_sum3A_437 = vector.multi_reduction <add>, %mul3A_429, %reduce_sum3A_436 [1] : vector<512x64xf32> to vector<512xf32>
    %broadcast_in_dim3A_438 = vector.shape_cast %reduce_sum3A_437 : vector<512xf32> to vector<512x1xf32>
    %div3A_439 = arith.constant 6.400000e+01 : f32
    %div3A_440 = vector.broadcast %div3A_439 : f32 to vector<512x1xf32>
    %div3A_441 = arith.divf %broadcast_in_dim3A_438, %div3A_440 : vector<512x1xf32>
    %sub3A_442 = vector.broadcast %div3A_441 : vector<512x1xf32> to vector<512x64xf32>
    %sub3A_443 = arith.subf %mul3A_429, %sub3A_442 : vector<512x64xf32>
    %integer_pow3A_444 = arith.mulf %sub3A_443, %sub3A_443 : vector<512x64xf32>
    %reduce_sum3A_445 = arith.constant dense<0.000000e+00> : vector<512xf32>
    %reduce_sum3A_446 = vector.multi_reduction <add>, %integer_pow3A_444, %reduce_sum3A_445 [1] : vector<512x64xf32> to vector<512xf32>
    %broadcast_in_dim3A_447 = vector.shape_cast %reduce_sum3A_446 : vector<512xf32> to vector<512x1xf32>
    %div3A_448 = arith.constant 6.400000e+01 : f32
    %div3A_449 = vector.broadcast %div3A_448 : f32 to vector<512x1xf32>
    %div3A_450 = arith.divf %broadcast_in_dim3A_447, %div3A_449 : vector<512x1xf32>
    %sub3A_451 = vector.broadcast %div3A_441 : vector<512x1xf32> to vector<512x64xf32>
    %sub3A_452 = arith.subf %mul3A_429, %sub3A_451 : vector<512x64xf32>
    %add3A_453 = arith.constant 9.99999974E-6 : f32
    %add3A_454 = vector.broadcast %add3A_453 : f32 to vector<512x1xf32>
    %add3A_455 = arith.addf %div3A_450, %add3A_454 : vector<512x1xf32>
    %rsqrt3A_456 = math.rsqrt %add3A_455 : vector<512x1xf32>
    %mul3A_457 = vector.broadcast %rsqrt3A_456 : vector<512x1xf32> to vector<512x64xf32>
    %mul3A_458 = arith.mulf %sub3A_452, %mul3A_457 : vector<512x64xf32>
    %mul3A_459 = vector.broadcast %get3A_432 : vector<1x64xf32> to vector<512x64xf32>
    %mul3A_460 = arith.mulf %mul3A_458, %mul3A_459 : vector<512x64xf32>
    %add3A_461 = vector.broadcast %get3A_435 : vector<1x64xf32> to vector<512x64xf32>
    %add3A_462 = arith.addf %mul3A_460, %add3A_461 : vector<512x64xf32>
    %get3A_463 = arith.constant 0 : index
    %get3A_464 = arith.constant 0 : index
    %get3A_465 = vector.load %arg3[%get3A_463, %get3A_464] : memref<512x1xf32, #tpu.memory_space<vmem>>, vector<512x1xf32>
    %mul3A_466 = vector.broadcast %get3A_465 : vector<512x1xf32> to vector<512x64xf32>
    %mul3A_467 = arith.mulf %add3A_462, %mul3A_466 : vector<512x64xf32>
    %swap3A_468 = arith.constant 3 : index
    %swap3A_469 = arith.constant 0 : index
    %swap3A_470 = arith.constant 0 : index
    %swap3A_471 = vector.load %arg8[%swap3A_468, %swap3A_469, %swap3A_470] : memref<5x512x128xf32, #tpu.memory_space<vmem>>, vector<1x512x64xf32>
    %swap3A_472 = vector.shape_cast %swap3A_471 : vector<1x512x64xf32> to vector<512x64xf32>
    %swap3A_473 = vector.shape_cast %mul3A_467 : vector<512x64xf32> to vector<1x512x64xf32>
    tpu.vector_store %arg8[%swap3A_468, %swap3A_469, %swap3A_470], %swap3A_473 {strides = array<i32>} : memref<5x512x128xf32, #tpu.memory_space<vmem>>, vector<1x512x64xf32>,
    %slice3A_474 = vector.extract_strided_slice %mul3A_14 {offsets = [0, 7], sizes = [512, 1], strides = [1, 1]} : vector<512x128xf32> to vector<512x1xf32>
    %get3A_475 = arith.constant 0 : index
    %get3A_476 = arith.constant 0 : index
    %get3A_477 = vector.load %arg4[%get3A_475, %get3A_476] : memref<1x64xf32, #tpu.memory_space<vmem>>, vector<1x64xf32>
    %mul3A_478 = vector.broadcast %slice3A_474 : vector<512x1xf32> to vector<512x64xf32>
    %mul3A_479 = vector.broadcast %get3A_477 : vector<1x64xf32> to vector<512x64xf32>
    %mul3A_480 = arith.mulf %mul3A_478, %mul3A_479 : vector<512x64xf32>
    %get3A_481 = arith.constant 0 : index
    %get3A_482 = arith.constant 0 : index
    %get3A_483 = vector.load %arg5[%get3A_481, %get3A_482] : memref<1x64xf32, #tpu.memory_space<vmem>>, vector<1x64xf32>
    %add3A_484 = vector.broadcast %get3A_483 : vector<1x64xf32> to vector<512x64xf32>
    %add3A_485 = arith.addf %mul3A_480, %add3A_484 : vector<512x64xf32>
    %neg3A_486 = arith.constant 0.000000e+00 : f32
    %neg3A_487 = vector.broadcast %neg3A_486 : f32 to vector<512x64xf32>
    %neg3A_488 = arith.subf %neg3A_487, %add3A_485 : vector<512x64xf32>
    %exp3A_489 = math.exp %neg3A_488 : vector<512x64xf32>
    %add3A_490 = arith.constant 1.000000e+00 : f32
    %add3A_491 = vector.broadcast %add3A_490 : f32 to vector<512x64xf32>
    %add3A_492 = arith.addf %add3A_491, %exp3A_489 : vector<512x64xf32>
    %div3A_493 = arith.constant 1.000000e+00 : f32
    %div3A_494 = vector.broadcast %div3A_493 : f32 to vector<512x64xf32>
    %div3A_495 = arith.divf %div3A_494, %add3A_492 : vector<512x64xf32>
    %mul3A_496 = arith.mulf %add3A_485, %div3A_495 : vector<512x64xf32>
    %get3A_497 = arith.constant 0 : index
    %get3A_498 = arith.constant 0 : index
    %get3A_499 = vector.load %arg6[%get3A_497, %get3A_498] : memref<1x64xf32, #tpu.memory_space<vmem>>, vector<1x64xf32>
    %get3A_500 = arith.constant 0 : index
    %get3A_501 = arith.constant 0 : index
    %get3A_502 = vector.load %arg7[%get3A_500, %get3A_501] : memref<1x64xf32, #tpu.memory_space<vmem>>, vector<1x64xf32>
    %reduce_sum3A_503 = arith.constant dense<0.000000e+00> : vector<512xf32>
    %reduce_sum3A_504 = vector.multi_reduction <add>, %mul3A_496, %reduce_sum3A_503 [1] : vector<512x64xf32> to vector<512xf32>
    %broadcast_in_dim3A_505 = vector.shape_cast %reduce_sum3A_504 : vector<512xf32> to vector<512x1xf32>
    %div3A_506 = arith.constant 6.400000e+01 : f32
    %div3A_507 = vector.broadcast %div3A_506 : f32 to vector<512x1xf32>
    %div3A_508 = arith.divf %broadcast_in_dim3A_505, %div3A_507 : vector<512x1xf32>
    %sub3A_509 = vector.broadcast %div3A_508 : vector<512x1xf32> to vector<512x64xf32>
    %sub3A_510 = arith.subf %mul3A_496, %sub3A_509 : vector<512x64xf32>
    %integer_pow3A_511 = arith.mulf %sub3A_510, %sub3A_510 : vector<512x64xf32>
    %reduce_sum3A_512 = arith.constant dense<0.000000e+00> : vector<512xf32>
    %reduce_sum3A_513 = vector.multi_reduction <add>, %integer_pow3A_511, %reduce_sum3A_512 [1] : vector<512x64xf32> to vector<512xf32>
    %broadcast_in_dim3A_514 = vector.shape_cast %reduce_sum3A_513 : vector<512xf32> to vector<512x1xf32>
    %div3A_515 = arith.constant 6.400000e+01 : f32
    %div3A_516 = vector.broadcast %div3A_515 : f32 to vector<512x1xf32>
    %div3A_517 = arith.divf %broadcast_in_dim3A_514, %div3A_516 : vector<512x1xf32>
    %sub3A_518 = vector.broadcast %div3A_508 : vector<512x1xf32> to vector<512x64xf32>
    %sub3A_519 = arith.subf %mul3A_496, %sub3A_518 : vector<512x64xf32>
    %add3A_520 = arith.constant 9.99999974E-6 : f32
    %add3A_521 = vector.broadcast %add3A_520 : f32 to vector<512x1xf32>
    %add3A_522 = arith.addf %div3A_517, %add3A_521 : vector<512x1xf32>
    %rsqrt3A_523 = math.rsqrt %add3A_522 : vector<512x1xf32>
    %mul3A_524 = vector.broadcast %rsqrt3A_523 : vector<512x1xf32> to vector<512x64xf32>
    %mul3A_525 = arith.mulf %sub3A_519, %mul3A_524 : vector<512x64xf32>
    %mul3A_526 = vector.broadcast %get3A_499 : vector<1x64xf32> to vector<512x64xf32>
    %mul3A_527 = arith.mulf %mul3A_525, %mul3A_526 : vector<512x64xf32>
    %add3A_528 = vector.broadcast %get3A_502 : vector<1x64xf32> to vector<512x64xf32>
    %add3A_529 = arith.addf %mul3A_527, %add3A_528 : vector<512x64xf32>
    %get3A_530 = arith.constant 0 : index
    %get3A_531 = arith.constant 0 : index
    %get3A_532 = vector.load %arg3[%get3A_530, %get3A_531] : memref<512x1xf32, #tpu.memory_space<vmem>>, vector<512x1xf32>
    %mul3A_533 = vector.broadcast %get3A_532 : vector<512x1xf32> to vector<512x64xf32>
    %mul3A_534 = arith.mulf %add3A_529, %mul3A_533 : vector<512x64xf32>
    %swap3A_535 = arith.constant 3 : index
    %swap3A_536 = arith.constant 0 : index
    %swap3A_537 = arith.constant 64 : index
    %swap3A_538 = vector.load %arg8[%swap3A_535, %swap3A_536, %swap3A_537] : memref<5x512x128xf32, #tpu.memory_space<vmem>>, vector<1x512x64xf32>
    %swap3A_539 = vector.shape_cast %swap3A_538 : vector<1x512x64xf32> to vector<512x64xf32>
    %swap3A_540 = vector.shape_cast %mul3A_534 : vector<512x64xf32> to vector<1x512x64xf32>
    tpu.vector_store %arg8[%swap3A_535, %swap3A_536, %swap3A_537], %swap3A_540 {strides = array<i32>} : memref<5x512x128xf32, #tpu.memory_space<vmem>>, vector<1x512x64xf32>,
    %slice3A_541 = vector.extract_strided_slice %mul3A_14 {offsets = [0, 8], sizes = [512, 1], strides = [1, 1]} : vector<512x128xf32> to vector<512x1xf32>
    %get3A_542 = arith.constant 0 : index
    %get3A_543 = arith.constant 0 : index
    %get3A_544 = vector.load %arg4[%get3A_542, %get3A_543] : memref<1x64xf32, #tpu.memory_space<vmem>>, vector<1x64xf32>
    %mul3A_545 = vector.broadcast %slice3A_541 : vector<512x1xf32> to vector<512x64xf32>
    %mul3A_546 = vector.broadcast %get3A_544 : vector<1x64xf32> to vector<512x64xf32>
    %mul3A_547 = arith.mulf %mul3A_545, %mul3A_546 : vector<512x64xf32>
    %get3A_548 = arith.constant 0 : index
    %get3A_549 = arith.constant 0 : index
    %get3A_550 = vector.load %arg5[%get3A_548, %get3A_549] : memref<1x64xf32, #tpu.memory_space<vmem>>, vector<1x64xf32>
    %add3A_551 = vector.broadcast %get3A_550 : vector<1x64xf32> to vector<512x64xf32>
    %add3A_552 = arith.addf %mul3A_547, %add3A_551 : vector<512x64xf32>
    %neg3A_553 = arith.constant 0.000000e+00 : f32
    %neg3A_554 = vector.broadcast %neg3A_553 : f32 to vector<512x64xf32>
    %neg3A_555 = arith.subf %neg3A_554, %add3A_552 : vector<512x64xf32>
    %exp3A_556 = math.exp %neg3A_555 : vector<512x64xf32>
    %add3A_557 = arith.constant 1.000000e+00 : f32
    %add3A_558 = vector.broadcast %add3A_557 : f32 to vector<512x64xf32>
    %add3A_559 = arith.addf %add3A_558, %exp3A_556 : vector<512x64xf32>
    %div3A_560 = arith.constant 1.000000e+00 : f32
    %div3A_561 = vector.broadcast %div3A_560 : f32 to vector<512x64xf32>
    %div3A_562 = arith.divf %div3A_561, %add3A_559 : vector<512x64xf32>
    %mul3A_563 = arith.mulf %add3A_552, %div3A_562 : vector<512x64xf32>
    %get3A_564 = arith.constant 0 : index
    %get3A_565 = arith.constant 0 : index
    %get3A_566 = vector.load %arg6[%get3A_564, %get3A_565] : memref<1x64xf32, #tpu.memory_space<vmem>>, vector<1x64xf32>
    %get3A_567 = arith.constant 0 : index
    %get3A_568 = arith.constant 0 : index
    %get3A_569 = vector.load %arg7[%get3A_567, %get3A_568] : memref<1x64xf32, #tpu.memory_space<vmem>>, vector<1x64xf32>
    %reduce_sum3A_570 = arith.constant dense<0.000000e+00> : vector<512xf32>
    %reduce_sum3A_571 = vector.multi_reduction <add>, %mul3A_563, %reduce_sum3A_570 [1] : vector<512x64xf32> to vector<512xf32>
    %broadcast_in_dim3A_572 = vector.shape_cast %reduce_sum3A_571 : vector<512xf32> to vector<512x1xf32>
    %div3A_573 = arith.constant 6.400000e+01 : f32
    %div3A_574 = vector.broadcast %div3A_573 : f32 to vector<512x1xf32>
    %div3A_575 = arith.divf %broadcast_in_dim3A_572, %div3A_574 : vector<512x1xf32>
    %sub3A_576 = vector.broadcast %div3A_575 : vector<512x1xf32> to vector<512x64xf32>
    %sub3A_577 = arith.subf %mul3A_563, %sub3A_576 : vector<512x64xf32>
    %integer_pow3A_578 = arith.mulf %sub3A_577, %sub3A_577 : vector<512x64xf32>
    %reduce_sum3A_579 = arith.constant dense<0.000000e+00> : vector<512xf32>
    %reduce_sum3A_580 = vector.multi_reduction <add>, %integer_pow3A_578, %reduce_sum3A_579 [1] : vector<512x64xf32> to vector<512xf32>
    %broadcast_in_dim3A_581 = vector.shape_cast %reduce_sum3A_580 : vector<512xf32> to vector<512x1xf32>
    %div3A_582 = arith.constant 6.400000e+01 : f32
    %div3A_583 = vector.broadcast %div3A_582 : f32 to vector<512x1xf32>
    %div3A_584 = arith.divf %broadcast_in_dim3A_581, %div3A_583 : vector<512x1xf32>
    %sub3A_585 = vector.broadcast %div3A_575 : vector<512x1xf32> to vector<512x64xf32>
    %sub3A_586 = arith.subf %mul3A_563, %sub3A_585 : vector<512x64xf32>
    %add3A_587 = arith.constant 9.99999974E-6 : f32
    %add3A_588 = vector.broadcast %add3A_587 : f32 to vector<512x1xf32>
    %add3A_589 = arith.addf %div3A_584, %add3A_588 : vector<512x1xf32>
    %rsqrt3A_590 = math.rsqrt %add3A_589 : vector<512x1xf32>
    %mul3A_591 = vector.broadcast %rsqrt3A_590 : vector<512x1xf32> to vector<512x64xf32>
    %mul3A_592 = arith.mulf %sub3A_586, %mul3A_591 : vector<512x64xf32>
    %mul3A_593 = vector.broadcast %get3A_566 : vector<1x64xf32> to vector<512x64xf32>
    %mul3A_594 = arith.mulf %mul3A_592, %mul3A_593 : vector<512x64xf32>
    %add3A_595 = vector.broadcast %get3A_569 : vector<1x64xf32> to vector<512x64xf32>
    %add3A_596 = arith.addf %mul3A_594, %add3A_595 : vector<512x64xf32>
    %get3A_597 = arith.constant 0 : index
    %get3A_598 = arith.constant 0 : index
    %get3A_599 = vector.load %arg3[%get3A_597, %get3A_598] : memref<512x1xf32, #tpu.memory_space<vmem>>, vector<512x1xf32>
    %mul3A_600 = vector.broadcast %get3A_599 : vector<512x1xf32> to vector<512x64xf32>
    %mul3A_601 = arith.mulf %add3A_596, %mul3A_600 : vector<512x64xf32>
    %swap3A_602 = arith.constant 4 : index
    %swap3A_603 = arith.constant 0 : index
    %swap3A_604 = arith.constant 0 : index
    %swap3A_605 = vector.load %arg8[%swap3A_602, %swap3A_603, %swap3A_604] : memref<5x512x128xf32, #tpu.memory_space<vmem>>, vector<1x512x64xf32>
    %swap3A_606 = vector.shape_cast %swap3A_605 : vector<1x512x64xf32> to vector<512x64xf32>
    %swap3A_607 = vector.shape_cast %mul3A_601 : vector<512x64xf32> to vector<1x512x64xf32>
    tpu.vector_store %arg8[%swap3A_602, %swap3A_603, %swap3A_604], %swap3A_607 {strides = array<i32>} : memref<5x512x128xf32, #tpu.memory_space<vmem>>, vector<1x512x64xf32>,
    %slice3A_608 = vector.extract_strided_slice %mul3A_14 {offsets = [0, 9], sizes = [512, 1], strides = [1, 1]} : vector<512x128xf32> to vector<512x1xf32>
    %get3A_609 = arith.constant 0 : index
    %get3A_610 = arith.constant 0 : index
    %get3A_611 = vector.load %arg4[%get3A_609, %get3A_610] : memref<1x64xf32, #tpu.memory_space<vmem>>, vector<1x64xf32>
    %mul3A_612 = vector.broadcast %slice3A_608 : vector<512x1xf32> to vector<512x64xf32>
    %mul3A_613 = vector.broadcast %get3A_611 : vector<1x64xf32> to vector<512x64xf32>
    %mul3A_614 = arith.mulf %mul3A_612, %mul3A_613 : vector<512x64xf32>
    %get3A_615 = arith.constant 0 : index
    %get3A_616 = arith.constant 0 : index
    %get3A_617 = vector.load %arg5[%get3A_615, %get3A_616] : memref<1x64xf32, #tpu.memory_space<vmem>>, vector<1x64xf32>
    %add3A_618 = vector.broadcast %get3A_617 : vector<1x64xf32> to vector<512x64xf32>
    %add3A_619 = arith.addf %mul3A_614, %add3A_618 : vector<512x64xf32>
    %neg3A_620 = arith.constant 0.000000e+00 : f32
    %neg3A_621 = vector.broadcast %neg3A_620 : f32 to vector<512x64xf32>
    %neg3A_622 = arith.subf %neg3A_621, %add3A_619 : vector<512x64xf32>
    %exp3A_623 = math.exp %neg3A_622 : vector<512x64xf32>
    %add3A_624 = arith.constant 1.000000e+00 : f32
    %add3A_625 = vector.broadcast %add3A_624 : f32 to vector<512x64xf32>
    %add3A_626 = arith.addf %add3A_625, %exp3A_623 : vector<512x64xf32>
    %div3A_627 = arith.constant 1.000000e+00 : f32
    %div3A_628 = vector.broadcast %div3A_627 : f32 to vector<512x64xf32>
    %div3A_629 = arith.divf %div3A_628, %add3A_626 : vector<512x64xf32>
    %mul3A_630 = arith.mulf %add3A_619, %div3A_629 : vector<512x64xf32>
    %get3A_631 = arith.constant 0 : index
    %get3A_632 = arith.constant 0 : index
    %get3A_633 = vector.load %arg6[%get3A_631, %get3A_632] : memref<1x64xf32, #tpu.memory_space<vmem>>, vector<1x64xf32>
    %get3A_634 = arith.constant 0 : index
    %get3A_635 = arith.constant 0 : index
    %get3A_636 = vector.load %arg7[%get3A_634, %get3A_635] : memref<1x64xf32, #tpu.memory_space<vmem>>, vector<1x64xf32>
    %reduce_sum3A_637 = arith.constant dense<0.000000e+00> : vector<512xf32>
    %reduce_sum3A_638 = vector.multi_reduction <add>, %mul3A_630, %reduce_sum3A_637 [1] : vector<512x64xf32> to vector<512xf32>
    %broadcast_in_dim3A_639 = vector.shape_cast %reduce_sum3A_638 : vector<512xf32> to vector<512x1xf32>
    %div3A_640 = arith.constant 6.400000e+01 : f32
    %div3A_641 = vector.broadcast %div3A_640 : f32 to vector<512x1xf32>
    %div3A_642 = arith.divf %broadcast_in_dim3A_639, %div3A_641 : vector<512x1xf32>
    %sub3A_643 = vector.broadcast %div3A_642 : vector<512x1xf32> to vector<512x64xf32>
    %sub3A_644 = arith.subf %mul3A_630, %sub3A_643 : vector<512x64xf32>
    %integer_pow3A_645 = arith.mulf %sub3A_644, %sub3A_644 : vector<512x64xf32>
    %reduce_sum3A_646 = arith.constant dense<0.000000e+00> : vector<512xf32>
    %reduce_sum3A_647 = vector.multi_reduction <add>, %integer_pow3A_645, %reduce_sum3A_646 [1] : vector<512x64xf32> to vector<512xf32>
    %broadcast_in_dim3A_648 = vector.shape_cast %reduce_sum3A_647 : vector<512xf32> to vector<512x1xf32>
    %div3A_649 = arith.constant 6.400000e+01 : f32
    %div3A_650 = vector.broadcast %div3A_649 : f32 to vector<512x1xf32>
    %div3A_651 = arith.divf %broadcast_in_dim3A_648, %div3A_650 : vector<512x1xf32>
    %sub3A_652 = vector.broadcast %div3A_642 : vector<512x1xf32> to vector<512x64xf32>
    %sub3A_653 = arith.subf %mul3A_630, %sub3A_652 : vector<512x64xf32>
    %add3A_654 = arith.constant 9.99999974E-6 : f32
    %add3A_655 = vector.broadcast %add3A_654 : f32 to vector<512x1xf32>
    %add3A_656 = arith.addf %div3A_651, %add3A_655 : vector<512x1xf32>
    %rsqrt3A_657 = math.rsqrt %add3A_656 : vector<512x1xf32>
    %mul3A_658 = vector.broadcast %rsqrt3A_657 : vector<512x1xf32> to vector<512x64xf32>
    %mul3A_659 = arith.mulf %sub3A_653, %mul3A_658 : vector<512x64xf32>
    %mul3A_660 = vector.broadcast %get3A_633 : vector<1x64xf32> to vector<512x64xf32>
    %mul3A_661 = arith.mulf %mul3A_659, %mul3A_660 : vector<512x64xf32>
    %add3A_662 = vector.broadcast %get3A_636 : vector<1x64xf32> to vector<512x64xf32>
    %add3A_663 = arith.addf %mul3A_661, %add3A_662 : vector<512x64xf32>
    %get3A_664 = arith.constant 0 : index
    %get3A_665 = arith.constant 0 : index
    %get3A_666 = vector.load %arg3[%get3A_664, %get3A_665] : memref<512x1xf32, #tpu.memory_space<vmem>>, vector<512x1xf32>
    %mul3A_667 = vector.broadcast %get3A_666 : vector<512x1xf32> to vector<512x64xf32>
    %mul3A_668 = arith.mulf %add3A_663, %mul3A_667 : vector<512x64xf32>
    %swap3A_669 = arith.constant 4 : index
    %swap3A_670 = arith.constant 0 : index
    %swap3A_671 = arith.constant 64 : index
    %swap3A_672 = vector.load %arg8[%swap3A_669, %swap3A_670, %swap3A_671] : memref<5x512x128xf32, #tpu.memory_space<vmem>>, vector<1x512x64xf32>
    %swap3A_673 = vector.shape_cast %swap3A_672 : vector<1x512x64xf32> to vector<512x64xf32>
    %swap3A_674 = vector.shape_cast %mul3A_668 : vector<512x64xf32> to vector<1x512x64xf32>
    tpu.vector_store %arg8[%swap3A_669, %swap3A_670, %swap3A_671], %swap3A_674 {strides = array<i32>} : memref<5x512x128xf32, #tpu.memory_space<vmem>>, vector<1x512x64xf32>,
    return
  }
  func.func @transform_0(%arg0: i32) -> (i32, i32, i32, i32) {
    %c0_i32 = arith.constant 0 : i32
    %c0_i32_0 = arith.constant 0 : i32
    %c0_i32_1 = arith.constant 0 : i32
    %c0_i32_2 = arith.constant 0 : i32
    return %c0_i32, %c0_i32_0, %arg0, %c0_i32_1 : i32, i32, i32, i32
  }
  func.func @transform_1(%arg0: i32) -> (i32, i32) {
    %c0_i32 = arith.constant 0 : i32
    %c0_i32_0 = arith.constant 0 : i32
    return %arg0, %c0_i32 : i32, i32
  }
  func.func @transform_2(%arg0: i32) -> (i32, i32) {
    %c0_i32 = arith.constant 0 : i32
    %c0_i32_0 = arith.constant 0 : i32
    return %arg0, %c0_i32 : i32, i32
  }
  func.func @transform_3(%arg0: i32) -> (i32, i32) {
    %c0_i32 = arith.constant 0 : i32
    %c0_i32_0 = arith.constant 0 : i32
    %c0_i32_1 = arith.constant 0 : i32
    return %c0_i32, %c0_i32_0 : i32, i32
  }
  func.func @transform_4(%arg0: i32) -> (i32, i32) {
    %c0_i32 = arith.constant 0 : i32
    %c0_i32_0 = arith.constant 0 : i32
    %c0_i32_1 = arith.constant 0 : i32
    return %c0_i32, %c0_i32_0 : i32, i32
  }
  func.func @transform_5(%arg0: i32) -> (i32, i32) {
    %c0_i32 = arith.constant 0 : i32
    %c0_i32_0 = arith.constant 0 : i32
    %c0_i32_1 = arith.constant 0 : i32
    return %c0_i32, %c0_i32_0 : i32, i32
  }
  func.func @transform_6(%arg0: i32) -> (i32, i32) {
    %c0_i32 = arith.constant 0 : i32
    %c0_i32_0 = arith.constant 0 : i32
    %c0_i32_1 = arith.constant 0 : i32
    return %c0_i32, %c0_i32_0 : i32, i32
  }
  func.func @transform_7(%arg0: i32) -> (i32, i32, i32) {
    %c0_i32 = arith.constant 0 : i32
    %c0_i32_0 = arith.constant 0 : i32
    %c0_i32_1 = arith.constant 0 : i32
    return %c0_i32, %arg0, %c0_i32_0 : i32, i32, i32
  }
}

module attributes {stable_mosaic.version = 14 : i64} {
  func.func @_l2_body(%arg0: i32, %arg1: i32, %arg2: memref<2x1x512x128xf32, #tpu.memory_space<vmem>>, %arg3: memref<512x1xf32, #tpu.memory_space<vmem>>, %arg4: memref<512x1xf32, #tpu.memory_space<vmem>>, %arg5: memref<64x256xf32, #tpu.memory_space<vmem>>, %arg6: memref<1x256xf32, #tpu.memory_space<vmem>>, %arg7: memref<1x256xf32, #tpu.memory_space<vmem>>, %arg8: memref<1x256xf32, #tpu.memory_space<vmem>>, %arg9: memref<1x4x512x128xf32, #tpu.memory_space<vmem>>) attributes {dimension_semantics = [#tpu.dimension_semantics<arbitrary>, #tpu.dimension_semantics<arbitrary>], iteration_bounds = array<i64: 5, 20>, scalar_prefetch = 0 : i64, scratch_operands = 0 : i64, tpu.core_type = #tpu.core_type<tc>, window_params = [{transform_indices = @transform_0, window_bounds = array<i64: 2, 1, 512, 128>}, {transform_indices = @transform_1, window_bounds = array<i64: 512, 1>}, {transform_indices = @transform_2, window_bounds = array<i64: 512, 1>}, {pipeline_mode = #tpu.pipeline_mode<synchronous>, transform_indices = @transform_3, window_bounds = array<i64: 64, 256>}, {pipeline_mode = #tpu.pipeline_mode<synchronous>, transform_indices = @transform_4, window_bounds = array<i64: 1, 256>}, {pipeline_mode = #tpu.pipeline_mode<synchronous>, transform_indices = @transform_5, window_bounds = array<i64: 1, 256>}, {pipeline_mode = #tpu.pipeline_mode<synchronous>, transform_indices = @transform_6, window_bounds = array<i64: 1, 256>}, {transform_indices = @transform_7, window_bounds = array<i64: 1, 4, 512, 128>}]} {
    %get3A = arith.constant 0 : index
    %get3A_0 = arith.constant 0 : index
    %get3A_1 = arith.constant 0 : index
    %get3A_2 = arith.constant 0 : index
    %get3A_3 = vector.load %arg2[%get3A, %get3A_0, %get3A_1, %get3A_2] : memref<2x1x512x128xf32, #tpu.memory_space<vmem>>, vector<1x1x512x128xf32>
    %get3A_4 = vector.shape_cast %get3A_3 : vector<1x1x512x128xf32> to vector<512x128xf32>
    %get3A_5 = arith.constant 1 : index
    %get3A_6 = arith.constant 0 : index
    %get3A_7 = arith.constant 0 : index
    %get3A_8 = arith.constant 0 : index
    %get3A_9 = vector.load %arg2[%get3A_5, %get3A_6, %get3A_7, %get3A_8] : memref<2x1x512x128xf32, #tpu.memory_space<vmem>>, vector<1x1x512x128xf32>
    %get3A_10 = vector.shape_cast %get3A_9 : vector<1x1x512x128xf32> to vector<512x128xf32>
    %add3A = arith.addf %get3A_4, %get3A_10 : vector<512x128xf32>
    %get3A_11 = arith.constant 0 : index
    %get3A_12 = arith.constant 0 : index
    %get3A_13 = vector.load %arg3[%get3A_11, %get3A_12] : memref<512x1xf32, #tpu.memory_space<vmem>>, vector<512x1xf32>
    %mul3A = vector.broadcast %get3A_13 : vector<512x1xf32> to vector<512x128xf32>
    %mul3A_14 = arith.mulf %add3A, %mul3A : vector<512x128xf32>
    %slice3A = vector.extract_strided_slice %mul3A_14 {offsets = [0, 0], sizes = [512, 64], strides = [1, 1]} : vector<512x128xf32> to vector<512x64xf32>
    %get3A_15 = arith.constant 0 : index
    %get3A_16 = arith.constant 0 : index
    %get3A_17 = vector.load %arg5[%get3A_15, %get3A_16] : memref<64x256xf32, #tpu.memory_space<vmem>>, vector<64x256xf32>
    %dot_general3A = arith.constant dense<0.000000e+00> : vector<512x256xf32>
    %dot_general3A_18 = tpu.matmul %slice3A, %get3A_17, %dot_general3A {dimension_numbers = #tpu.dot_dimension_numbers<[1], [0], [0], [1], [0, 0, 1, 1], [], []>, transpose_lhs_hint = false} : vector<512x64xf32>, vector<64x256xf32>, vector<512x256xf32> -> vector<512x256xf32>
    %get3A_19 = arith.constant 0 : index
    %get3A_20 = arith.constant 0 : index
    %get3A_21 = vector.load %arg6[%get3A_19, %get3A_20] : memref<1x256xf32, #tpu.memory_space<vmem>>, vector<1x256xf32>
    %add3A_22 = vector.broadcast %get3A_21 : vector<1x256xf32> to vector<512x256xf32>
    %add3A_23 = arith.addf %dot_general3A_18, %add3A_22 : vector<512x256xf32>
    %neg3A = arith.constant 0.000000e+00 : f32
    %neg3A_24 = vector.broadcast %neg3A : f32 to vector<512x256xf32>
    %neg3A_25 = arith.subf %neg3A_24, %add3A_23 : vector<512x256xf32>
    %exp3A = math.exp %neg3A_25 : vector<512x256xf32>
    %add3A_26 = arith.constant 1.000000e+00 : f32
    %add3A_27 = vector.broadcast %add3A_26 : f32 to vector<512x256xf32>
    %add3A_28 = arith.addf %add3A_27, %exp3A : vector<512x256xf32>
    %div3A = arith.constant 1.000000e+00 : f32
    %div3A_29 = vector.broadcast %div3A : f32 to vector<512x256xf32>
    %div3A_30 = arith.divf %div3A_29, %add3A_28 : vector<512x256xf32>
    %mul3A_31 = arith.mulf %add3A_23, %div3A_30 : vector<512x256xf32>
    %get3A_32 = arith.constant 0 : index
    %get3A_33 = arith.constant 0 : index
    %get3A_34 = vector.load %arg7[%get3A_32, %get3A_33] : memref<1x256xf32, #tpu.memory_space<vmem>>, vector<1x256xf32>
    %get3A_35 = arith.constant 0 : index
    %get3A_36 = arith.constant 0 : index
    %get3A_37 = vector.load %arg8[%get3A_35, %get3A_36] : memref<1x256xf32, #tpu.memory_space<vmem>>, vector<1x256xf32>
    %reduce_sum3A = arith.constant dense<0.000000e+00> : vector<512xf32>
    %reduce_sum3A_38 = vector.multi_reduction <add>, %mul3A_31, %reduce_sum3A [1] : vector<512x256xf32> to vector<512xf32>
    %broadcast_in_dim3A = vector.shape_cast %reduce_sum3A_38 : vector<512xf32> to vector<512x1xf32>
    %div3A_39 = arith.constant 2.560000e+02 : f32
    %div3A_40 = vector.broadcast %div3A_39 : f32 to vector<512x1xf32>
    %div3A_41 = arith.divf %broadcast_in_dim3A, %div3A_40 : vector<512x1xf32>
    %sub3A = vector.broadcast %div3A_41 : vector<512x1xf32> to vector<512x256xf32>
    %sub3A_42 = arith.subf %mul3A_31, %sub3A : vector<512x256xf32>
    %integer_pow3A = arith.mulf %sub3A_42, %sub3A_42 : vector<512x256xf32>
    %reduce_sum3A_43 = arith.constant dense<0.000000e+00> : vector<512xf32>
    %reduce_sum3A_44 = vector.multi_reduction <add>, %integer_pow3A, %reduce_sum3A_43 [1] : vector<512x256xf32> to vector<512xf32>
    %broadcast_in_dim3A_45 = vector.shape_cast %reduce_sum3A_44 : vector<512xf32> to vector<512x1xf32>
    %div3A_46 = arith.constant 2.560000e+02 : f32
    %div3A_47 = vector.broadcast %div3A_46 : f32 to vector<512x1xf32>
    %div3A_48 = arith.divf %broadcast_in_dim3A_45, %div3A_47 : vector<512x1xf32>
    %sub3A_49 = vector.broadcast %div3A_41 : vector<512x1xf32> to vector<512x256xf32>
    %sub3A_50 = arith.subf %mul3A_31, %sub3A_49 : vector<512x256xf32>
    %add3A_51 = arith.constant 9.99999974E-6 : f32
    %add3A_52 = vector.broadcast %add3A_51 : f32 to vector<512x1xf32>
    %add3A_53 = arith.addf %div3A_48, %add3A_52 : vector<512x1xf32>
    %rsqrt3A = math.rsqrt %add3A_53 : vector<512x1xf32>
    %mul3A_54 = vector.broadcast %rsqrt3A : vector<512x1xf32> to vector<512x256xf32>
    %mul3A_55 = arith.mulf %sub3A_50, %mul3A_54 : vector<512x256xf32>
    %mul3A_56 = vector.broadcast %get3A_34 : vector<1x256xf32> to vector<512x256xf32>
    %mul3A_57 = arith.mulf %mul3A_55, %mul3A_56 : vector<512x256xf32>
    %add3A_58 = vector.broadcast %get3A_37 : vector<1x256xf32> to vector<512x256xf32>
    %add3A_59 = arith.addf %mul3A_57, %add3A_58 : vector<512x256xf32>
    %get3A_60 = arith.constant 0 : index
    %get3A_61 = arith.constant 0 : index
    %get3A_62 = vector.load %arg4[%get3A_60, %get3A_61] : memref<512x1xf32, #tpu.memory_space<vmem>>, vector<512x1xf32>
    %mul3A_63 = vector.broadcast %get3A_62 : vector<512x1xf32> to vector<512x256xf32>
    %mul3A_64 = arith.mulf %add3A_59, %mul3A_63 : vector<512x256xf32>
    %slice3A_65 = vector.extract_strided_slice %mul3A_64 {offsets = [0, 0], sizes = [512, 128], strides = [1, 1]} : vector<512x256xf32> to vector<512x128xf32>
    %swap3A = arith.constant 0 : index
    %swap3A_66 = arith.constant 0 : index
    %swap3A_67 = arith.constant 0 : index
    %swap3A_68 = arith.constant 0 : index
    %swap3A_69 = vector.load %arg9[%swap3A, %swap3A_66, %swap3A_67, %swap3A_68] : memref<1x4x512x128xf32, #tpu.memory_space<vmem>>, vector<1x1x512x128xf32>
    %swap3A_70 = vector.shape_cast %swap3A_69 : vector<1x1x512x128xf32> to vector<512x128xf32>
    %swap3A_71 = vector.shape_cast %slice3A_65 : vector<512x128xf32> to vector<1x1x512x128xf32>
    tpu.vector_store %arg9[%swap3A, %swap3A_66, %swap3A_67, %swap3A_68], %swap3A_71 {strides = array<i32>} : memref<1x4x512x128xf32, #tpu.memory_space<vmem>>, vector<1x1x512x128xf32>,
    %slice3A_72 = vector.extract_strided_slice %mul3A_64 {offsets = [0, 128], sizes = [512, 128], strides = [1, 1]} : vector<512x256xf32> to vector<512x128xf32>
    %swap3A_73 = arith.constant 0 : index
    %swap3A_74 = arith.constant 1 : index
    %swap3A_75 = arith.constant 0 : index
    %swap3A_76 = arith.constant 0 : index
    %swap3A_77 = vector.load %arg9[%swap3A_73, %swap3A_74, %swap3A_75, %swap3A_76] : memref<1x4x512x128xf32, #tpu.memory_space<vmem>>, vector<1x1x512x128xf32>
    %swap3A_78 = vector.shape_cast %swap3A_77 : vector<1x1x512x128xf32> to vector<512x128xf32>
    %swap3A_79 = vector.shape_cast %slice3A_72 : vector<512x128xf32> to vector<1x1x512x128xf32>
    tpu.vector_store %arg9[%swap3A_73, %swap3A_74, %swap3A_75, %swap3A_76], %swap3A_79 {strides = array<i32>} : memref<1x4x512x128xf32, #tpu.memory_space<vmem>>, vector<1x1x512x128xf32>,
    %slice3A_80 = vector.extract_strided_slice %mul3A_14 {offsets = [0, 64], sizes = [512, 64], strides = [1, 1]} : vector<512x128xf32> to vector<512x64xf32>
    %get3A_81 = arith.constant 0 : index
    %get3A_82 = arith.constant 0 : index
    %get3A_83 = vector.load %arg5[%get3A_81, %get3A_82] : memref<64x256xf32, #tpu.memory_space<vmem>>, vector<64x256xf32>
    %dot_general3A_84 = arith.constant dense<0.000000e+00> : vector<512x256xf32>
    %dot_general3A_85 = tpu.matmul %slice3A_80, %get3A_83, %dot_general3A_84 {dimension_numbers = #tpu.dot_dimension_numbers<[1], [0], [0], [1], [0, 0, 1, 1], [], []>, transpose_lhs_hint = false} : vector<512x64xf32>, vector<64x256xf32>, vector<512x256xf32> -> vector<512x256xf32>
    %get3A_86 = arith.constant 0 : index
    %get3A_87 = arith.constant 0 : index
    %get3A_88 = vector.load %arg6[%get3A_86, %get3A_87] : memref<1x256xf32, #tpu.memory_space<vmem>>, vector<1x256xf32>
    %add3A_89 = vector.broadcast %get3A_88 : vector<1x256xf32> to vector<512x256xf32>
    %add3A_90 = arith.addf %dot_general3A_85, %add3A_89 : vector<512x256xf32>
    %neg3A_91 = arith.constant 0.000000e+00 : f32
    %neg3A_92 = vector.broadcast %neg3A_91 : f32 to vector<512x256xf32>
    %neg3A_93 = arith.subf %neg3A_92, %add3A_90 : vector<512x256xf32>
    %exp3A_94 = math.exp %neg3A_93 : vector<512x256xf32>
    %add3A_95 = arith.constant 1.000000e+00 : f32
    %add3A_96 = vector.broadcast %add3A_95 : f32 to vector<512x256xf32>
    %add3A_97 = arith.addf %add3A_96, %exp3A_94 : vector<512x256xf32>
    %div3A_98 = arith.constant 1.000000e+00 : f32
    %div3A_99 = vector.broadcast %div3A_98 : f32 to vector<512x256xf32>
    %div3A_100 = arith.divf %div3A_99, %add3A_97 : vector<512x256xf32>
    %mul3A_101 = arith.mulf %add3A_90, %div3A_100 : vector<512x256xf32>
    %get3A_102 = arith.constant 0 : index
    %get3A_103 = arith.constant 0 : index
    %get3A_104 = vector.load %arg7[%get3A_102, %get3A_103] : memref<1x256xf32, #tpu.memory_space<vmem>>, vector<1x256xf32>
    %get3A_105 = arith.constant 0 : index
    %get3A_106 = arith.constant 0 : index
    %get3A_107 = vector.load %arg8[%get3A_105, %get3A_106] : memref<1x256xf32, #tpu.memory_space<vmem>>, vector<1x256xf32>
    %reduce_sum3A_108 = arith.constant dense<0.000000e+00> : vector<512xf32>
    %reduce_sum3A_109 = vector.multi_reduction <add>, %mul3A_101, %reduce_sum3A_108 [1] : vector<512x256xf32> to vector<512xf32>
    %broadcast_in_dim3A_110 = vector.shape_cast %reduce_sum3A_109 : vector<512xf32> to vector<512x1xf32>
    %div3A_111 = arith.constant 2.560000e+02 : f32
    %div3A_112 = vector.broadcast %div3A_111 : f32 to vector<512x1xf32>
    %div3A_113 = arith.divf %broadcast_in_dim3A_110, %div3A_112 : vector<512x1xf32>
    %sub3A_114 = vector.broadcast %div3A_113 : vector<512x1xf32> to vector<512x256xf32>
    %sub3A_115 = arith.subf %mul3A_101, %sub3A_114 : vector<512x256xf32>
    %integer_pow3A_116 = arith.mulf %sub3A_115, %sub3A_115 : vector<512x256xf32>
    %reduce_sum3A_117 = arith.constant dense<0.000000e+00> : vector<512xf32>
    %reduce_sum3A_118 = vector.multi_reduction <add>, %integer_pow3A_116, %reduce_sum3A_117 [1] : vector<512x256xf32> to vector<512xf32>
    %broadcast_in_dim3A_119 = vector.shape_cast %reduce_sum3A_118 : vector<512xf32> to vector<512x1xf32>
    %div3A_120 = arith.constant 2.560000e+02 : f32
    %div3A_121 = vector.broadcast %div3A_120 : f32 to vector<512x1xf32>
    %div3A_122 = arith.divf %broadcast_in_dim3A_119, %div3A_121 : vector<512x1xf32>
    %sub3A_123 = vector.broadcast %div3A_113 : vector<512x1xf32> to vector<512x256xf32>
    %sub3A_124 = arith.subf %mul3A_101, %sub3A_123 : vector<512x256xf32>
    %add3A_125 = arith.constant 9.99999974E-6 : f32
    %add3A_126 = vector.broadcast %add3A_125 : f32 to vector<512x1xf32>
    %add3A_127 = arith.addf %div3A_122, %add3A_126 : vector<512x1xf32>
    %rsqrt3A_128 = math.rsqrt %add3A_127 : vector<512x1xf32>
    %mul3A_129 = vector.broadcast %rsqrt3A_128 : vector<512x1xf32> to vector<512x256xf32>
    %mul3A_130 = arith.mulf %sub3A_124, %mul3A_129 : vector<512x256xf32>
    %mul3A_131 = vector.broadcast %get3A_104 : vector<1x256xf32> to vector<512x256xf32>
    %mul3A_132 = arith.mulf %mul3A_130, %mul3A_131 : vector<512x256xf32>
    %add3A_133 = vector.broadcast %get3A_107 : vector<1x256xf32> to vector<512x256xf32>
    %add3A_134 = arith.addf %mul3A_132, %add3A_133 : vector<512x256xf32>
    %get3A_135 = arith.constant 0 : index
    %get3A_136 = arith.constant 0 : index
    %get3A_137 = vector.load %arg4[%get3A_135, %get3A_136] : memref<512x1xf32, #tpu.memory_space<vmem>>, vector<512x1xf32>
    %mul3A_138 = vector.broadcast %get3A_137 : vector<512x1xf32> to vector<512x256xf32>
    %mul3A_139 = arith.mulf %add3A_134, %mul3A_138 : vector<512x256xf32>
    %slice3A_140 = vector.extract_strided_slice %mul3A_139 {offsets = [0, 0], sizes = [512, 128], strides = [1, 1]} : vector<512x256xf32> to vector<512x128xf32>
    %swap3A_141 = arith.constant 0 : index
    %swap3A_142 = arith.constant 2 : index
    %swap3A_143 = arith.constant 0 : index
    %swap3A_144 = arith.constant 0 : index
    %swap3A_145 = vector.load %arg9[%swap3A_141, %swap3A_142, %swap3A_143, %swap3A_144] : memref<1x4x512x128xf32, #tpu.memory_space<vmem>>, vector<1x1x512x128xf32>
    %swap3A_146 = vector.shape_cast %swap3A_145 : vector<1x1x512x128xf32> to vector<512x128xf32>
    %swap3A_147 = vector.shape_cast %slice3A_140 : vector<512x128xf32> to vector<1x1x512x128xf32>
    tpu.vector_store %arg9[%swap3A_141, %swap3A_142, %swap3A_143, %swap3A_144], %swap3A_147 {strides = array<i32>} : memref<1x4x512x128xf32, #tpu.memory_space<vmem>>, vector<1x1x512x128xf32>,
    %slice3A_148 = vector.extract_strided_slice %mul3A_139 {offsets = [0, 128], sizes = [512, 128], strides = [1, 1]} : vector<512x256xf32> to vector<512x128xf32>
    %swap3A_149 = arith.constant 0 : index
    %swap3A_150 = arith.constant 3 : index
    %swap3A_151 = arith.constant 0 : index
    %swap3A_152 = arith.constant 0 : index
    %swap3A_153 = vector.load %arg9[%swap3A_149, %swap3A_150, %swap3A_151, %swap3A_152] : memref<1x4x512x128xf32, #tpu.memory_space<vmem>>, vector<1x1x512x128xf32>
    %swap3A_154 = vector.shape_cast %swap3A_153 : vector<1x1x512x128xf32> to vector<512x128xf32>
    %swap3A_155 = vector.shape_cast %slice3A_148 : vector<512x128xf32> to vector<1x1x512x128xf32>
    tpu.vector_store %arg9[%swap3A_149, %swap3A_150, %swap3A_151, %swap3A_152], %swap3A_155 {strides = array<i32>} : memref<1x4x512x128xf32, #tpu.memory_space<vmem>>, vector<1x1x512x128xf32>,
    return
  }
  func.func @transform_0(%arg0: i32, %arg1: i32) -> (i32, i32, i32, i32) {
    %c0_i32 = arith.constant 0 : i32
    %c0_i32_0 = arith.constant 0 : i32
    %c0_i32_1 = arith.constant 0 : i32
    return %c0_i32, %arg0, %arg1, %c0_i32_0 : i32, i32, i32, i32
  }
  func.func @transform_1(%arg0: i32, %arg1: i32) -> (i32, i32) {
    %c0_i32 = arith.constant 0 : i32
    %c0_i32_0 = arith.constant 0 : i32
    return %arg1, %c0_i32 : i32, i32
  }
  func.func @transform_2(%arg0: i32, %arg1: i32) -> (i32, i32) {
    %c0_i32 = arith.constant 0 : i32
    %c0_i32_0 = arith.constant 0 : i32
    return %arg1, %c0_i32 : i32, i32
  }
  func.func @transform_3(%arg0: i32, %arg1: i32) -> (i32, i32) {
    %c0_i32 = arith.constant 0 : i32
    %c0_i32_0 = arith.constant 0 : i32
    %c0_i32_1 = arith.constant 0 : i32
    return %c0_i32, %c0_i32_0 : i32, i32
  }
  func.func @transform_4(%arg0: i32, %arg1: i32) -> (i32, i32) {
    %c0_i32 = arith.constant 0 : i32
    %c0_i32_0 = arith.constant 0 : i32
    %c0_i32_1 = arith.constant 0 : i32
    return %c0_i32, %c0_i32_0 : i32, i32
  }
  func.func @transform_5(%arg0: i32, %arg1: i32) -> (i32, i32) {
    %c0_i32 = arith.constant 0 : i32
    %c0_i32_0 = arith.constant 0 : i32
    %c0_i32_1 = arith.constant 0 : i32
    return %c0_i32, %c0_i32_0 : i32, i32
  }
  func.func @transform_6(%arg0: i32, %arg1: i32) -> (i32, i32) {
    %c0_i32 = arith.constant 0 : i32
    %c0_i32_0 = arith.constant 0 : i32
    %c0_i32_1 = arith.constant 0 : i32
    return %c0_i32, %c0_i32_0 : i32, i32
  }
  func.func @transform_7(%arg0: i32, %arg1: i32) -> (i32, i32, i32, i32) {
    %c0_i32 = arith.constant 0 : i32
    %c0_i32_0 = arith.constant 0 : i32
    %c0_i32_1 = arith.constant 0 : i32
    return %arg0, %c0_i32, %arg1, %c0_i32_0 : i32, i32, i32, i32
  }
}

module attributes {stable_mosaic.version = 14 : i64} {
  func.func @_l3_body(%arg0: i32, %arg1: i32, %arg2: memref<2x4x512x128xf32, #tpu.memory_space<vmem>>, %arg3: memref<512x1xf32, #tpu.memory_space<vmem>>, %arg4: memref<256x512xf32, #tpu.memory_space<vmem>>, %arg5: memref<1x512xf32, #tpu.memory_space<vmem>>, %arg6: memref<1x512xf32, #tpu.memory_space<vmem>>, %arg7: memref<1x512xf32, #tpu.memory_space<vmem>>, %arg8: memref<512x128xf32, #tpu.memory_space<vmem>>, %arg9: memref<1x128xf32, #tpu.memory_space<vmem>>, %arg10: memref<1x128xf32, #tpu.memory_space<vmem>>, %arg11: memref<1x128xf32, #tpu.memory_space<vmem>>, %arg12: memref<128x64xf32, #tpu.memory_space<vmem>>, %arg13: memref<1x64xf32, #tpu.memory_space<vmem>>, %arg14: memref<1x64xf32, #tpu.memory_space<vmem>>, %arg15: memref<1x64xf32, #tpu.memory_space<vmem>>, %arg16: memref<64x16xf32, #tpu.memory_space<vmem>>, %arg17: memref<1x16xf32, #tpu.memory_space<vmem>>, %arg18: memref<1x16xf32, #tpu.memory_space<vmem>>, %arg19: memref<1x16xf32, #tpu.memory_space<vmem>>, %arg20: memref<16x4xf32, #tpu.memory_space<vmem>>, %arg21: memref<1x4xf32, #tpu.memory_space<vmem>>, %arg22: memref<1x512xf32, #tpu.memory_space<vmem>>, %arg23: memref<1x4xf32, #tpu.memory_space<vmem>>) attributes {dimension_semantics = [#tpu.dimension_semantics<arbitrary>, #tpu.dimension_semantics<arbitrary>], iteration_bounds = array<i64: 5, 20>, scalar_prefetch = 0 : i64, scratch_operands = 0 : i64, tpu.core_type = #tpu.core_type<tc>, window_params = [{transform_indices = @transform_0, window_bounds = array<i64: 2, 4, 512, 128>}, {transform_indices = @transform_1, window_bounds = array<i64: 512, 1>}, {pipeline_mode = #tpu.pipeline_mode<synchronous>, transform_indices = @transform_2, window_bounds = array<i64: 256, 512>}, {pipeline_mode = #tpu.pipeline_mode<synchronous>, transform_indices = @transform_3, window_bounds = array<i64: 1, 512>}, {pipeline_mode = #tpu.pipeline_mode<synchronous>, transform_indices = @transform_4, window_bounds = array<i64: 1, 512>}, {pipeline_mode = #tpu.pipeline_mode<synchronous>, transform_indices = @transform_5, window_bounds = array<i64: 1, 512>}, {pipeline_mode = #tpu.pipeline_mode<synchronous>, transform_indices = @transform_6, window_bounds = array<i64: 512, 128>}, {pipeline_mode = #tpu.pipeline_mode<synchronous>, transform_indices = @transform_7, window_bounds = array<i64: 1, 128>}, {pipeline_mode = #tpu.pipeline_mode<synchronous>, transform_indices = @transform_8, window_bounds = array<i64: 1, 128>}, {pipeline_mode = #tpu.pipeline_mode<synchronous>, transform_indices = @transform_9, window_bounds = array<i64: 1, 128>}, {pipeline_mode = #tpu.pipeline_mode<synchronous>, transform_indices = @transform_10, window_bounds = array<i64: 128, 64>}, {pipeline_mode = #tpu.pipeline_mode<synchronous>, transform_indices = @transform_11, window_bounds = array<i64: 1, 64>}, {pipeline_mode = #tpu.pipeline_mode<synchronous>, transform_indices = @transform_12, window_bounds = array<i64: 1, 64>}, {pipeline_mode = #tpu.pipeline_mode<synchronous>, transform_indices = @transform_13, window_bounds = array<i64: 1, 64>}, {pipeline_mode = #tpu.pipeline_mode<synchronous>, transform_indices = @transform_14, window_bounds = array<i64: 64, 16>}, {pipeline_mode = #tpu.pipeline_mode<synchronous>, transform_indices = @transform_15, window_bounds = array<i64: 1, 16>}, {pipeline_mode = #tpu.pipeline_mode<synchronous>, transform_indices = @transform_16, window_bounds = array<i64: 1, 16>}, {pipeline_mode = #tpu.pipeline_mode<synchronous>, transform_indices = @transform_17, window_bounds = array<i64: 1, 16>}, {pipeline_mode = #tpu.pipeline_mode<synchronous>, transform_indices = @transform_18, window_bounds = array<i64: 16, 4>}, {pipeline_mode = #tpu.pipeline_mode<synchronous>, transform_indices = @transform_19, window_bounds = array<i64: 1, 4>}, {pipeline_mode = #tpu.pipeline_mode<synchronous>, transform_indices = @transform_20, window_bounds = array<i64: 1, 512>}, {pipeline_mode = #tpu.pipeline_mode<synchronous>, transform_indices = @transform_21, window_bounds = array<i64: 1, 4>}]} {
    %get3A = arith.constant 0 : index
    %get3A_0 = arith.constant 0 : index
    %get3A_1 = arith.constant 0 : index
    %get3A_2 = arith.constant 0 : index
    %get3A_3 = vector.load %arg2[%get3A, %get3A_0, %get3A_1, %get3A_2] : memref<2x4x512x128xf32, #tpu.memory_space<vmem>>, vector<1x4x512x128xf32>
    %get3A_4 = vector.shape_cast %get3A_3 : vector<1x4x512x128xf32> to vector<4x512x128xf32>
    %get3A_5 = arith.constant 1 : index
    %get3A_6 = arith.constant 0 : index
    %get3A_7 = arith.constant 0 : index
    %get3A_8 = arith.constant 0 : index
    %get3A_9 = vector.load %arg2[%get3A_5, %get3A_6, %get3A_7, %get3A_8] : memref<2x4x512x128xf32, #tpu.memory_space<vmem>>, vector<1x4x512x128xf32>
    %get3A_10 = vector.shape_cast %get3A_9 : vector<1x4x512x128xf32> to vector<4x512x128xf32>
    %add3A = arith.addf %get3A_4, %get3A_10 : vector<4x512x128xf32>
    %slice3A = vector.extract_strided_slice %add3A {offsets = [0, 0, 0], sizes = [1, 512, 128], strides = [1, 1, 1]} : vector<4x512x128xf32> to vector<1x512x128xf32>
    %squeeze3A = vector.shape_cast %slice3A : vector<1x512x128xf32> to vector<512x128xf32>
    %slice3A_11 = vector.extract_strided_slice %add3A {offsets = [1, 0, 0], sizes = [1, 512, 128], strides = [1, 1, 1]} : vector<4x512x128xf32> to vector<1x512x128xf32>
    %squeeze3A_12 = vector.shape_cast %slice3A_11 : vector<1x512x128xf32> to vector<512x128xf32>
    %concatenate3A = tpu.concatenate %squeeze3A, %squeeze3A_12 in 1 : vector<512x128xf32>, vector<512x128xf32> -> vector<512x256xf32>
    %get3A_13 = arith.constant 0 : index
    %get3A_14 = arith.constant 0 : index
    %get3A_15 = vector.load %arg3[%get3A_13, %get3A_14] : memref<512x1xf32, #tpu.memory_space<vmem>>, vector<512x1xf32>
    %mul3A = vector.broadcast %get3A_15 : vector<512x1xf32> to vector<512x256xf32>
    %mul3A_16 = arith.mulf %concatenate3A, %mul3A : vector<512x256xf32>
    %get3A_17 = arith.constant 0 : index
    %get3A_18 = arith.constant 0 : index
    %get3A_19 = vector.load %arg4[%get3A_17, %get3A_18] : memref<256x512xf32, #tpu.memory_space<vmem>>, vector<256x512xf32>
    %dot_general3A = arith.constant dense<0.000000e+00> : vector<512x512xf32>
    %dot_general3A_20 = tpu.matmul %mul3A_16, %get3A_19, %dot_general3A {dimension_numbers = #tpu.dot_dimension_numbers<[1], [0], [0], [1], [0, 0, 1, 1], [], []>, transpose_lhs_hint = false} : vector<512x256xf32>, vector<256x512xf32>, vector<512x512xf32> -> vector<512x512xf32>
    %get3A_21 = arith.constant 0 : index
    %get3A_22 = arith.constant 0 : index
    %get3A_23 = vector.load %arg5[%get3A_21, %get3A_22] : memref<1x512xf32, #tpu.memory_space<vmem>>, vector<1x512xf32>
    %add3A_24 = vector.broadcast %get3A_23 : vector<1x512xf32> to vector<512x512xf32>
    %add3A_25 = arith.addf %dot_general3A_20, %add3A_24 : vector<512x512xf32>
    %neg3A = arith.constant 0.000000e+00 : f32
    %neg3A_26 = vector.broadcast %neg3A : f32 to vector<512x512xf32>
    %neg3A_27 = arith.subf %neg3A_26, %add3A_25 : vector<512x512xf32>
    %exp3A = math.exp %neg3A_27 : vector<512x512xf32>
    %add3A_28 = arith.constant 1.000000e+00 : f32
    %add3A_29 = vector.broadcast %add3A_28 : f32 to vector<512x512xf32>
    %add3A_30 = arith.addf %add3A_29, %exp3A : vector<512x512xf32>
    %div3A = arith.constant 1.000000e+00 : f32
    %div3A_31 = vector.broadcast %div3A : f32 to vector<512x512xf32>
    %div3A_32 = arith.divf %div3A_31, %add3A_30 : vector<512x512xf32>
    %mul3A_33 = arith.mulf %add3A_25, %div3A_32 : vector<512x512xf32>
    %get3A_34 = arith.constant 0 : index
    %get3A_35 = arith.constant 0 : index
    %get3A_36 = vector.load %arg6[%get3A_34, %get3A_35] : memref<1x512xf32, #tpu.memory_space<vmem>>, vector<1x512xf32>
    %get3A_37 = arith.constant 0 : index
    %get3A_38 = arith.constant 0 : index
    %get3A_39 = vector.load %arg7[%get3A_37, %get3A_38] : memref<1x512xf32, #tpu.memory_space<vmem>>, vector<1x512xf32>
    %reduce_sum3A = arith.constant dense<0.000000e+00> : vector<512xf32>
    %reduce_sum3A_40 = vector.multi_reduction <add>, %mul3A_33, %reduce_sum3A [1] : vector<512x512xf32> to vector<512xf32>
    %broadcast_in_dim3A = vector.shape_cast %reduce_sum3A_40 : vector<512xf32> to vector<512x1xf32>
    %div3A_41 = arith.constant 5.120000e+02 : f32
    %div3A_42 = vector.broadcast %div3A_41 : f32 to vector<512x1xf32>
    %div3A_43 = arith.divf %broadcast_in_dim3A, %div3A_42 : vector<512x1xf32>
    %sub3A = vector.broadcast %div3A_43 : vector<512x1xf32> to vector<512x512xf32>
    %sub3A_44 = arith.subf %mul3A_33, %sub3A : vector<512x512xf32>
    %integer_pow3A = arith.mulf %sub3A_44, %sub3A_44 : vector<512x512xf32>
    %reduce_sum3A_45 = arith.constant dense<0.000000e+00> : vector<512xf32>
    %reduce_sum3A_46 = vector.multi_reduction <add>, %integer_pow3A, %reduce_sum3A_45 [1] : vector<512x512xf32> to vector<512xf32>
    %broadcast_in_dim3A_47 = vector.shape_cast %reduce_sum3A_46 : vector<512xf32> to vector<512x1xf32>
    %div3A_48 = arith.constant 5.120000e+02 : f32
    %div3A_49 = vector.broadcast %div3A_48 : f32 to vector<512x1xf32>
    %div3A_50 = arith.divf %broadcast_in_dim3A_47, %div3A_49 : vector<512x1xf32>
    %sub3A_51 = vector.broadcast %div3A_43 : vector<512x1xf32> to vector<512x512xf32>
    %sub3A_52 = arith.subf %mul3A_33, %sub3A_51 : vector<512x512xf32>
    %add3A_53 = arith.constant 9.99999974E-6 : f32
    %add3A_54 = vector.broadcast %add3A_53 : f32 to vector<512x1xf32>
    %add3A_55 = arith.addf %div3A_50, %add3A_54 : vector<512x1xf32>
    %rsqrt3A = math.rsqrt %add3A_55 : vector<512x1xf32>
    %mul3A_56 = vector.broadcast %rsqrt3A : vector<512x1xf32> to vector<512x512xf32>
    %mul3A_57 = arith.mulf %sub3A_52, %mul3A_56 : vector<512x512xf32>
    %mul3A_58 = vector.broadcast %get3A_36 : vector<1x512xf32> to vector<512x512xf32>
    %mul3A_59 = arith.mulf %mul3A_57, %mul3A_58 : vector<512x512xf32>
    %add3A_60 = vector.broadcast %get3A_39 : vector<1x512xf32> to vector<512x512xf32>
    %add3A_61 = arith.addf %mul3A_59, %add3A_60 : vector<512x512xf32>
    %mul3A_62 = arith.constant 512 : i32
    %mul3A_63 = arith.muli %arg1, %mul3A_62 : i32
    %iota3A = tpu.iota {dimensions = array<i32: 0>} : vector<512x512xi32>
    %add3A_64 = vector.broadcast %mul3A_63 : i32 to vector<512x512xi32>
    %add3A_65 = arith.addi %add3A_64, %iota3A : vector<512x512xi32>
    %lt3A = arith.constant 10000 : i32
    %lt3A_66 = vector.broadcast %lt3A : i32 to vector<512x512xi32>
    %lt3A_67 = arith.cmpi slt, %add3A_65, %lt3A_66 : vector<512x512xi32>
    %jit3A = arith.constant 0xFF800000 : f32
    %broadcast_in_dim3A_68 = vector.broadcast %jit3A : f32 to vector<512x512xf32>
    %select_n3A = arith.select %lt3A_67, %add3A_61, %broadcast_in_dim3A_68 : vector<512x512xi1>, vector<512x512xf32>
    %reduce_max3A = arith.constant dense<0xFF800000> : vector<512xf32>
    %reduce_max3A_69 = vector.multi_reduction <maximumf>, %select_n3A, %reduce_max3A [0] : vector<512x512xf32> to vector<512xf32>
    %broadcast_in_dim3A_70 = vector.shape_cast %reduce_max3A_69 : vector<512xf32> to vector<1x512xf32>
    %slice3A_71 = vector.extract_strided_slice %add3A {offsets = [2, 0, 0], sizes = [1, 512, 128], strides = [1, 1, 1]} : vector<4x512x128xf32> to vector<1x512x128xf32>
    %squeeze3A_72 = vector.shape_cast %slice3A_71 : vector<1x512x128xf32> to vector<512x128xf32>
    %slice3A_73 = vector.extract_strided_slice %add3A {offsets = [3, 0, 0], sizes = [1, 512, 128], strides = [1, 1, 1]} : vector<4x512x128xf32> to vector<1x512x128xf32>
    %squeeze3A_74 = vector.shape_cast %slice3A_73 : vector<1x512x128xf32> to vector<512x128xf32>
    %concatenate3A_75 = tpu.concatenate %squeeze3A_72, %squeeze3A_74 in 1 : vector<512x128xf32>, vector<512x128xf32> -> vector<512x256xf32>
    %get3A_76 = arith.constant 0 : index
    %get3A_77 = arith.constant 0 : index
    %get3A_78 = vector.load %arg3[%get3A_76, %get3A_77] : memref<512x1xf32, #tpu.memory_space<vmem>>, vector<512x1xf32>
    %mul3A_79 = vector.broadcast %get3A_78 : vector<512x1xf32> to vector<512x256xf32>
    %mul3A_80 = arith.mulf %concatenate3A_75, %mul3A_79 : vector<512x256xf32>
    %get3A_81 = arith.constant 0 : index
    %get3A_82 = arith.constant 0 : index
    %get3A_83 = vector.load %arg4[%get3A_81, %get3A_82] : memref<256x512xf32, #tpu.memory_space<vmem>>, vector<256x512xf32>
    %dot_general3A_84 = arith.constant dense<0.000000e+00> : vector<512x512xf32>
    %dot_general3A_85 = tpu.matmul %mul3A_80, %get3A_83, %dot_general3A_84 {dimension_numbers = #tpu.dot_dimension_numbers<[1], [0], [0], [1], [0, 0, 1, 1], [], []>, transpose_lhs_hint = false} : vector<512x256xf32>, vector<256x512xf32>, vector<512x512xf32> -> vector<512x512xf32>
    %get3A_86 = arith.constant 0 : index
    %get3A_87 = arith.constant 0 : index
    %get3A_88 = vector.load %arg5[%get3A_86, %get3A_87] : memref<1x512xf32, #tpu.memory_space<vmem>>, vector<1x512xf32>
    %add3A_89 = vector.broadcast %get3A_88 : vector<1x512xf32> to vector<512x512xf32>
    %add3A_90 = arith.addf %dot_general3A_85, %add3A_89 : vector<512x512xf32>
    %neg3A_91 = arith.constant 0.000000e+00 : f32
    %neg3A_92 = vector.broadcast %neg3A_91 : f32 to vector<512x512xf32>
    %neg3A_93 = arith.subf %neg3A_92, %add3A_90 : vector<512x512xf32>
    %exp3A_94 = math.exp %neg3A_93 : vector<512x512xf32>
    %add3A_95 = arith.constant 1.000000e+00 : f32
    %add3A_96 = vector.broadcast %add3A_95 : f32 to vector<512x512xf32>
    %add3A_97 = arith.addf %add3A_96, %exp3A_94 : vector<512x512xf32>
    %div3A_98 = arith.constant 1.000000e+00 : f32
    %div3A_99 = vector.broadcast %div3A_98 : f32 to vector<512x512xf32>
    %div3A_100 = arith.divf %div3A_99, %add3A_97 : vector<512x512xf32>
    %mul3A_101 = arith.mulf %add3A_90, %div3A_100 : vector<512x512xf32>
    %get3A_102 = arith.constant 0 : index
    %get3A_103 = arith.constant 0 : index
    %get3A_104 = vector.load %arg6[%get3A_102, %get3A_103] : memref<1x512xf32, #tpu.memory_space<vmem>>, vector<1x512xf32>
    %get3A_105 = arith.constant 0 : index
    %get3A_106 = arith.constant 0 : index
    %get3A_107 = vector.load %arg7[%get3A_105, %get3A_106] : memref<1x512xf32, #tpu.memory_space<vmem>>, vector<1x512xf32>
    %reduce_sum3A_108 = arith.constant dense<0.000000e+00> : vector<512xf32>
    %reduce_sum3A_109 = vector.multi_reduction <add>, %mul3A_101, %reduce_sum3A_108 [1] : vector<512x512xf32> to vector<512xf32>
    %broadcast_in_dim3A_110 = vector.shape_cast %reduce_sum3A_109 : vector<512xf32> to vector<512x1xf32>
    %div3A_111 = arith.constant 5.120000e+02 : f32
    %div3A_112 = vector.broadcast %div3A_111 : f32 to vector<512x1xf32>
    %div3A_113 = arith.divf %broadcast_in_dim3A_110, %div3A_112 : vector<512x1xf32>
    %sub3A_114 = vector.broadcast %div3A_113 : vector<512x1xf32> to vector<512x512xf32>
    %sub3A_115 = arith.subf %mul3A_101, %sub3A_114 : vector<512x512xf32>
    %integer_pow3A_116 = arith.mulf %sub3A_115, %sub3A_115 : vector<512x512xf32>
    %reduce_sum3A_117 = arith.constant dense<0.000000e+00> : vector<512xf32>
    %reduce_sum3A_118 = vector.multi_reduction <add>, %integer_pow3A_116, %reduce_sum3A_117 [1] : vector<512x512xf32> to vector<512xf32>
    %broadcast_in_dim3A_119 = vector.shape_cast %reduce_sum3A_118 : vector<512xf32> to vector<512x1xf32>
    %div3A_120 = arith.constant 5.120000e+02 : f32
    %div3A_121 = vector.broadcast %div3A_120 : f32 to vector<512x1xf32>
    %div3A_122 = arith.divf %broadcast_in_dim3A_119, %div3A_121 : vector<512x1xf32>
    %sub3A_123 = vector.broadcast %div3A_113 : vector<512x1xf32> to vector<512x512xf32>
    %sub3A_124 = arith.subf %mul3A_101, %sub3A_123 : vector<512x512xf32>
    %add3A_125 = arith.constant 9.99999974E-6 : f32
    %add3A_126 = vector.broadcast %add3A_125 : f32 to vector<512x1xf32>
    %add3A_127 = arith.addf %div3A_122, %add3A_126 : vector<512x1xf32>
    %rsqrt3A_128 = math.rsqrt %add3A_127 : vector<512x1xf32>
    %mul3A_129 = vector.broadcast %rsqrt3A_128 : vector<512x1xf32> to vector<512x512xf32>
    %mul3A_130 = arith.mulf %sub3A_124, %mul3A_129 : vector<512x512xf32>
    %mul3A_131 = vector.broadcast %get3A_104 : vector<1x512xf32> to vector<512x512xf32>
    %mul3A_132 = arith.mulf %mul3A_130, %mul3A_131 : vector<512x512xf32>
    %add3A_133 = vector.broadcast %get3A_107 : vector<1x512xf32> to vector<512x512xf32>
    %add3A_134 = arith.addf %mul3A_132, %add3A_133 : vector<512x512xf32>
    %mul3A_135 = arith.constant 512 : i32
    %mul3A_136 = arith.muli %arg1, %mul3A_135 : i32
    %iota3A_137 = tpu.iota {dimensions = array<i32: 0>} : vector<512x512xi32>
    %add3A_138 = vector.broadcast %mul3A_136 : i32 to vector<512x512xi32>
    %add3A_139 = arith.addi %add3A_138, %iota3A_137 : vector<512x512xi32>
    %lt3A_140 = arith.constant 10000 : i32
    %lt3A_141 = vector.broadcast %lt3A_140 : i32 to vector<512x512xi32>
    %lt3A_142 = arith.cmpi slt, %add3A_139, %lt3A_141 : vector<512x512xi32>
    %jit3A_143 = arith.constant 0xFF800000 : f32
    %broadcast_in_dim3A_144 = vector.broadcast %jit3A_143 : f32 to vector<512x512xf32>
    %select_n3A_145 = arith.select %lt3A_142, %add3A_134, %broadcast_in_dim3A_144 : vector<512x512xi1>, vector<512x512xf32>
    %reduce_max3A_146 = arith.constant dense<0xFF800000> : vector<512xf32>
    %reduce_max3A_147 = vector.multi_reduction <maximumf>, %select_n3A_145, %reduce_max3A_146 [0] : vector<512x512xf32> to vector<512xf32>
    %broadcast_in_dim3A_148 = vector.shape_cast %reduce_max3A_147 : vector<512xf32> to vector<1x512xf32>
    %max3A = arith.maximumf %broadcast_in_dim3A_70, %broadcast_in_dim3A_148 : vector<1x512xf32>
    %eq3A = arith.constant 0 : i32
    %eq3A_149 = arith.cmpi eq, %arg0, %eq3A : i32
    %eq3A_150 = arith.constant 0 : i32
    %eq3A_151 = arith.cmpi eq, %arg1, %eq3A_150 : i32
    %and3A = arith.andi %eq3A_149, %eq3A_151 : i1
    %convert_element_type3A = arith.extui %and3A : i1 to i32
    %cond3A = arith.constant 0 : i32
    %cond3A_152 = arith.cmpi ne, %convert_element_type3A, %cond3A : i32
    scf.if %cond3A_152 {
      %swap3A = arith.constant 0 : index
      %swap3A_167 = arith.constant 0 : index
      %swap3A_168 = vector.load %arg22[%swap3A, %swap3A_167] : memref<1x512xf32, #tpu.memory_space<vmem>>, vector<1x512xf32>
      tpu.vector_store %arg22[%swap3A, %swap3A_167], %max3A {strides = array<i32>} : memref<1x512xf32, #tpu.memory_space<vmem>>, vector<1x512xf32>,
      %broadcast_in_dim3A_169 = arith.constant 0.000000e+00 : f32
      %broadcast_in_dim3A_170 = vector.broadcast %broadcast_in_dim3A_169 : f32 to vector<1x4xf32>
      %swap3A_171 = arith.constant 0 : index
      %swap3A_172 = arith.constant 0 : index
      %swap3A_173 = vector.load %arg23[%swap3A_171, %swap3A_172] : memref<1x4xf32, #tpu.memory_space<vmem>>, vector<1x4xf32>
      tpu.vector_store %arg23[%swap3A_171, %swap3A_172], %broadcast_in_dim3A_170 {strides = array<i32>} : memref<1x4xf32, #tpu.memory_space<vmem>>, vector<1x4xf32>,
    } else {
    }
    %ne3A = arith.constant 0 : i32
    %ne3A_153 = arith.cmpi ne, %arg0, %ne3A : i32
    %ne3A_154 = arith.constant 0 : i32
    %ne3A_155 = arith.cmpi ne, %arg1, %ne3A_154 : i32
    %or3A = arith.ori %ne3A_153, %ne3A_155 : i1
    %convert_element_type3A_156 = arith.extui %or3A : i1 to i32
    %cond3A_157 = arith.constant 0 : i32
    %cond3A_158 = arith.cmpi ne, %convert_element_type3A_156, %cond3A_157 : i32
    scf.if %cond3A_158 {
      %get3A_167 = arith.constant 0 : index
      %get3A_168 = arith.constant 0 : index
      %get3A_169 = vector.load %arg22[%get3A_167, %get3A_168] : memref<1x512xf32, #tpu.memory_space<vmem>>, vector<1x512xf32>
      %max3A_170 = arith.maximumf %get3A_169, %max3A : vector<1x512xf32>
      %swap3A = arith.constant 0 : index
      %swap3A_171 = arith.constant 0 : index
      %swap3A_172 = vector.load %arg22[%swap3A, %swap3A_171] : memref<1x512xf32, #tpu.memory_space<vmem>>, vector<1x512xf32>
      tpu.vector_store %arg22[%swap3A, %swap3A_171], %max3A_170 {strides = array<i32>} : memref<1x512xf32, #tpu.memory_space<vmem>>, vector<1x512xf32>,
    } else {
    }
    %eq3A_159 = arith.constant 4 : i32
    %eq3A_160 = arith.cmpi eq, %arg0, %eq3A_159 : i32
    %eq3A_161 = arith.constant 19 : i32
    %eq3A_162 = arith.cmpi eq, %arg1, %eq3A_161 : i32
    %and3A_163 = arith.andi %eq3A_160, %eq3A_162 : i1
    %convert_element_type3A_164 = arith.extui %and3A_163 : i1 to i32
    %cond3A_165 = arith.constant 0 : i32
    %cond3A_166 = arith.cmpi ne, %convert_element_type3A_164, %cond3A_165 : i32
    scf.if %cond3A_166 {
      %get3A_167 = arith.constant 0 : index
      %get3A_168 = arith.constant 0 : index
      %get3A_169 = vector.load %arg22[%get3A_167, %get3A_168] : memref<1x512xf32, #tpu.memory_space<vmem>>, vector<1x512xf32>
      %get3A_170 = arith.constant 0 : index
      %get3A_171 = arith.constant 0 : index
      %get3A_172 = vector.load %arg8[%get3A_170, %get3A_171] : memref<512x128xf32, #tpu.memory_space<vmem>>, vector<512x128xf32>
      %dot_general3A_173 = arith.constant dense<0.000000e+00> : vector<1x128xf32>
      %dot_general3A_174 = tpu.matmul %get3A_169, %get3A_172, %dot_general3A_173 {dimension_numbers = #tpu.dot_dimension_numbers<[1], [0], [0], [1], [0, 0, 1, 1], [], []>, transpose_lhs_hint = false} : vector<1x512xf32>, vector<512x128xf32>, vector<1x128xf32> -> vector<1x128xf32>
      %get3A_175 = arith.constant 0 : index
      %get3A_176 = arith.constant 0 : index
      %get3A_177 = vector.load %arg9[%get3A_175, %get3A_176] : memref<1x128xf32, #tpu.memory_space<vmem>>, vector<1x128xf32>
      %add3A_178 = arith.addf %dot_general3A_174, %get3A_177 : vector<1x128xf32>
      %neg3A_179 = arith.constant 0.000000e+00 : f32
      %neg3A_180 = vector.broadcast %neg3A_179 : f32 to vector<1x128xf32>
      %neg3A_181 = arith.subf %neg3A_180, %add3A_178 : vector<1x128xf32>
      %exp3A_182 = math.exp %neg3A_181 : vector<1x128xf32>
      %add3A_183 = arith.constant 1.000000e+00 : f32
      %add3A_184 = vector.broadcast %add3A_183 : f32 to vector<1x128xf32>
      %add3A_185 = arith.addf %add3A_184, %exp3A_182 : vector<1x128xf32>
      %div3A_186 = arith.constant 1.000000e+00 : f32
      %div3A_187 = vector.broadcast %div3A_186 : f32 to vector<1x128xf32>
      %div3A_188 = arith.divf %div3A_187, %add3A_185 : vector<1x128xf32>
      %mul3A_189 = arith.mulf %add3A_178, %div3A_188 : vector<1x128xf32>
      %get3A_190 = arith.constant 0 : index
      %get3A_191 = arith.constant 0 : index
      %get3A_192 = vector.load %arg10[%get3A_190, %get3A_191] : memref<1x128xf32, #tpu.memory_space<vmem>>, vector<1x128xf32>
      %get3A_193 = arith.constant 0 : index
      %get3A_194 = arith.constant 0 : index
      %get3A_195 = vector.load %arg11[%get3A_193, %get3A_194] : memref<1x128xf32, #tpu.memory_space<vmem>>, vector<1x128xf32>
      %reduce_sum3A_196 = arith.constant dense<0.000000e+00> : vector<1xf32>
      %reduce_sum3A_197 = vector.multi_reduction <add>, %mul3A_189, %reduce_sum3A_196 [1] : vector<1x128xf32> to vector<1xf32>
      %broadcast_in_dim3A_198 = vector.shape_cast %reduce_sum3A_197 : vector<1xf32> to vector<1x1xf32>
      %div3A_199 = arith.constant 1.280000e+02 : f32
      %div3A_200 = vector.broadcast %div3A_199 : f32 to vector<1x1xf32>
      %div3A_201 = arith.divf %broadcast_in_dim3A_198, %div3A_200 : vector<1x1xf32>
      %sub3A_202 = vector.broadcast %div3A_201 : vector<1x1xf32> to vector<1x128xf32>
      %sub3A_203 = arith.subf %mul3A_189, %sub3A_202 : vector<1x128xf32>
      %integer_pow3A_204 = arith.mulf %sub3A_203, %sub3A_203 : vector<1x128xf32>
      %reduce_sum3A_205 = arith.constant dense<0.000000e+00> : vector<1xf32>
      %reduce_sum3A_206 = vector.multi_reduction <add>, %integer_pow3A_204, %reduce_sum3A_205 [1] : vector<1x128xf32> to vector<1xf32>
      %broadcast_in_dim3A_207 = vector.shape_cast %reduce_sum3A_206 : vector<1xf32> to vector<1x1xf32>
      %div3A_208 = arith.constant 1.280000e+02 : f32
      %div3A_209 = vector.broadcast %div3A_208 : f32 to vector<1x1xf32>
      %div3A_210 = arith.divf %broadcast_in_dim3A_207, %div3A_209 : vector<1x1xf32>
      %sub3A_211 = vector.broadcast %div3A_201 : vector<1x1xf32> to vector<1x128xf32>
      %sub3A_212 = arith.subf %mul3A_189, %sub3A_211 : vector<1x128xf32>
      %add3A_213 = arith.constant 9.99999974E-6 : f32
      %add3A_214 = vector.broadcast %add3A_213 : f32 to vector<1x1xf32>
      %add3A_215 = arith.addf %div3A_210, %add3A_214 : vector<1x1xf32>
      %rsqrt3A_216 = math.rsqrt %add3A_215 : vector<1x1xf32>
      %mul3A_217 = vector.broadcast %rsqrt3A_216 : vector<1x1xf32> to vector<1x128xf32>
      %mul3A_218 = arith.mulf %sub3A_212, %mul3A_217 : vector<1x128xf32>
      %mul3A_219 = arith.mulf %mul3A_218, %get3A_192 : vector<1x128xf32>
      %add3A_220 = arith.addf %mul3A_219, %get3A_195 : vector<1x128xf32>
      %neg3A_221 = arith.constant 0.000000e+00 : f32
      %neg3A_222 = vector.broadcast %neg3A_221 : f32 to vector<1x128xf32>
      %neg3A_223 = arith.subf %neg3A_222, %add3A_220 : vector<1x128xf32>
      %exp3A_224 = math.exp %neg3A_223 : vector<1x128xf32>
      %add3A_225 = arith.constant 1.000000e+00 : f32
      %add3A_226 = vector.broadcast %add3A_225 : f32 to vector<1x128xf32>
      %add3A_227 = arith.addf %add3A_226, %exp3A_224 : vector<1x128xf32>
      %div3A_228 = arith.constant 1.000000e+00 : f32
      %div3A_229 = vector.broadcast %div3A_228 : f32 to vector<1x128xf32>
      %div3A_230 = arith.divf %div3A_229, %add3A_227 : vector<1x128xf32>
      %mul3A_231 = arith.mulf %add3A_220, %div3A_230 : vector<1x128xf32>
      %get3A_232 = arith.constant 0 : index
      %get3A_233 = arith.constant 0 : index
      %get3A_234 = vector.load %arg12[%get3A_232, %get3A_233] : memref<128x64xf32, #tpu.memory_space<vmem>>, vector<128x64xf32>
      %dot_general3A_235 = arith.constant dense<0.000000e+00> : vector<1x64xf32>
      %dot_general3A_236 = tpu.matmul %mul3A_231, %get3A_234, %dot_general3A_235 {dimension_numbers = #tpu.dot_dimension_numbers<[1], [0], [0], [1], [0, 0, 1, 1], [], []>, transpose_lhs_hint = false} : vector<1x128xf32>, vector<128x64xf32>, vector<1x64xf32> -> vector<1x64xf32>
      %get3A_237 = arith.constant 0 : index
      %get3A_238 = arith.constant 0 : index
      %get3A_239 = vector.load %arg13[%get3A_237, %get3A_238] : memref<1x64xf32, #tpu.memory_space<vmem>>, vector<1x64xf32>
      %add3A_240 = arith.addf %dot_general3A_236, %get3A_239 : vector<1x64xf32>
      %neg3A_241 = arith.constant 0.000000e+00 : f32
      %neg3A_242 = vector.broadcast %neg3A_241 : f32 to vector<1x64xf32>
      %neg3A_243 = arith.subf %neg3A_242, %add3A_240 : vector<1x64xf32>
      %exp3A_244 = math.exp %neg3A_243 : vector<1x64xf32>
      %add3A_245 = arith.constant 1.000000e+00 : f32
      %add3A_246 = vector.broadcast %add3A_245 : f32 to vector<1x64xf32>
      %add3A_247 = arith.addf %add3A_246, %exp3A_244 : vector<1x64xf32>
      %div3A_248 = arith.constant 1.000000e+00 : f32
      %div3A_249 = vector.broadcast %div3A_248 : f32 to vector<1x64xf32>
      %div3A_250 = arith.divf %div3A_249, %add3A_247 : vector<1x64xf32>
      %mul3A_251 = arith.mulf %add3A_240, %div3A_250 : vector<1x64xf32>
      %get3A_252 = arith.constant 0 : index
      %get3A_253 = arith.constant 0 : index
      %get3A_254 = vector.load %arg14[%get3A_252, %get3A_253] : memref<1x64xf32, #tpu.memory_space<vmem>>, vector<1x64xf32>
      %get3A_255 = arith.constant 0 : index
      %get3A_256 = arith.constant 0 : index
      %get3A_257 = vector.load %arg15[%get3A_255, %get3A_256] : memref<1x64xf32, #tpu.memory_space<vmem>>, vector<1x64xf32>
      %reduce_sum3A_258 = arith.constant dense<0.000000e+00> : vector<1xf32>
      %reduce_sum3A_259 = vector.multi_reduction <add>, %mul3A_251, %reduce_sum3A_258 [1] : vector<1x64xf32> to vector<1xf32>
      %broadcast_in_dim3A_260 = vector.shape_cast %reduce_sum3A_259 : vector<1xf32> to vector<1x1xf32>
      %div3A_261 = arith.constant 6.400000e+01 : f32
      %div3A_262 = vector.broadcast %div3A_261 : f32 to vector<1x1xf32>
      %div3A_263 = arith.divf %broadcast_in_dim3A_260, %div3A_262 : vector<1x1xf32>
      %sub3A_264 = vector.broadcast %div3A_263 : vector<1x1xf32> to vector<1x64xf32>
      %sub3A_265 = arith.subf %mul3A_251, %sub3A_264 : vector<1x64xf32>
      %integer_pow3A_266 = arith.mulf %sub3A_265, %sub3A_265 : vector<1x64xf32>
      %reduce_sum3A_267 = arith.constant dense<0.000000e+00> : vector<1xf32>
      %reduce_sum3A_268 = vector.multi_reduction <add>, %integer_pow3A_266, %reduce_sum3A_267 [1] : vector<1x64xf32> to vector<1xf32>
      %broadcast_in_dim3A_269 = vector.shape_cast %reduce_sum3A_268 : vector<1xf32> to vector<1x1xf32>
      %div3A_270 = arith.constant 6.400000e+01 : f32
      %div3A_271 = vector.broadcast %div3A_270 : f32 to vector<1x1xf32>
      %div3A_272 = arith.divf %broadcast_in_dim3A_269, %div3A_271 : vector<1x1xf32>
      %sub3A_273 = vector.broadcast %div3A_263 : vector<1x1xf32> to vector<1x64xf32>
      %sub3A_274 = arith.subf %mul3A_251, %sub3A_273 : vector<1x64xf32>
      %add3A_275 = arith.constant 9.99999974E-6 : f32
      %add3A_276 = vector.broadcast %add3A_275 : f32 to vector<1x1xf32>
      %add3A_277 = arith.addf %div3A_272, %add3A_276 : vector<1x1xf32>
      %rsqrt3A_278 = math.rsqrt %add3A_277 : vector<1x1xf32>
      %mul3A_279 = vector.broadcast %rsqrt3A_278 : vector<1x1xf32> to vector<1x64xf32>
      %mul3A_280 = arith.mulf %sub3A_274, %mul3A_279 : vector<1x64xf32>
      %mul3A_281 = arith.mulf %mul3A_280, %get3A_254 : vector<1x64xf32>
      %add3A_282 = arith.addf %mul3A_281, %get3A_257 : vector<1x64xf32>
      %neg3A_283 = arith.constant 0.000000e+00 : f32
      %neg3A_284 = vector.broadcast %neg3A_283 : f32 to vector<1x64xf32>
      %neg3A_285 = arith.subf %neg3A_284, %add3A_282 : vector<1x64xf32>
      %exp3A_286 = math.exp %neg3A_285 : vector<1x64xf32>
      %add3A_287 = arith.constant 1.000000e+00 : f32
      %add3A_288 = vector.broadcast %add3A_287 : f32 to vector<1x64xf32>
      %add3A_289 = arith.addf %add3A_288, %exp3A_286 : vector<1x64xf32>
      %div3A_290 = arith.constant 1.000000e+00 : f32
      %div3A_291 = vector.broadcast %div3A_290 : f32 to vector<1x64xf32>
      %div3A_292 = arith.divf %div3A_291, %add3A_289 : vector<1x64xf32>
      %mul3A_293 = arith.mulf %add3A_282, %div3A_292 : vector<1x64xf32>
      %get3A_294 = arith.constant 0 : index
      %get3A_295 = arith.constant 0 : index
      %get3A_296 = vector.load %arg16[%get3A_294, %get3A_295] : memref<64x16xf32, #tpu.memory_space<vmem>>, vector<64x16xf32>
      %dot_general3A_297 = arith.constant dense<0.000000e+00> : vector<1x16xf32>
      %dot_general3A_298 = tpu.matmul %mul3A_293, %get3A_296, %dot_general3A_297 {dimension_numbers = #tpu.dot_dimension_numbers<[1], [0], [0], [1], [0, 0, 1, 1], [], []>, transpose_lhs_hint = false} : vector<1x64xf32>, vector<64x16xf32>, vector<1x16xf32> -> vector<1x16xf32>
      %get3A_299 = arith.constant 0 : index
      %get3A_300 = arith.constant 0 : index
      %get3A_301 = vector.load %arg17[%get3A_299, %get3A_300] : memref<1x16xf32, #tpu.memory_space<vmem>>, vector<1x16xf32>
      %add3A_302 = arith.addf %dot_general3A_298, %get3A_301 : vector<1x16xf32>
      %neg3A_303 = arith.constant 0.000000e+00 : f32
      %neg3A_304 = vector.broadcast %neg3A_303 : f32 to vector<1x16xf32>
      %neg3A_305 = arith.subf %neg3A_304, %add3A_302 : vector<1x16xf32>
      %exp3A_306 = math.exp %neg3A_305 : vector<1x16xf32>
      %add3A_307 = arith.constant 1.000000e+00 : f32
      %add3A_308 = vector.broadcast %add3A_307 : f32 to vector<1x16xf32>
      %add3A_309 = arith.addf %add3A_308, %exp3A_306 : vector<1x16xf32>
      %div3A_310 = arith.constant 1.000000e+00 : f32
      %div3A_311 = vector.broadcast %div3A_310 : f32 to vector<1x16xf32>
      %div3A_312 = arith.divf %div3A_311, %add3A_309 : vector<1x16xf32>
      %mul3A_313 = arith.mulf %add3A_302, %div3A_312 : vector<1x16xf32>
      %get3A_314 = arith.constant 0 : index
      %get3A_315 = arith.constant 0 : index
      %get3A_316 = vector.load %arg18[%get3A_314, %get3A_315] : memref<1x16xf32, #tpu.memory_space<vmem>>, vector<1x16xf32>
      %get3A_317 = arith.constant 0 : index
      %get3A_318 = arith.constant 0 : index
      %get3A_319 = vector.load %arg19[%get3A_317, %get3A_318] : memref<1x16xf32, #tpu.memory_space<vmem>>, vector<1x16xf32>
      %reduce_sum3A_320 = arith.constant dense<0.000000e+00> : vector<1xf32>
      %reduce_sum3A_321 = vector.multi_reduction <add>, %mul3A_313, %reduce_sum3A_320 [1] : vector<1x16xf32> to vector<1xf32>
      %broadcast_in_dim3A_322 = vector.shape_cast %reduce_sum3A_321 : vector<1xf32> to vector<1x1xf32>
      %div3A_323 = arith.constant 1.600000e+01 : f32
      %div3A_324 = vector.broadcast %div3A_323 : f32 to vector<1x1xf32>
      %div3A_325 = arith.divf %broadcast_in_dim3A_322, %div3A_324 : vector<1x1xf32>
      %sub3A_326 = vector.broadcast %div3A_325 : vector<1x1xf32> to vector<1x16xf32>
      %sub3A_327 = arith.subf %mul3A_313, %sub3A_326 : vector<1x16xf32>
      %integer_pow3A_328 = arith.mulf %sub3A_327, %sub3A_327 : vector<1x16xf32>
      %reduce_sum3A_329 = arith.constant dense<0.000000e+00> : vector<1xf32>
      %reduce_sum3A_330 = vector.multi_reduction <add>, %integer_pow3A_328, %reduce_sum3A_329 [1] : vector<1x16xf32> to vector<1xf32>
      %broadcast_in_dim3A_331 = vector.shape_cast %reduce_sum3A_330 : vector<1xf32> to vector<1x1xf32>
      %div3A_332 = arith.constant 1.600000e+01 : f32
      %div3A_333 = vector.broadcast %div3A_332 : f32 to vector<1x1xf32>
      %div3A_334 = arith.divf %broadcast_in_dim3A_331, %div3A_333 : vector<1x1xf32>
      %sub3A_335 = vector.broadcast %div3A_325 : vector<1x1xf32> to vector<1x16xf32>
      %sub3A_336 = arith.subf %mul3A_313, %sub3A_335 : vector<1x16xf32>
      %add3A_337 = arith.constant 9.99999974E-6 : f32
      %add3A_338 = vector.broadcast %add3A_337 : f32 to vector<1x1xf32>
      %add3A_339 = arith.addf %div3A_334, %add3A_338 : vector<1x1xf32>
      %rsqrt3A_340 = math.rsqrt %add3A_339 : vector<1x1xf32>
      %mul3A_341 = vector.broadcast %rsqrt3A_340 : vector<1x1xf32> to vector<1x16xf32>
      %mul3A_342 = arith.mulf %sub3A_336, %mul3A_341 : vector<1x16xf32>
      %mul3A_343 = arith.mulf %mul3A_342, %get3A_316 : vector<1x16xf32>
      %add3A_344 = arith.addf %mul3A_343, %get3A_319 : vector<1x16xf32>
      %neg3A_345 = arith.constant 0.000000e+00 : f32
      %neg3A_346 = vector.broadcast %neg3A_345 : f32 to vector<1x16xf32>
      %neg3A_347 = arith.subf %neg3A_346, %add3A_344 : vector<1x16xf32>
      %exp3A_348 = math.exp %neg3A_347 : vector<1x16xf32>
      %add3A_349 = arith.constant 1.000000e+00 : f32
      %add3A_350 = vector.broadcast %add3A_349 : f32 to vector<1x16xf32>
      %add3A_351 = arith.addf %add3A_350, %exp3A_348 : vector<1x16xf32>
      %div3A_352 = arith.constant 1.000000e+00 : f32
      %div3A_353 = vector.broadcast %div3A_352 : f32 to vector<1x16xf32>
      %div3A_354 = arith.divf %div3A_353, %add3A_351 : vector<1x16xf32>
      %mul3A_355 = arith.mulf %add3A_344, %div3A_354 : vector<1x16xf32>
      %get3A_356 = arith.constant 0 : index
      %get3A_357 = arith.constant 0 : index
      %get3A_358 = vector.load %arg20[%get3A_356, %get3A_357] : memref<16x4xf32, #tpu.memory_space<vmem>>, vector<16x4xf32>
      %dot_general3A_359 = arith.constant dense<0.000000e+00> : vector<1x4xf32>
      %dot_general3A_360 = tpu.matmul %mul3A_355, %get3A_358, %dot_general3A_359 {dimension_numbers = #tpu.dot_dimension_numbers<[1], [0], [0], [1], [0, 0, 1, 1], [], []>, transpose_lhs_hint = false} : vector<1x16xf32>, vector<16x4xf32>, vector<1x4xf32> -> vector<1x4xf32>
      %get3A_361 = arith.constant 0 : index
      %get3A_362 = arith.constant 0 : index
      %get3A_363 = vector.load %arg21[%get3A_361, %get3A_362] : memref<1x4xf32, #tpu.memory_space<vmem>>, vector<1x4xf32>
      %add3A_364 = arith.addf %dot_general3A_360, %get3A_363 : vector<1x4xf32>
      %neg3A_365 = arith.constant 0.000000e+00 : f32
      %neg3A_366 = vector.broadcast %neg3A_365 : f32 to vector<1x4xf32>
      %neg3A_367 = arith.subf %neg3A_366, %add3A_364 : vector<1x4xf32>
      %exp3A_368 = math.exp %neg3A_367 : vector<1x4xf32>
      %add3A_369 = arith.constant 1.000000e+00 : f32
      %add3A_370 = vector.broadcast %add3A_369 : f32 to vector<1x4xf32>
      %add3A_371 = arith.addf %add3A_370, %exp3A_368 : vector<1x4xf32>
      %div3A_372 = arith.constant 1.000000e+00 : f32
      %div3A_373 = vector.broadcast %div3A_372 : f32 to vector<1x4xf32>
      %div3A_374 = arith.divf %div3A_373, %add3A_371 : vector<1x4xf32>
      %mul3A_375 = arith.mulf %add3A_364, %div3A_374 : vector<1x4xf32>
      %neg3A_376 = arith.constant 0.000000e+00 : f32
      %neg3A_377 = vector.broadcast %neg3A_376 : f32 to vector<1x4xf32>
      %neg3A_378 = arith.subf %neg3A_377, %mul3A_375 : vector<1x4xf32>
      %exp3A_379 = math.exp %neg3A_378 : vector<1x4xf32>
      %add3A_380 = arith.constant 1.000000e+00 : f32
      %add3A_381 = vector.broadcast %add3A_380 : f32 to vector<1x4xf32>
      %add3A_382 = arith.addf %add3A_381, %exp3A_379 : vector<1x4xf32>
      %div3A_383 = arith.constant 1.000000e+00 : f32
      %div3A_384 = vector.broadcast %div3A_383 : f32 to vector<1x4xf32>
      %div3A_385 = arith.divf %div3A_384, %add3A_382 : vector<1x4xf32>
      %swap3A = arith.constant 0 : index
      %swap3A_386 = arith.constant 0 : index
      %swap3A_387 = vector.load %arg23[%swap3A, %swap3A_386] : memref<1x4xf32, #tpu.memory_space<vmem>>, vector<1x4xf32>
      tpu.vector_store %arg23[%swap3A, %swap3A_386], %div3A_385 {strides = array<i32>} : memref<1x4xf32, #tpu.memory_space<vmem>>, vector<1x4xf32>,
    } else {
    }
    return
  }
  func.func @transform_0(%arg0: i32, %arg1: i32) -> (i32, i32, i32, i32) {
    %c0_i32 = arith.constant 0 : i32
    %c0_i32_0 = arith.constant 0 : i32
    %c0_i32_1 = arith.constant 0 : i32
    return %c0_i32, %arg0, %arg1, %c0_i32_0 : i32, i32, i32, i32
  }
  func.func @transform_1(%arg0: i32, %arg1: i32) -> (i32, i32) {
    %c0_i32 = arith.constant 0 : i32
    %c0_i32_0 = arith.constant 0 : i32
    return %arg1, %c0_i32 : i32, i32
  }
  func.func @transform_2(%arg0: i32, %arg1: i32) -> (i32, i32) {
    %c0_i32 = arith.constant 0 : i32
    %c0_i32_0 = arith.constant 0 : i32
    %c0_i32_1 = arith.constant 0 : i32
    return %c0_i32, %c0_i32_0 : i32, i32
  }
  func.func @transform_3(%arg0: i32, %arg1: i32) -> (i32, i32) {
    %c0_i32 = arith.constant 0 : i32
    %c0_i32_0 = arith.constant 0 : i32
    %c0_i32_1 = arith.constant 0 : i32
    return %c0_i32, %c0_i32_0 : i32, i32
  }
  func.func @transform_4(%arg0: i32, %arg1: i32) -> (i32, i32) {
    %c0_i32 = arith.constant 0 : i32
    %c0_i32_0 = arith.constant 0 : i32
    %c0_i32_1 = arith.constant 0 : i32
    return %c0_i32, %c0_i32_0 : i32, i32
  }
  func.func @transform_5(%arg0: i32, %arg1: i32) -> (i32, i32) {
    %c0_i32 = arith.constant 0 : i32
    %c0_i32_0 = arith.constant 0 : i32
    %c0_i32_1 = arith.constant 0 : i32
    return %c0_i32, %c0_i32_0 : i32, i32
  }
  func.func @transform_6(%arg0: i32, %arg1: i32) -> (i32, i32) {
    %c0_i32 = arith.constant 0 : i32
    %c0_i32_0 = arith.constant 0 : i32
    %c0_i32_1 = arith.constant 0 : i32
    return %c0_i32, %c0_i32_0 : i32, i32
  }
  func.func @transform_7(%arg0: i32, %arg1: i32) -> (i32, i32) {
    %c0_i32 = arith.constant 0 : i32
    %c0_i32_0 = arith.constant 0 : i32
    %c0_i32_1 = arith.constant 0 : i32
    return %c0_i32, %c0_i32_0 : i32, i32
  }
  func.func @transform_8(%arg0: i32, %arg1: i32) -> (i32, i32) {
    %c0_i32 = arith.constant 0 : i32
    %c0_i32_0 = arith.constant 0 : i32
    %c0_i32_1 = arith.constant 0 : i32
    return %c0_i32, %c0_i32_0 : i32, i32
  }
  func.func @transform_9(%arg0: i32, %arg1: i32) -> (i32, i32) {
    %c0_i32 = arith.constant 0 : i32
    %c0_i32_0 = arith.constant 0 : i32
    %c0_i32_1 = arith.constant 0 : i32
    return %c0_i32, %c0_i32_0 : i32, i32
  }
  func.func @transform_10(%arg0: i32, %arg1: i32) -> (i32, i32) {
    %c0_i32 = arith.constant 0 : i32
    %c0_i32_0 = arith.constant 0 : i32
    %c0_i32_1 = arith.constant 0 : i32
    return %c0_i32, %c0_i32_0 : i32, i32
  }
  func.func @transform_11(%arg0: i32, %arg1: i32) -> (i32, i32) {
    %c0_i32 = arith.constant 0 : i32
    %c0_i32_0 = arith.constant 0 : i32
    %c0_i32_1 = arith.constant 0 : i32
    return %c0_i32, %c0_i32_0 : i32, i32
  }
  func.func @transform_12(%arg0: i32, %arg1: i32) -> (i32, i32) {
    %c0_i32 = arith.constant 0 : i32
    %c0_i32_0 = arith.constant 0 : i32
    %c0_i32_1 = arith.constant 0 : i32
    return %c0_i32, %c0_i32_0 : i32, i32
  }
  func.func @transform_13(%arg0: i32, %arg1: i32) -> (i32, i32) {
    %c0_i32 = arith.constant 0 : i32
    %c0_i32_0 = arith.constant 0 : i32
    %c0_i32_1 = arith.constant 0 : i32
    return %c0_i32, %c0_i32_0 : i32, i32
  }
  func.func @transform_14(%arg0: i32, %arg1: i32) -> (i32, i32) {
    %c0_i32 = arith.constant 0 : i32
    %c0_i32_0 = arith.constant 0 : i32
    %c0_i32_1 = arith.constant 0 : i32
    return %c0_i32, %c0_i32_0 : i32, i32
  }
  func.func @transform_15(%arg0: i32, %arg1: i32) -> (i32, i32) {
    %c0_i32 = arith.constant 0 : i32
    %c0_i32_0 = arith.constant 0 : i32
    %c0_i32_1 = arith.constant 0 : i32
    return %c0_i32, %c0_i32_0 : i32, i32
  }
  func.func @transform_16(%arg0: i32, %arg1: i32) -> (i32, i32) {
    %c0_i32 = arith.constant 0 : i32
    %c0_i32_0 = arith.constant 0 : i32
    %c0_i32_1 = arith.constant 0 : i32
    return %c0_i32, %c0_i32_0 : i32, i32
  }
  func.func @transform_17(%arg0: i32, %arg1: i32) -> (i32, i32) {
    %c0_i32 = arith.constant 0 : i32
    %c0_i32_0 = arith.constant 0 : i32
    %c0_i32_1 = arith.constant 0 : i32
    return %c0_i32, %c0_i32_0 : i32, i32
  }
  func.func @transform_18(%arg0: i32, %arg1: i32) -> (i32, i32) {
    %c0_i32 = arith.constant 0 : i32
    %c0_i32_0 = arith.constant 0 : i32
    %c0_i32_1 = arith.constant 0 : i32
    return %c0_i32, %c0_i32_0 : i32, i32
  }
  func.func @transform_19(%arg0: i32, %arg1: i32) -> (i32, i32) {
    %c0_i32 = arith.constant 0 : i32
    %c0_i32_0 = arith.constant 0 : i32
    %c0_i32_1 = arith.constant 0 : i32
    return %c0_i32, %c0_i32_0 : i32, i32
  }
  func.func @transform_20(%arg0: i32, %arg1: i32) -> (i32, i32) {
    %c0_i32 = arith.constant 0 : i32
    %c0_i32_0 = arith.constant 0 : i32
    %c0_i32_1 = arith.constant 0 : i32
    return %c0_i32, %c0_i32_0 : i32, i32
  }
  func.func @transform_21(%arg0: i32, %arg1: i32) -> (i32, i32) {
    %c0_i32 = arith.constant 0 : i32
    %c0_i32_0 = arith.constant 0 : i32
    %c0_i32_1 = arith.constant 0 : i32
    return %c0_i32, %c0_i32_0 : i32, i32
  }
}

</mosaic_0001>

<sc_bundles>
// kernel: kernel.10.cloned.1.call-start
scs
__scs_entry_jumppad:
0x0: {  	(pc) =	sbr.rel $0x88, $3  }
0x1: {  	(tag) =	ssettag $0x0;
	lr =	simm.s32 $0x1  }
0x2: {  	[smem:$0x3F85] =	sst lr;
	_ =	strace $0xD0000000  }
0x3: {  	_ = 	snop  }
0x4: {  	_ = 	snop  }
0x5: {  	_ = 	snop  }
0x6: {  	_ = 	snop  }
0x7: {  	_ = 	snop  }
__scs_overlays_trampoline_lowered:
0x8: {  	[smem:$0x3F94] =	sst s0  }
0x9: {  	[smem:$0x3F95] =	sst s1  }
0xa: {  	[smem:$0x3F96] =	sst s2  }
0xb: {  	[smem:$0x3F97] =	sst s3  }
0xc: {  	[smem:$0x3F98] =	sst s4  }
0xd: {  	[smem:$0x3F99] =	sst s5  }
0xe: {  	[smem:$0x3F9A] =	sst s6  }
0xf: {  	[smem:$0x3F9B] =	sst s7  }
0x10: {  	[smem:$0x3F9C] =	sst s8  }
0x11: {  	[smem:$0x3F9D] =	sst s9;
	s0 =	simm.s32 @!p0 $0x0  }
0x12: {  	s1 =	sld [smem:$0x3F83];
	s0 =	simm.s32 @p0 $0x1  }
0x13: {  	[smem:$0x3F9E] =	sst s0;
	s0 =	simm.s32 @!p1 $0x0  }
0x14: {  	s2 =	sld [smem:$0x3F82];
	s0 =	simm.s32 @p1 $0x1  }
0x15: {  	[smem:$0x3F9F] =	sst s0;
	s0 =	simm.s32 @!p2 $0x0  }
0x16: {  	s3 =	sld [smem:$0x3FDB];
	s0 =	simm.s32 @p2 $0x1  }
0x17: {  	s4 =	simm.s32 $0x1BF5;
	[smem:$0x3FA1] =	sst s0  }
0x18: {  	s0 =	sld [smem:$0x3F84];
	_ =	swait.ge [sflag:s4], $0x0  }
0x19: {  	s7 =	sld [smem:$0x3F85]  }
0x1a: {  	s8 =	sadd.s32 $0xFFFFE003, lr  }
0x1b: {  	s9 =	sadd.s32 $0xFFFFFEF7, lr;
	s5 =	simm.s32 $0xFFFFFFFF;
	p2 =	slt.u32 s8, $0xFFFFF086  }
0x1c: {  	p1 =	slt.u32 s9, $0xF7A;
	s5 =	simm.s32 @!p2 $0x0  }
0x1d: {  	s5 =	simm.s32 @p1 $0x1;
	p0 =	seq.s32 s7, s2  }
0x1e: {  	s7 =	smul.u32 @!p0 $0xF7A, s2;
	p2 =	seq.s32 @!p0 s5, $0x0  }
0x1f: {  	s9 =	smul.u32 $0xF7A, s1;
	s8 =	simm.s32 @!p0 $0x1BF5;
	p2 =	por !p2, p0  }
0x20: {  	[sflag:s8] =	ssyncset.s32 @!p0 $0xFFFFF086;
	s6 =	sadd.s32 @!p0 s3, s7;
	s7 =	simm.s32 @!p0 $0x108  }
0x21: {  	s3 =	sadd.s32 s3, s9;
	s6 =	sadd.s32 @!p0 $0x88, s6;
	s7 =	simm.s32 @p2 $0x1082  }
0x22: {  	[simem:s7], [sflag:s8] =	dma.local @!p0 [hbm:s6], $0xF7A  }
0x23: {  	s9 =	sor.u32 $0xD0000000, s2;
	s6 =	simm.s32 $0x108;
	_ =	swait.ge @!p0 [sflag:s8], $0x0  }
0x24: {  	s3 =	sadd.s32 $0x88, s3;
	s6 =	simm.s32 @!p1 $0x1082;
	[sflag:s4] =	ssyncset.s32 $0xFFFFF086  }
0x25: {  	[simem:s6], [sflag:s4] =	dma.local [hbm:s3], $0xF7A  }
0x26: {  	[smem:$0x3F85] =	sst s1;
	(tag) =	ssettag s2;
	_ =	strace s9  }
0x27: {  	s1 =	sld [smem:$0x3F95]  }
0x28: {  	s2 =	sld [smem:$0x3F96]  }
0x29: {  	s4 =	sld [smem:$0x3F98]  }
0x2a: {  	p0 =	seq.s32 s5, $0x0;
	s5 =	sld [smem:$0x3F99]  }
0x2b: {  	s6 =	sld [smem:$0x3F9A]  }
0x2c: {  	s7 =	sld [smem:$0x3F9B]  }
0x2d: {  	s3 =	simm.s32 $0x108;
	s8 =	sld [smem:$0x3F9C]  }
0x2e: {  	s3 =	simm.s32 @!p0 $0x1082;
	s9 =	sld [smem:$0x3F9D]  }
0x2f: {  	lr =	sadd.s32 s0, s3;
	s0 =	sld [smem:$0x3F94]  }
0x30: {  	s3 =	sld [smem:$0x3F97]  }
0x31: {  	[smem:$0x3FA0] =	sst s10  }
0x32: {  	s10 =	sld [smem:$0x3F9E];
	_ =	sdelay $0x3  }
0x33: {  	p0 =	seq.s32 s10, $0x1;
	s10 =	sld [smem:$0x3FA0];
	_ =	sdelay $0x3  }
0x34: {  	[smem:$0x3FA0] =	sst s10  }
0x35: {  	s10 =	sld [smem:$0x3F9F];
	_ =	sdelay $0x3  }
0x36: {  	p1 =	seq.s32 s10, $0x1;
	s10 =	sld [smem:$0x3FA0];
	_ =	sdelay $0x3  }
0x37: {  	[smem:$0x3FA0] =	sst s10  }
0x38: {  	s10 =	sld [smem:$0x3FA1]  }
0x39: {  	_ = 	snop;
	(pc) =	sbr.ind lr, $3  }
0x3a: {  	_ = 	snop  }
0x3b: {  	_ = 	snop  }
0x3c: {  	p2 =	seq.s32 s10, $0x1;
	s10 =	sld [smem:$0x3FA0]  }
0x3d: {  	_ =	shalt  }
0x3e: {  	_ =	shalt  }
0x3f: {  	_ =	shalt  }
0x40: {  	_ =	shalt  }
0x41: {  	_ =	shalt  }
0x42: {  	_ =	shalt  }
0x43: {  	_ =	shalt  }
0x44: {  	_ =	shalt  }
0x45: {  	_ =	shalt  }
0x46: {  	_ =	shalt  }
0x47: {  	_ =	shalt  }
0x48: {  	_ =	shalt  }
0x49: {  	_ =	shalt  }
0x4a: {  	_ =	shalt  }
0x4b: {  	_ =	shalt  }
0x4c: {  	_ =	shalt  }
0x4d: {  	_ =	shalt  }
0x4e: {  	_ =	shalt  }
0x4f: {  	_ =	shalt  }
0x50: {  	_ =	shalt  }
0x51: {  	_ =	shalt  }
0x52: {  	_ =	shalt  }
0x53: {  	_ =	shalt  }
0x54: {  	_ =	shalt  }
0x55: {  	_ =	shalt  }
0x56: {  	_ =	shalt  }
0x57: {  	_ =	shalt  }
0x58: {  	_ =	shalt  }
0x59: {  	_ =	shalt  }
0x5a: {  	_ =	shalt  }
0x5b: {  	_ =	shalt  }
0x5c: {  	_ =	shalt  }
0x5d: {  	_ =	shalt  }
0x5e: {  	_ =	shalt  }
0x5f: {  	_ =	shalt  }
0x60: {  	_ =	shalt  }
0x61: {  	_ =	shalt  }
0x62: {  	_ =	shalt  }
0x63: {  	_ =	shalt  }
0x64: {  	_ =	shalt  }
0x65: {  	_ =	shalt  }
0x66: {  	_ =	shalt  }
0x67: {  	_ =	shalt  }
0x68: {  	_ =	shalt  }
0x69: {  	_ =	shalt  }
0x6a: {  	_ =	shalt  }
0x6b: {  	_ =	shalt  }
0x6c: {  	_ =	shalt  }
0x6d: {  	_ =	shalt  }
0x6e: {  	_ =	shalt  }
0x6f: {  	_ =	shalt  }
0x70: {  	_ =	shalt  }
0x71: {  	_ =	shalt  }
0x72: {  	_ =	shalt  }
0x73: {  	_ =	shalt  }
0x74: {  	_ =	shalt  }
0x75: {  	_ =	shalt  }
0x76: {  	_ =	shalt  }
0x77: {  	_ =	shalt  }
0x78: {  	_ =	shalt  }
0x79: {  	_ =	shalt  }
0x7a: {  	_ =	shalt  }
0x7b: {  	_ =	shalt  }
0x7c: {  	_ =	shalt  }
0x7d: {  	_ =	shalt  }
0x7e: {  	_ =	shalt  }
0x7f: {  	_ =	shalt  }
0x80: {  	_ =	shalt  }
0x81: {  	_ =	shalt  }
0x82: {  	_ =	shalt  }
0x83: {  	_ =	shalt  }
0x84: {  	_ =	shalt  }
0x85: {  	_ =	shalt  }
0x86: {  	_ =	shalt  }
0x87: {  	_ =	shalt  }
.Lfunc_end0:
.L_simem_size_0:
called_computation_lowered:
.L_overlay_start_0:
0x88: {  	s2 =	sld [smem:$0x3FD9]  }
0x89: {  	s3 =	sld [smem:$0x3FFE];
	_ =	sdelay $0x1  }
0x8a: {  	s1 =	srdreg.scid  }
0x8b: {  	s0 =	sand.u32 $0x1, s1  }
0x8c: {  	s16 =	sshll.u32 s0, $0xA;
	s2 =	sadd.s32 s3, s2  }
0x8d: {  	s2 =	sadd.s32 s2, s16  }
0x8e: {  	[smem:$0x3FAC] =	sst s2  }
0x8f: {  	_ = 	snop  }
0x90: {  	(tm) =	ssettm $0x1  }
0x91: {  	s17 =	sld [smem:$0x3FFB];
	_ =	sdelay $0x3  }
0x92: {  	_ =	strace s17  }
0x93: {  	s2 =	sld [smem:$0x3FFC];
	_ =	sdelay $0x3  }
0x94: {  	_ =	strace s2  }
0x95: {  	s2 =	sld [smem:$0x3FFD];
	_ =	sdelay $0x3  }
0x96: {  	_ =	strace s2  }
0x97: {  	_ =	strace $0x8FFFFFFF  }
0x98: {  	s18 =	sld [smem:$0x3FDB];
	_ =	sdelay $0x1  }
0x99: {  	s19 =	simm.s32 $_scs_section_size  }
0x9a: {  	s4 =	simm.s32 $_size__tile_overlayer_lowered;
	s5 =	simm.s32 $_tile_overlayer_lowered  }
0x9b: {  	s22 =	simm.s32 $0x1BFF;
	s21 =	sshll.u32 s5, $0x1;
	s2 =	sadd.s32 s19, s18  }
0x9c: {  	s6 =	simm.s32 $0x0;
	s20 =	sshll.u32 s4, $0x1;
	s4 =	sadd.s32 s21, s2  }
0x9d: {  	[timem:s6], [sflag:s22] =	dma.local [hbm:s4], s20  }
0x9e: {  	_ =	swait.ge [sflag:s22], s20  }
0x9f: {  	s3 =	ssub.s32 $0x0, s20;
	[sflag:s22] =	ssyncset.done $0x0  }
0xa0: {  	[sflag:s22] =	ssyncadd.s32 s3;
	_ =	sdelay $0x1  }
0xa1: {  	s23 =	simm.s32 $0x1B8B  }
0xa2: {  	_ =	swait.ge [sflag:s23], $0x1  }
0xa3: {  	[sflag:s23] =	ssyncset.done $0x0  }
0xa4: {  	s25 =	simm.s32 $0x1B8E;
	s24 =	sld [smem:$0x3FFE];
	[sflag:s23] =	ssyncadd.s32 $0xFFFFFFFF  }
0xa5: {  	s26 =	simm.s32 $execute0_lowered;
	[smem:$0x3FD2] =	sst s25  }
0xa6: {  	s4 =	sshll.u32 s26, $0x1;
	_ =	strace $0x80000046;
	[dreg:$0x1] =	wrdreg $0xFFFFFFFF  }
0xa7: {  	s28 =	simm.s32 $_size_execute0_lowered;
	s2 =	sadd.s32 s2, s4;
	[dreg:$0x0] =	wrdreg $0x0  }
0xa8: {  	s4 =	sshll.u32 s28, $0x1;
	[dreg:$0x2] =	wrdreg s2  }
0xa9: {  	[dreg:$0x3] =	wrdreg s4  }
0xaa: {  	[dreg:$0x4] =	wrdreg $0xC0  }
0xab: {  	_ =	task [dreg:s6], $0x5FFFF  }
0xac: {  	[dreg:$0x1] =	wrdreg $0xFFFFFFFF  }
0xad: {  	[dreg:$0x0] =	wrdreg $0x60  }
0xae: {  	[dreg:$0x2] =	wrdreg s24  }
0xaf: {  	[dreg:$0x3] =	wrdreg $0x54000  }
0xb0: {  	[dreg:$0x4] =	wrdreg $0x9  }
0xb1: {  	_ =	task.clear_ibuf [dreg:s6], $0x5FFFF;
	_ =	strace $0x90000046  }
0xb2: {  	s29 =	simm.s32 $0x9;
	_ =	strace $0x80000048  }
0xb3: {  	_ =	swait.ge [sflag:s29], $0x1  }
0xb4: {  	[sflag:s29] =	ssyncadd.s32 $0xFFFFFFFF  }
0xb5: {  	_ =	strace $0x90000048  }
0xb6: {  	_ =	sfence  }
0xb7: {  	s30 =	sld [smem:$0x0];
	_ =	sdelay $0x2  }
0xb8: {  	s31 =	sshll.u32 s1, $0xD;
	s1 =	sshrl.u32 s1, $0x2  }
0xb9: {  	s3 =	sand.u32 $0x4000, s31;
	s1 =	sadd.s32 s1, s30  }
0xba: {  	s0 =	sor.u32 s3, s0;
	s1 =	sshll.u32 s1, $0x11  }
0xbb: {  	s0 =	sor.u32 s1, s0  }
0xbc: {  	s0 =	sadd.s32 $0x8F2B, s0  }
0xbd: {  	[sflag:s0] =	ssyncadd.remote.s32 $0x1  }
0xbe: {  	_ =	sfence.sel $0xFFFF  }
0xbf: {  	[dreg:$0x0] =	wrdreg $0xFFFFFFFF;
	(pc) =	sbr.abs _section_cstart, $3  }
0xc0: {  	[dreg:$0x1] =	wrdreg $0xFFFFFFFF  }
0xc1: {  	_ =	task.clear_ibuf [dreg:s6], $0x2FFFF;
	_ =	strace $0x9FFFFFFF  }
0xc2: {  	(tm) =	ssettm $0x7FFFFFFF  }
0xc3: {  	_ =	shalt  }
tec
execute0_lowered:
.L_overlay_start_1:
0x0: {  	(tag) =	ssettag $0x1  }
0x1: {  	s0 =	rddreg [dreg:$0x0]  }
0x2: {  	s1 =	rddreg [dreg:$0x1]  }
0x3: {  	s2 =	srdreg.scid;
	s3 =	simm.s32 $0x0;
	s9 =	stileid.u32  }
0x4: {  	s11 =	simm.s32 $0x1400;
	s12 =	simm.s32 $0x2;
	s15 =	simm.s32 $0x7D  }
0x5: {  	s10 =	simm.s32 $0xB80;
	s16 =	simm.s32 $0xC00;
	s17 =	simm.s32 $0xC80  }
0x6: {  	s18 =	simm.s32 $0xD00;
	s28 =	simm.s32 $0x1180;
	s29 =	simm.s32 $0x1200  }
0x7: {  	s30 =	simm.s32 $0x1280;
	s31 =	simm.s32 $0x1300;
	s6 =	smul.u32 $0x2800, s9  }
0x8: {  	s2 =	sand.u32 $0x1, s2;
	[smem:$0x7FF] =	sst s3;
	s7 =	smul.u32 $0x14000, s9  }
0x9: {  	s5 =	sadd.s32 $0x11200, s0;
	s8 =	smul.u32 $0x50000, s9;
	s26 =	sshll.u32 s9, $0x6  }
0xa: {  	s9 =	simm.s32 $0xB00;
	s4 =	smul.u32 $0x28000, s2;
	_ =	strace $0x80000047  }
0xb: {  	[dreg:$0x3] =	wrdreg s5;
	s5 =	sadd.s32 $0xEA00, s0;
	s19 =	smul.u32 $0x280000, s2  }
0xc: {  	s2 =	ssub.s32 $0x2, s2;
	s13 =	sor.u32 $0x1C02, s26;
	s26 =	simm.s32 $0x1100  }
0xd: {  	s20 =	sshrl.u32 s2, $0x1;
	s21 =	sshrl.u32 s8, $0x2;
	s8 =	simm.s32 $0xA80  }
0xe: {  	s4 =	sadd.s32 s6, s4;
	s6 =	sadd.s32 s19, s7;
	s2 =	ssub.s32 s2, s20  }
0xf: {  	s22 =	sadd.s32 s21, s1;
	s7 =	simm.s32 $0xA00;
	s19 =	simm.s32 $0xD80  }
0x10: {  	s20 =	simm.s32 $0xE00;
	s21 =	simm.s32 $0xE80;
	s4 =	sshrl.u32 s4, $0x3  }
0x11: {  	s6 =	sshrl.u32 s6, $0x3;
	s2 =	smax.u32 s2, $0x1;
	s4 =	sadd.s32 s4, s0  }
0x12: {  	s0 =	sadd.s32 s6, s0;
	[dreg:$0x4] =	wrdreg s2;
	s23 =	sadd.s32 $0x4A00, s4  }
0x13: {  	s14 =	sshrl.u32 s22, $0x3;
	s24 =	sadd.s32 $0x11A00, s0;
	[dreg:$0x5] =	wrdreg s23  }
0x14: {  	s22 =	simm.s32 $0xF00;
	s25 =	sadd.s32 $0x4C80, s4;
	[dreg:$0x6] =	wrdreg s24  }
0x15: {  	s2 =	simm.s32 $0x1;
	s0 =	sadd.s32 $0x39A00, s0;
	[dreg:$0x7] =	wrdreg s25  }
0x16: {  	s4 =	simm.s32 $0x0;
	[dreg:$0x8] =	wrdreg s0;
	s23 =	simm.s32 $0xF80  }
0x17: {  	s24 =	simm.s32 $0x1000;
	s25 =	simm.s32 $0x1080;
	s0 =	simm.s32 $0x1380  }
.LBB2_1:
0x18: {  	s6 =	rddreg [dreg:$0x3]  }
0x19: {  	[tilespmem:s11], [sflag:$0x2] =	stream.linear.gather [hbm4b:s6+s3], $0x3E80, $0x38;
	[tilespmem:$0x19400] =	vst v63  }
0x1a: {  	_ =	swait.ge [sflag:s12], $0x3E80  }
0x1b: {  	[sflag:s12] =	ssyncset.done $0x0  }
0x1c: {  	s6 =	rddreg [dreg:$0x5];
	[sflag:s12] =	ssyncadd.s32 $0xFFFFC180  }
0x1d: {  	[tilespmem:s3], [sflag:$0x2] =	stream.linear.gather [hbm4b:s6+s3], $0x1400, $0x38;
	[tilespmem:$0x19400] =	vst v63  }
0x1e: {  	_ =	swait.ge [sflag:s12], $0x1400  }
0x1f: {  	[sflag:s12] =	ssyncset.done $0x0  }
0x20: {  	[sflag:s12] =	ssyncadd.s32 $0xFFFFEC00  }
0x21: {  	[spmem:s14], [sflag:s13] =	dma.local [hbm:s5], $0x2800  }
0x22: {  	_ =	swait.ge [sflag:s12], $0x2800  }
0x23: {  	[sflag:s12] =	ssyncset.done $0x0  }
0x24: {  	[sflag:s12] =	ssyncadd.s32 $0xFFFFD800  }
0x25: {  	[bflag:$0x0] =	sbarrier.arrive $0xFFFF  }
0x26: {  	[spmem:s1] =	stream.indirect.scatter.add.f32 [tilespmem:s11], [sflag:$0x1], $0x80, s3, s15, $0xb8;
	[tilespmem:$0x19400] =	vst v63  }
0x27: {  	s6 =	simm.s32 $0x80  }
0x28: {  	[spmem:s1] =	stream.indirect.scatter.add.f32 [tilespmem:s11], [sflag:$0x1], $0x80, s6, s15, $0xb8;
	[tilespmem:$0x19400] =	vst v63  }
0x29: {  	s6 =	simm.s32 $0x100  }
0x2a: {  	[spmem:s1] =	stream.indirect.scatter.add.f32 [tilespmem:s11], [sflag:$0x1], $0x80, s6, s15, $0xb8;
	[tilespmem:$0x19400] =	vst v63  }
0x2b: {  	s6 =	simm.s32 $0x180  }
0x2c: {  	[spmem:s1] =	stream.indirect.scatter.add.f32 [tilespmem:s11], [sflag:$0x1], $0x80, s6, s15, $0xb8;
	[tilespmem:$0x19400] =	vst v63  }
0x2d: {  	s6 =	simm.s32 $0x200  }
0x2e: {  	[spmem:s1] =	stream.indirect.scatter.add.f32 [tilespmem:s11], [sflag:$0x1], $0x80, s6, s15, $0xb8;
	[tilespmem:$0x19400] =	vst v63  }
0x2f: {  	s6 =	simm.s32 $0x280  }
0x30: {  	[spmem:s1] =	stream.indirect.scatter.add.f32 [tilespmem:s11], [sflag:$0x1], $0x80, s6, s15, $0xb8;
	[tilespmem:$0x19400] =	vst v63  }
0x31: {  	s6 =	simm.s32 $0x300  }
0x32: {  	[spmem:s1] =	stream.indirect.scatter.add.f32 [tilespmem:s11], [sflag:$0x1], $0x80, s6, s15, $0xb8;
	[tilespmem:$0x19400] =	vst v63  }
0x33: {  	s6 =	simm.s32 $0x380  }
0x34: {  	[spmem:s1] =	stream.indirect.scatter.add.f32 [tilespmem:s11], [sflag:$0x1], $0x80, s6, s15, $0xb8;
	[tilespmem:$0x19400] =	vst v63  }
0x35: {  	s6 =	simm.s32 $0x400  }
0x36: {  	[spmem:s1] =	stream.indirect.scatter.add.f32 [tilespmem:s11], [sflag:$0x1], $0x80, s6, s15, $0xb8;
	[tilespmem:$0x19400] =	vst v63  }
0x37: {  	s6 =	simm.s32 $0x480  }
0x38: {  	[spmem:s1] =	stream.indirect.scatter.add.f32 [tilespmem:s11], [sflag:$0x1], $0x80, s6, s15, $0xb8;
	[tilespmem:$0x19400] =	vst v63  }
0x39: {  	s6 =	simm.s32 $0x500  }
0x3a: {  	[spmem:s1] =	stream.indirect.scatter.add.f32 [tilespmem:s11], [sflag:$0x1], $0x80, s6, s15, $0xb8;
	[tilespmem:$0x19400] =	vst v63  }
0x3b: {  	s6 =	simm.s32 $0x580  }
0x3c: {  	[spmem:s1] =	stream.indirect.scatter.add.f32 [tilespmem:s11], [sflag:$0x1], $0x80, s6, s15, $0xb8;
	[tilespmem:$0x19400] =	vst v63  }
0x3d: {  	s6 =	simm.s32 $0x600  }
0x3e: {  	[spmem:s1] =	stream.indirect.scatter.add.f32 [tilespmem:s11], [sflag:$0x1], $0x80, s6, s15, $0xb8;
	[tilespmem:$0x19400] =	vst v63  }
0x3f: {  	s6 =	simm.s32 $0x680  }
0x40: {  	[spmem:s1] =	stream.indirect.scatter.add.f32 [tilespmem:s11], [sflag:$0x1], $0x80, s6, s15, $0xb8;
	[tilespmem:$0x19400] =	vst v63  }
0x41: {  	s6 =	simm.s32 $0x700  }
0x42: {  	[spmem:s1] =	stream.indirect.scatter.add.f32 [tilespmem:s11], [sflag:$0x1], $0x80, s6, s15, $0xb8;
	[tilespmem:$0x19400] =	vst v63  }
0x43: {  	s6 =	simm.s32 $0x780  }
0x44: {  	[spmem:s1] =	stream.indirect.scatter.add.f32 [tilespmem:s11], [sflag:$0x1], $0x80, s6, s15, $0xb8;
	[tilespmem:$0x19400] =	vst v63  }
0x45: {  	s6 =	simm.s32 $0x800  }
0x46: {  	[spmem:s1] =	stream.indirect.scatter.add.f32 [tilespmem:s11], [sflag:$0x1], $0x80, s6, s15, $0xb8;
	[tilespmem:$0x19400] =	vst v63  }
0x47: {  	s6 =	simm.s32 $0x880  }
0x48: {  	[spmem:s1] =	stream.indirect.scatter.add.f32 [tilespmem:s11], [sflag:$0x1], $0x80, s6, s15, $0xb8;
	[tilespmem:$0x19400] =	vst v63  }
0x49: {  	s6 =	simm.s32 $0x900  }
0x4a: {  	[spmem:s1] =	stream.indirect.scatter.add.f32 [tilespmem:s11], [sflag:$0x1], $0x80, s6, s15, $0xb8;
	[tilespmem:$0x19400] =	vst v63  }
0x4b: {  	s6 =	simm.s32 $0x980  }
0x4c: {  	[spmem:s1] =	stream.indirect.scatter.add.f32 [tilespmem:s11], [sflag:$0x1], $0x80, s6, s15, $0xb8;
	[tilespmem:$0x19400] =	vst v63  }
0x4d: {  	_ = 	snop  }
0x4e: {  	[spmem:s1] =	stream.indirect.scatter.add.f32 [tilespmem:s11], [sflag:$0x1], $0x80, s7, s15, $0xb8;
	[tilespmem:$0x19400] =	vst v63  }
0x4f: {  	_ = 	snop  }
0x50: {  	[spmem:s1] =	stream.indirect.scatter.add.f32 [tilespmem:s11], [sflag:$0x1], $0x80, s8, s15, $0xb8;
	[tilespmem:$0x19400] =	vst v63  }
0x51: {  	_ = 	snop  }
0x52: {  	[spmem:s1] =	stream.indirect.scatter.add.f32 [tilespmem:s11], [sflag:$0x1], $0x80, s9, s15, $0xb8;
	[tilespmem:$0x19400] =	vst v63  }
0x53: {  	_ = 	snop  }
0x54: {  	[spmem:s1] =	stream.indirect.scatter.add.f32 [tilespmem:s11], [sflag:$0x1], $0x80, s10, s15, $0xb8;
	[tilespmem:$0x19400] =	vst v63  }
0x55: {  	_ = 	snop  }
0x56: {  	[spmem:s1] =	stream.indirect.scatter.add.f32 [tilespmem:s11], [sflag:$0x1], $0x80, s16, s15, $0xb8;
	[tilespmem:$0x19400] =	vst v63  }
0x57: {  	_ = 	snop  }
0x58: {  	[spmem:s1] =	stream.indirect.scatter.add.f32 [tilespmem:s11], [sflag:$0x1], $0x80, s17, s15, $0xb8;
	[tilespmem:$0x19400] =	vst v63  }
0x59: {  	_ = 	snop  }
0x5a: {  	[spmem:s1] =	stream.indirect.scatter.add.f32 [tilespmem:s11], [sflag:$0x1], $0x80, s18, s15, $0xb8;
	[tilespmem:$0x19400] =	vst v63  }
0x5b: {  	_ = 	snop  }
0x5c: {  	[spmem:s1] =	stream.indirect.scatter.add.f32 [tilespmem:s11], [sflag:$0x1], $0x80, s19, s15, $0xb8;
	[tilespmem:$0x19400] =	vst v63  }
0x5d: {  	_ = 	snop  }
0x5e: {  	[spmem:s1] =	stream.indirect.scatter.add.f32 [tilespmem:s11], [sflag:$0x1], $0x80, s20, s15, $0xb8;
	[tilespmem:$0x19400] =	vst v63  }
0x5f: {  	_ = 	snop  }
0x60: {  	[spmem:s1] =	stream.indirect.scatter.add.f32 [tilespmem:s11], [sflag:$0x1], $0x80, s21, s15, $0xb8;
	[tilespmem:$0x19400] =	vst v63  }
0x61: {  	_ = 	snop  }
0x62: {  	[spmem:s1] =	stream.indirect.scatter.add.f32 [tilespmem:s11], [sflag:$0x1], $0x80, s22, s15, $0xb8;
	[tilespmem:$0x19400] =	vst v63  }
0x63: {  	_ = 	snop  }
0x64: {  	[spmem:s1] =	stream.indirect.scatter.add.f32 [tilespmem:s11], [sflag:$0x1], $0x80, s23, s15, $0xb8;
	[tilespmem:$0x19400] =	vst v63  }
0x65: {  	_ = 	snop  }
0x66: {  	[spmem:s1] =	stream.indirect.scatter.add.f32 [tilespmem:s11], [sflag:$0x1], $0x80, s24, s15, $0xb8;
	[tilespmem:$0x19400] =	vst v63  }
0x67: {  	_ = 	snop  }
0x68: {  	[spmem:s1] =	stream.indirect.scatter.add.f32 [tilespmem:s11], [sflag:$0x1], $0x80, s25, s15, $0xb8;
	[tilespmem:$0x19400] =	vst v63  }
0x69: {  	_ = 	snop  }
0x6a: {  	[spmem:s1] =	stream.indirect.scatter.add.f32 [tilespmem:s11], [sflag:$0x1], $0x80, s26, s15, $0xb8;
	[tilespmem:$0x19400] =	vst v63  }
0x6b: {  	_ = 	snop  }
0x6c: {  	[spmem:s1] =	stream.indirect.scatter.add.f32 [tilespmem:s11], [sflag:$0x1], $0x80, s28, s15, $0xb8;
	[tilespmem:$0x19400] =	vst v63  }
0x6d: {  	_ = 	snop  }
0x6e: {  	[spmem:s1] =	stream.indirect.scatter.add.f32 [tilespmem:s11], [sflag:$0x1], $0x80, s29, s15, $0xb8;
	[tilespmem:$0x19400] =	vst v63  }
0x6f: {  	_ = 	snop  }
0x70: {  	[spmem:s1] =	stream.indirect.scatter.add.f32 [tilespmem:s11], [sflag:$0x1], $0x80, s30, s15, $0xb8;
	[tilespmem:$0x19400] =	vst v63  }
0x71: {  	_ = 	snop  }
0x72: {  	[spmem:s1] =	stream.indirect.scatter.add.f32 [tilespmem:s11], [sflag:$0x1], $0x80, s31, s15, $0xb8;
	[tilespmem:$0x19400] =	vst v63  }
0x73: {  	_ = 	snop  }
0x74: {  	[spmem:s1] =	stream.indirect.scatter.add.f32 [tilespmem:s11], [sflag:$0x1], $0x80, s0, s15, $0xb8;
	[tilespmem:$0x19400] =	vst v63  }
0x75: {  	_ =	swait.ge [sflag:s2], $0x3E80  }
0x76: {  	s6 =	simm.s32 $0x27;
	[sflag:s2] =	ssyncset.done $0x0  }
.LBB2_2:
0x77: {  	p0 =	sne.s32 s6, $0x1;
	s6 =	sadd.s32 $0xFFFFFFFF, s6;
	[sflag:s2] =	ssyncadd.s32 $0xFFFFC180  }
.Ltmp0:
0x78: {  	(pc) =	sbr.rel @p0 .LBB2_2-.Ltmp0, $3  }
0x79: {  	_ =	sdelay $0x1  }
0x7a: {  	_ =	swait.ge [sflag:s2], $0x3E80  }
0x7b: {  	[sflag:s2] =	ssyncset.done $0x0  }
0x7c: {  	[sflag:s2] =	ssyncadd.s32 $0xFFFFC180  }
0x7d: {  	[bflag:$0x0] =	sbarrier.arrive $0xFFFF  }
0x7e: {  	s6 =	rddreg [dreg:$0x6]  }
0x7f: {  	[hbm:s6], [sflag:s13] =	dma.local [spmem:s14], $0x2800  }
0x80: {  	_ =	swait.ge [sflag:s12], $0x2800  }
0x81: {  	[sflag:s12] =	ssyncset.done $0x0  }
0x82: {  	s6 =	rddreg [dreg:$0x7];
	[sflag:s12] =	ssyncadd.s32 $0xFFFFD800  }
0x83: {  	[tilespmem:s3], [sflag:$0x2] =	stream.linear.gather [hbm4b:s6+s3], $0x1400, $0x38;
	[tilespmem:$0x19400] =	vst v63  }
0x84: {  	_ =	swait.ge [sflag:s12], $0x1400  }
0x85: {  	[sflag:s12] =	ssyncset.done $0x0  }
0x86: {  	[sflag:s12] =	ssyncadd.s32 $0xFFFFEC00  }
0x87: {  	[spmem:s14], [sflag:s13] =	dma.local [hbm:s5], $0x2800  }
0x88: {  	_ =	swait.ge [sflag:s12], $0x2800  }
0x89: {  	[sflag:s12] =	ssyncset.done $0x0  }
0x8a: {  	[sflag:s12] =	ssyncadd.s32 $0xFFFFD800  }
0x8b: {  	[bflag:$0x0] =	sbarrier.arrive $0xFFFF  }
0x8c: {  	[spmem:s1] =	stream.indirect.scatter.add.f32 [tilespmem:s11], [sflag:$0x1], $0x80, s3, s15, $0xb8;
	[tilespmem:$0x19400] =	vst v63  }
0x8d: {  	s6 =	simm.s32 $0x80  }
0x8e: {  	[spmem:s1] =	stream.indirect.scatter.add.f32 [tilespmem:s11], [sflag:$0x1], $0x80, s6, s15, $0xb8;
	[tilespmem:$0x19400] =	vst v63  }
0x8f: {  	s6 =	simm.s32 $0x100  }
0x90: {  	[spmem:s1] =	stream.indirect.scatter.add.f32 [tilespmem:s11], [sflag:$0x1], $0x80, s6, s15, $0xb8;
	[tilespmem:$0x19400] =	vst v63  }
0x91: {  	s6 =	simm.s32 $0x180  }
0x92: {  	[spmem:s1] =	stream.indirect.scatter.add.f32 [tilespmem:s11], [sflag:$0x1], $0x80, s6, s15, $0xb8;
	[tilespmem:$0x19400] =	vst v63  }
0x93: {  	s6 =	simm.s32 $0x200  }
0x94: {  	[spmem:s1] =	stream.indirect.scatter.add.f32 [tilespmem:s11], [sflag:$0x1], $0x80, s6, s15, $0xb8;
	[tilespmem:$0x19400] =	vst v63  }
0x95: {  	s6 =	simm.s32 $0x280  }
0x96: {  	[spmem:s1] =	stream.indirect.scatter.add.f32 [tilespmem:s11], [sflag:$0x1], $0x80, s6, s15, $0xb8;
	[tilespmem:$0x19400] =	vst v63  }
0x97: {  	s6 =	simm.s32 $0x300  }
0x98: {  	[spmem:s1] =	stream.indirect.scatter.add.f32 [tilespmem:s11], [sflag:$0x1], $0x80, s6, s15, $0xb8;
	[tilespmem:$0x19400] =	vst v63  }
0x99: {  	s6 =	simm.s32 $0x380  }
0x9a: {  	[spmem:s1] =	stream.indirect.scatter.add.f32 [tilespmem:s11], [sflag:$0x1], $0x80, s6, s15, $0xb8;
	[tilespmem:$0x19400] =	vst v63  }
0x9b: {  	s6 =	simm.s32 $0x400  }
0x9c: {  	[spmem:s1] =	stream.indirect.scatter.add.f32 [tilespmem:s11], [sflag:$0x1], $0x80, s6, s15, $0xb8;
	[tilespmem:$0x19400] =	vst v63  }
0x9d: {  	s6 =	simm.s32 $0x480  }
0x9e: {  	[spmem:s1] =	stream.indirect.scatter.add.f32 [tilespmem:s11], [sflag:$0x1], $0x80, s6, s15, $0xb8;
	[tilespmem:$0x19400] =	vst v63  }
0x9f: {  	s6 =	simm.s32 $0x500  }
0xa0: {  	[spmem:s1] =	stream.indirect.scatter.add.f32 [tilespmem:s11], [sflag:$0x1], $0x80, s6, s15, $0xb8;
	[tilespmem:$0x19400] =	vst v63  }
0xa1: {  	s6 =	simm.s32 $0x580  }
0xa2: {  	[spmem:s1] =	stream.indirect.scatter.add.f32 [tilespmem:s11], [sflag:$0x1], $0x80, s6, s15, $0xb8;
	[tilespmem:$0x19400] =	vst v63  }
0xa3: {  	s6 =	simm.s32 $0x600  }
0xa4: {  	[spmem:s1] =	stream.indirect.scatter.add.f32 [tilespmem:s11], [sflag:$0x1], $0x80, s6, s15, $0xb8;
	[tilespmem:$0x19400] =	vst v63  }
0xa5: {  	s6 =	simm.s32 $0x680  }
0xa6: {  	[spmem:s1] =	stream.indirect.scatter.add.f32 [tilespmem:s11], [sflag:$0x1], $0x80, s6, s15, $0xb8;
	[tilespmem:$0x19400] =	vst v63  }
0xa7: {  	s6 =	simm.s32 $0x700  }
0xa8: {  	[spmem:s1] =	stream.indirect.scatter.add.f32 [tilespmem:s11], [sflag:$0x1], $0x80, s6, s15, $0xb8;
	[tilespmem:$0x19400] =	vst v63  }
0xa9: {  	s6 =	simm.s32 $0x780  }
0xaa: {  	[spmem:s1] =	stream.indirect.scatter.add.f32 [tilespmem:s11], [sflag:$0x1], $0x80, s6, s15, $0xb8;
	[tilespmem:$0x19400] =	vst v63  }
0xab: {  	s6 =	simm.s32 $0x800  }
0xac: {  	[spmem:s1] =	stream.indirect.scatter.add.f32 [tilespmem:s11], [sflag:$0x1], $0x80, s6, s15, $0xb8;
	[tilespmem:$0x19400] =	vst v63  }
0xad: {  	s6 =	simm.s32 $0x880  }
0xae: {  	[spmem:s1] =	stream.indirect.scatter.add.f32 [tilespmem:s11], [sflag:$0x1], $0x80, s6, s15, $0xb8;
	[tilespmem:$0x19400] =	vst v63  }
0xaf: {  	s6 =	simm.s32 $0x900  }
0xb0: {  	[spmem:s1] =	stream.indirect.scatter.add.f32 [tilespmem:s11], [sflag:$0x1], $0x80, s6, s15, $0xb8;
	[tilespmem:$0x19400] =	vst v63  }
0xb1: {  	s6 =	simm.s32 $0x980  }
0xb2: {  	[spmem:s1] =	stream.indirect.scatter.add.f32 [tilespmem:s11], [sflag:$0x1], $0x80, s6, s15, $0xb8;
	[tilespmem:$0x19400] =	vst v63  }
0xb3: {  	_ = 	snop  }
0xb4: {  	[spmem:s1] =	stream.indirect.scatter.add.f32 [tilespmem:s11], [sflag:$0x1], $0x80, s7, s15, $0xb8;
	[tilespmem:$0x19400] =	vst v63  }
0xb5: {  	_ = 	snop  }
0xb6: {  	[spmem:s1] =	stream.indirect.scatter.add.f32 [tilespmem:s11], [sflag:$0x1], $0x80, s8, s15, $0xb8;
	[tilespmem:$0x19400] =	vst v63  }
0xb7: {  	_ = 	snop  }
0xb8: {  	[spmem:s1] =	stream.indirect.scatter.add.f32 [tilespmem:s11], [sflag:$0x1], $0x80, s9, s15, $0xb8;
	[tilespmem:$0x19400] =	vst v63  }
0xb9: {  	_ = 	snop  }
0xba: {  	[spmem:s1] =	stream.indirect.scatter.add.f32 [tilespmem:s11], [sflag:$0x1], $0x80, s10, s15, $0xb8;
	[tilespmem:$0x19400] =	vst v63  }
0xbb: {  	_ = 	snop  }
0xbc: {  	[spmem:s1] =	stream.indirect.scatter.add.f32 [tilespmem:s11], [sflag:$0x1], $0x80, s16, s15, $0xb8;
	[tilespmem:$0x19400] =	vst v63  }
0xbd: {  	_ = 	snop  }
0xbe: {  	[spmem:s1] =	stream.indirect.scatter.add.f32 [tilespmem:s11], [sflag:$0x1], $0x80, s17, s15, $0xb8;
	[tilespmem:$0x19400] =	vst v63  }
0xbf: {  	_ = 	snop  }
0xc0: {  	[spmem:s1] =	stream.indirect.scatter.add.f32 [tilespmem:s11], [sflag:$0x1], $0x80, s18, s15, $0xb8;
	[tilespmem:$0x19400] =	vst v63  }
0xc1: {  	_ = 	snop  }
0xc2: {  	[spmem:s1] =	stream.indirect.scatter.add.f32 [tilespmem:s11], [sflag:$0x1], $0x80, s19, s15, $0xb8;
	[tilespmem:$0x19400] =	vst v63  }
0xc3: {  	_ = 	snop  }
0xc4: {  	[spmem:s1] =	stream.indirect.scatter.add.f32 [tilespmem:s11], [sflag:$0x1], $0x80, s20, s15, $0xb8;
	[tilespmem:$0x19400] =	vst v63  }
0xc5: {  	_ = 	snop  }
0xc6: {  	[spmem:s1] =	stream.indirect.scatter.add.f32 [tilespmem:s11], [sflag:$0x1], $0x80, s21, s15, $0xb8;
	[tilespmem:$0x19400] =	vst v63  }
0xc7: {  	_ = 	snop  }
0xc8: {  	[spmem:s1] =	stream.indirect.scatter.add.f32 [tilespmem:s11], [sflag:$0x1], $0x80, s22, s15, $0xb8;
	[tilespmem:$0x19400] =	vst v63  }
0xc9: {  	_ = 	snop  }
0xca: {  	[spmem:s1] =	stream.indirect.scatter.add.f32 [tilespmem:s11], [sflag:$0x1], $0x80, s23, s15, $0xb8;
	[tilespmem:$0x19400] =	vst v63  }
0xcb: {  	_ = 	snop  }
0xcc: {  	[spmem:s1] =	stream.indirect.scatter.add.f32 [tilespmem:s11], [sflag:$0x1], $0x80, s24, s15, $0xb8;
	[tilespmem:$0x19400] =	vst v63  }
0xcd: {  	_ = 	snop  }
0xce: {  	[spmem:s1] =	stream.indirect.scatter.add.f32 [tilespmem:s11], [sflag:$0x1], $0x80, s25, s15, $0xb8;
	[tilespmem:$0x19400] =	vst v63  }
0xcf: {  	_ = 	snop  }
0xd0: {  	[spmem:s1] =	stream.indirect.scatter.add.f32 [tilespmem:s11], [sflag:$0x1], $0x80, s26, s15, $0xb8;
	[tilespmem:$0x19400] =	vst v63  }
0xd1: {  	_ = 	snop  }
0xd2: {  	[spmem:s1] =	stream.indirect.scatter.add.f32 [tilespmem:s11], [sflag:$0x1], $0x80, s28, s15, $0xb8;
	[tilespmem:$0x19400] =	vst v63  }
0xd3: {  	_ = 	snop  }
0xd4: {  	[spmem:s1] =	stream.indirect.scatter.add.f32 [tilespmem:s11], [sflag:$0x1], $0x80, s29, s15, $0xb8;
	[tilespmem:$0x19400] =	vst v63  }
0xd5: {  	_ = 	snop  }
0xd6: {  	[spmem:s1] =	stream.indirect.scatter.add.f32 [tilespmem:s11], [sflag:$0x1], $0x80, s30, s15, $0xb8;
	[tilespmem:$0x19400] =	vst v63  }
0xd7: {  	_ = 	snop  }
0xd8: {  	[spmem:s1] =	stream.indirect.scatter.add.f32 [tilespmem:s11], [sflag:$0x1], $0x80, s31, s15, $0xb8;
	[tilespmem:$0x19400] =	vst v63  }
0xd9: {  	_ = 	snop  }
0xda: {  	[spmem:s1] =	stream.indirect.scatter.add.f32 [tilespmem:s11], [sflag:$0x1], $0x80, s0, s15, $0xb8;
	[tilespmem:$0x19400] =	vst v63  }
0xdb: {  	_ =	swait.ge [sflag:s2], $0x3E80  }
0xdc: {  	s6 =	simm.s32 $0x27;
	[sflag:s2] =	ssyncset.done $0x0  }
.LBB2_4:
0xdd: {  	p0 =	sne.s32 s6, $0x1;
	s6 =	sadd.s32 $0xFFFFFFFF, s6;
	[sflag:s2] =	ssyncadd.s32 $0xFFFFC180  }
.Ltmp1:
0xde: {  	(pc) =	sbr.rel @p0 .LBB2_4-.Ltmp1, $3  }
0xdf: {  	_ =	sdelay $0x1  }
0xe0: {  	_ =	swait.ge [sflag:s2], $0x3E80  }
0xe1: {  	[sflag:s2] =	ssyncset.done $0x0  }
0xe2: {  	[sflag:s2] =	ssyncadd.s32 $0xFFFFC180  }
0xe3: {  	[bflag:$0x0] =	sbarrier.arrive $0xFFFF  }
0xe4: {  	s6 =	rddreg [dreg:$0x8]  }
0xe5: {  	[hbm:s6], [sflag:s13] =	dma.local [spmem:s14], $0x2800  }
0xe6: {  	_ =	swait.ge [sflag:s12], $0x2800  }
0xe7: {  	s4 =	sadd.s32 $0x1, s4;
	s6 =	rddreg [dreg:$0x4]  }
0xe8: {  	p0 =	sne.s32 s4, s6  }
.Ltmp2:
0xe9: {  	_ = 	snop;
	(pc) =	sbr.rel @p0 .LBB2_1-.Ltmp2, $3  }
0xea: {  	_ =	sdelay $0x1  }
0xeb: {  	[sflag:s12] =	ssyncset.done $0x0  }
0xec: {  	[sflag:s12] =	ssyncadd.s32 $0xFFFFD800  }
0xed: {  	_ =	sfence.sel $0x180000  }
0xee: {  	[bflag:$0x0] =	sbarrier.arrive $0xFFFF  }
0xef: {  	_ =	strace $0x90000047  }
0xf0: {  	s0 =	stileid.u32;
	[bflag:$0x2] =	sbarrier.arrive $0xFFFF  }
0xf1: {  	p0 =	sne.s32 s0, $0x0;
	s0 =	rddreg [dreg:$0x2]  }
0xf2: {  	s0 =	sadd.s32 @!p0 $0x100000, s0  }
0xf3: {  	[sflag:s0] =	ssyncadd.tile.s32 @!p0 $0x1;
	_ =	shalt  }
.Lfunc_end2:
_tile_overlayer_lowered:
.L_overlay_start_2:
0xf4: {  	(tag) =	ssettag $0x2  }
0xf5: {  	s0 =	rddreg [dreg:$0x0];
	s2 =	stileid.u32  }
0xf6: {  	s1 =	rddreg [dreg:$0x1];
	p0 =	sne.s32 s2, $0x0  }
0xf7: {  	s3 =	rddreg [dreg:$0x2];
	[bflag:$0x3] =	sbarrier.arrive $0xFFFF;
	s2 =	simm.s32 @!p0 $0x1C02  }
0xf8: {  	[timem:s3], [sflag:s2] =	dma.local @!p0 [hbm:s0], s1  }
0xf9: {  	s0 =	simm.s32 @!p0 $0x2  }
0xfa: {  	_ =	swait.ge @!p0 [sflag:s0], s1  }
0xfb: {  	s1 =	ssub.s32 @!p0 $0x0, s1;
	[sflag:s0] =	ssyncset.done @!p0 $0x0  }
0xfc: {  	[sflag:s0] =	ssyncadd.s32 @!p0 s1  }
0xfd: {  	[bflag:$0x3] =	sbarrier.arrive $0xFFFF  }
0xfe: {  	_ =	shalt  }

// kernel: kernel.13.cloned.1.call-start
scs
__scs_entry_jumppad:
0x0: {  	(pc) =	sbr.rel $0x88, $3  }
0x1: {  	(tag) =	ssettag $0x0;
	lr =	simm.s32 $0x1  }
0x2: {  	[smem:$0x3F85] =	sst lr;
	_ =	strace $0xD0000000  }
0x3: {  	_ = 	snop  }
0x4: {  	_ = 	snop  }
0x5: {  	_ = 	snop  }
0x6: {  	_ = 	snop  }
0x7: {  	_ = 	snop  }
__scs_overlays_trampoline_lowered:
0x8: {  	[smem:$0x3F94] =	sst s0  }
0x9: {  	[smem:$0x3F95] =	sst s1  }
0xa: {  	[smem:$0x3F96] =	sst s2  }
0xb: {  	[smem:$0x3F97] =	sst s3  }
0xc: {  	[smem:$0x3F98] =	sst s4  }
0xd: {  	[smem:$0x3F99] =	sst s5  }
0xe: {  	[smem:$0x3F9A] =	sst s6  }
0xf: {  	[smem:$0x3F9B] =	sst s7  }
0x10: {  	[smem:$0x3F9C] =	sst s8  }
0x11: {  	[smem:$0x3F9D] =	sst s9;
	s0 =	simm.s32 @!p0 $0x0  }
0x12: {  	s1 =	sld [smem:$0x3F83];
	s0 =	simm.s32 @p0 $0x1  }
0x13: {  	[smem:$0x3F9E] =	sst s0;
	s0 =	simm.s32 @!p1 $0x0  }
0x14: {  	s2 =	sld [smem:$0x3F82];
	s0 =	simm.s32 @p1 $0x1  }
0x15: {  	[smem:$0x3F9F] =	sst s0;
	s0 =	simm.s32 @!p2 $0x0  }
0x16: {  	s3 =	sld [smem:$0x3FDB];
	s0 =	simm.s32 @p2 $0x1  }
0x17: {  	s4 =	simm.s32 $0x1BF5;
	[smem:$0x3FA1] =	sst s0  }
0x18: {  	s0 =	sld [smem:$0x3F84];
	_ =	swait.ge [sflag:s4], $0x0  }
0x19: {  	s7 =	sld [smem:$0x3F85]  }
0x1a: {  	s8 =	sadd.s32 $0xFFFFE003, lr  }
0x1b: {  	s9 =	sadd.s32 $0xFFFFFEF7, lr;
	s5 =	simm.s32 $0xFFFFFFFF;
	p2 =	slt.u32 s8, $0xFFFFF086  }
0x1c: {  	p1 =	slt.u32 s9, $0xF7A;
	s5 =	simm.s32 @!p2 $0x0  }
0x1d: {  	s5 =	simm.s32 @p1 $0x1;
	p0 =	seq.s32 s7, s2  }
0x1e: {  	s7 =	smul.u32 @!p0 $0xF7A, s2;
	p2 =	seq.s32 @!p0 s5, $0x0  }
0x1f: {  	s9 =	smul.u32 $0xF7A, s1;
	s8 =	simm.s32 @!p0 $0x1BF5;
	p2 =	por !p2, p0  }
0x20: {  	[sflag:s8] =	ssyncset.s32 @!p0 $0xFFFFF086;
	s6 =	sadd.s32 @!p0 s3, s7;
	s7 =	simm.s32 @!p0 $0x108  }
0x21: {  	s3 =	sadd.s32 s3, s9;
	s6 =	sadd.s32 @!p0 $0x88, s6;
	s7 =	simm.s32 @p2 $0x1082  }
0x22: {  	[simem:s7], [sflag:s8] =	dma.local @!p0 [hbm:s6], $0xF7A  }
0x23: {  	s9 =	sor.u32 $0xD0000000, s2;
	s6 =	simm.s32 $0x108;
	_ =	swait.ge @!p0 [sflag:s8], $0x0  }
0x24: {  	s3 =	sadd.s32 $0x88, s3;
	s6 =	simm.s32 @!p1 $0x1082;
	[sflag:s4] =	ssyncset.s32 $0xFFFFF086  }
0x25: {  	[simem:s6], [sflag:s4] =	dma.local [hbm:s3], $0xF7A  }
0x26: {  	[smem:$0x3F85] =	sst s1;
	(tag) =	ssettag s2;
	_ =	strace s9  }
0x27: {  	s1 =	sld [smem:$0x3F95]  }
0x28: {  	s2 =	sld [smem:$0x3F96]  }
0x29: {  	s4 =	sld [smem:$0x3F98]  }
0x2a: {  	p0 =	seq.s32 s5, $0x0;
	s5 =	sld [smem:$0x3F99]  }
0x2b: {  	s6 =	sld [smem:$0x3F9A]  }
0x2c: {  	s7 =	sld [smem:$0x3F9B]  }
0x2d: {  	s3 =	simm.s32 $0x108;
	s8 =	sld [smem:$0x3F9C]  }
0x2e: {  	s3 =	simm.s32 @!p0 $0x1082;
	s9 =	sld [smem:$0x3F9D]  }
0x2f: {  	lr =	sadd.s32 s0, s3;
	s0 =	sld [smem:$0x3F94]  }
0x30: {  	s3 =	sld [smem:$0x3F97]  }
0x31: {  	[smem:$0x3FA0] =	sst s10  }
0x32: {  	s10 =	sld [smem:$0x3F9E];
	_ =	sdelay $0x3  }
0x33: {  	p0 =	seq.s32 s10, $0x1;
	s10 =	sld [smem:$0x3FA0];
	_ =	sdelay $0x3  }
0x34: {  	[smem:$0x3FA0] =	sst s10  }
0x35: {  	s10 =	sld [smem:$0x3F9F];
	_ =	sdelay $0x3  }
0x36: {  	p1 =	seq.s32 s10, $0x1;
	s10 =	sld [smem:$0x3FA0];
	_ =	sdelay $0x3  }
0x37: {  	[smem:$0x3FA0] =	sst s10  }
0x38: {  	s10 =	sld [smem:$0x3FA1]  }
0x39: {  	_ = 	snop;
	(pc) =	sbr.ind lr, $3  }
0x3a: {  	_ = 	snop  }
0x3b: {  	_ = 	snop  }
0x3c: {  	p2 =	seq.s32 s10, $0x1;
	s10 =	sld [smem:$0x3FA0]  }
0x3d: {  	_ =	shalt  }
0x3e: {  	_ =	shalt  }
0x3f: {  	_ =	shalt  }
0x40: {  	_ =	shalt  }
0x41: {  	_ =	shalt  }
0x42: {  	_ =	shalt  }
0x43: {  	_ =	shalt  }
0x44: {  	_ =	shalt  }
0x45: {  	_ =	shalt  }
0x46: {  	_ =	shalt  }
0x47: {  	_ =	shalt  }
0x48: {  	_ =	shalt  }
0x49: {  	_ =	shalt  }
0x4a: {  	_ =	shalt  }
0x4b: {  	_ =	shalt  }
0x4c: {  	_ =	shalt  }
0x4d: {  	_ =	shalt  }
0x4e: {  	_ =	shalt  }
0x4f: {  	_ =	shalt  }
0x50: {  	_ =	shalt  }
0x51: {  	_ =	shalt  }
0x52: {  	_ =	shalt  }
0x53: {  	_ =	shalt  }
0x54: {  	_ =	shalt  }
0x55: {  	_ =	shalt  }
0x56: {  	_ =	shalt  }
0x57: {  	_ =	shalt  }
0x58: {  	_ =	shalt  }
0x59: {  	_ =	shalt  }
0x5a: {  	_ =	shalt  }
0x5b: {  	_ =	shalt  }
0x5c: {  	_ =	shalt  }
0x5d: {  	_ =	shalt  }
0x5e: {  	_ =	shalt  }
0x5f: {  	_ =	shalt  }
0x60: {  	_ =	shalt  }
0x61: {  	_ =	shalt  }
0x62: {  	_ =	shalt  }
0x63: {  	_ =	shalt  }
0x64: {  	_ =	shalt  }
0x65: {  	_ =	shalt  }
0x66: {  	_ =	shalt  }
0x67: {  	_ =	shalt  }
0x68: {  	_ =	shalt  }
0x69: {  	_ =	shalt  }
0x6a: {  	_ =	shalt  }
0x6b: {  	_ =	shalt  }
0x6c: {  	_ =	shalt  }
0x6d: {  	_ =	shalt  }
0x6e: {  	_ =	shalt  }
0x6f: {  	_ =	shalt  }
0x70: {  	_ =	shalt  }
0x71: {  	_ =	shalt  }
0x72: {  	_ =	shalt  }
0x73: {  	_ =	shalt  }
0x74: {  	_ =	shalt  }
0x75: {  	_ =	shalt  }
0x76: {  	_ =	shalt  }
0x77: {  	_ =	shalt  }
0x78: {  	_ =	shalt  }
0x79: {  	_ =	shalt  }
0x7a: {  	_ =	shalt  }
0x7b: {  	_ =	shalt  }
0x7c: {  	_ =	shalt  }
0x7d: {  	_ =	shalt  }
0x7e: {  	_ =	shalt  }
0x7f: {  	_ =	shalt  }
0x80: {  	_ =	shalt  }
0x81: {  	_ =	shalt  }
0x82: {  	_ =	shalt  }
0x83: {  	_ =	shalt  }
0x84: {  	_ =	shalt  }
0x85: {  	_ =	shalt  }
0x86: {  	_ =	shalt  }
0x87: {  	_ =	shalt  }
.Lfunc_end0:
.L_simem_size_0:
called_computation.1_lowered:
.L_overlay_start_0:
0x88: {  	s2 =	sld [smem:$0x3FD9]  }
0x89: {  	s3 =	sld [smem:$0x3FFE];
	_ =	sdelay $0x1  }
0x8a: {  	s1 =	srdreg.scid  }
0x8b: {  	s0 =	sand.u32 $0x1, s1  }
0x8c: {  	s16 =	sshll.u32 s0, $0xA;
	s2 =	sadd.s32 s3, s2  }
0x8d: {  	s2 =	sadd.s32 s2, s16  }
0x8e: {  	[smem:$0x3FAC] =	sst s2  }
0x8f: {  	_ = 	snop  }
0x90: {  	(tm) =	ssettm $0x1  }
0x91: {  	s17 =	sld [smem:$0x3FFB];
	_ =	sdelay $0x3  }
0x92: {  	_ =	strace s17  }
0x93: {  	s2 =	sld [smem:$0x3FFC];
	_ =	sdelay $0x3  }
0x94: {  	_ =	strace s2  }
0x95: {  	s2 =	sld [smem:$0x3FFD];
	_ =	sdelay $0x3  }
0x96: {  	_ =	strace s2  }
0x97: {  	_ =	strace $0x8FFFFFFF  }
0x98: {  	s18 =	sld [smem:$0x3FDB];
	_ =	sdelay $0x1  }
0x99: {  	s19 =	simm.s32 $_scs_section_size  }
0x9a: {  	s4 =	simm.s32 $_size__tile_overlayer_lowered;
	s5 =	simm.s32 $_tile_overlayer_lowered  }
0x9b: {  	s22 =	simm.s32 $0x1BFF;
	s21 =	sshll.u32 s5, $0x1;
	s2 =	sadd.s32 s19, s18  }
0x9c: {  	s6 =	simm.s32 $0x0;
	s20 =	sshll.u32 s4, $0x1;
	s4 =	sadd.s32 s21, s2  }
0x9d: {  	[timem:s6], [sflag:s22] =	dma.local [hbm:s4], s20  }
0x9e: {  	_ =	swait.ge [sflag:s22], s20  }
0x9f: {  	s3 =	ssub.s32 $0x0, s20;
	[sflag:s22] =	ssyncset.done $0x0  }
0xa0: {  	[sflag:s22] =	ssyncadd.s32 s3;
	_ =	sdelay $0x1  }
0xa1: {  	s23 =	simm.s32 $0x1B8B  }
0xa2: {  	_ =	swait.ge [sflag:s23], $0x1  }
0xa3: {  	[sflag:s23] =	ssyncset.done $0x0  }
0xa4: {  	s25 =	simm.s32 $0x1B8E;
	s24 =	sld [smem:$0x3FFE];
	[sflag:s23] =	ssyncadd.s32 $0xFFFFFFFF  }
0xa5: {  	s26 =	simm.s32 $execute0_lowered;
	[smem:$0x3FD2] =	sst s25  }
0xa6: {  	s4 =	sshll.u32 s26, $0x1;
	_ =	strace $0x80000049;
	[dreg:$0x1] =	wrdreg $0xFFFFFFFF  }
0xa7: {  	s28 =	simm.s32 $_size_execute0_lowered;
	s2 =	sadd.s32 s2, s4;
	[dreg:$0x0] =	wrdreg $0x0  }
0xa8: {  	s4 =	sshll.u32 s28, $0x1;
	[dreg:$0x2] =	wrdreg s2  }
0xa9: {  	[dreg:$0x3] =	wrdreg s4  }
0xaa: {  	[dreg:$0x4] =	wrdreg $0xC0  }
0xab: {  	_ =	task [dreg:s6], $0x5FFFF  }
0xac: {  	[dreg:$0x1] =	wrdreg $0xFFFFFFFF  }
0xad: {  	[dreg:$0x0] =	wrdreg $0x60  }
0xae: {  	[dreg:$0x2] =	wrdreg s24  }
0xaf: {  	[dreg:$0x3] =	wrdreg $0xA8000  }
0xb0: {  	[dreg:$0x4] =	wrdreg $0x9  }
0xb1: {  	_ =	task.clear_ibuf [dreg:s6], $0x5FFFF;
	_ =	strace $0x90000049  }
0xb2: {  	s29 =	simm.s32 $0x9;
	_ =	strace $0x8000004B  }
0xb3: {  	_ =	swait.ge [sflag:s29], $0x1  }
0xb4: {  	[sflag:s29] =	ssyncadd.s32 $0xFFFFFFFF  }
0xb5: {  	_ =	strace $0x9000004B  }
0xb6: {  	_ =	sfence  }
0xb7: {  	s30 =	sld [smem:$0x0];
	_ =	sdelay $0x2  }
0xb8: {  	s31 =	sshll.u32 s1, $0xD;
	s1 =	sshrl.u32 s1, $0x2  }
0xb9: {  	s3 =	sand.u32 $0x4000, s31;
	s1 =	sadd.s32 s1, s30  }
0xba: {  	s0 =	sor.u32 s3, s0;
	s1 =	sshll.u32 s1, $0x11  }
0xbb: {  	s0 =	sor.u32 s1, s0  }
0xbc: {  	s0 =	sadd.s32 $0x8F2B, s0  }
0xbd: {  	[sflag:s0] =	ssyncadd.remote.s32 $0x1  }
0xbe: {  	_ =	sfence.sel $0xFFFF  }
0xbf: {  	[dreg:$0x0] =	wrdreg $0xFFFFFFFF;
	(pc) =	sbr.abs _section_cstart, $3  }
0xc0: {  	[dreg:$0x1] =	wrdreg $0xFFFFFFFF  }
0xc1: {  	_ =	task.clear_ibuf [dreg:s6], $0x2FFFF;
	_ =	strace $0x9FFFFFFF  }
0xc2: {  	(tm) =	ssettm $0x7FFFFFFF  }
0xc3: {  	_ =	shalt  }
tec
execute0_lowered:
.L_overlay_start_1:
0x0: {  	(tag) =	ssettag $0x1  }
0x1: {  	s6 =	rddreg [dreg:$0x0]  }
0x2: {  	s0 =	srdreg.scid;
	s2 =	rddreg [dreg:$0x1]  }
0x3: {  	s1 =	rddreg [dreg:$0x2];
	s3 =	simm.s32 $0x0;
	s14 =	simm.s32 $0x7D  }
0x4: {  	s15 =	simm.s32 $0x2800;
	s16 =	simm.s32 $0x6800;
	s17 =	simm.s32 $0x1  }
0x5: {  	s18 =	simm.s32 $0x2;
	s19 =	simm.s32 $0x1380;
	s7 =	sand.u32 $0x1, s0  }
0x6: {  	s20 =	simm.s32 $0x2700;
	s0 =	stileid.u32;
	s5 =	smul.u32 $0x14000, s7  }
0x7: {  	s21 =	simm.s32 $0x2780;
	s22 =	simm.s32 $0x0;
	s8 =	smul.u32 $0x1400, s0  }
0x8: {  	[smem:$0x7FF] =	sst s3;
	s4 =	sadd.s32 $0x11200, s6;
	s9 =	smul.u32 $0x140000, s7  }
0x9: {  	s10 =	smul.u32 $0x14000, s0;
	_ =	strace $0x8000004A;
	s7 =	ssub.s32 $0x2, s7  }
0xa: {  	s30 =	smul.u32 $0x50000, s0;
	s12 =	sshll.u32 s0, $0x6;
	s31 =	sshrl.u32 s7, $0x1  }
0xb: {  	s12 =	sor.u32 $0x1C03, s12;
	s8 =	sadd.s32 s8, s5;
	s5 =	sadd.s32 $0xEA00, s6  }
0xc: {  	s9 =	sadd.s32 s10, s9;
	s11 =	ssub.s32 s7, s31;
	s10 =	sshrl.u32 s30, $0x2  }
0xd: {  	s8 =	sshrl.u32 s8, $0x3;
	s9 =	sshrl.u32 s9, $0x3;
	s13 =	sadd.s32 s10, s2  }
0xe: {  	s10 =	simm.s32 $0x3;
	s8 =	sadd.s32 s8, s6;
	s9 =	sadd.s32 s9, s6  }
0xf: {  	s13 =	sshrl.u32 s13, $0x3;
	s6 =	sadd.s32 $0xB1A00, s8;
	s7 =	sadd.s32 $0xB6A00, s8  }
0x10: {  	s8 =	sadd.s32 $0x61200, s9;
	s9 =	smax.u32 s11, $0x1;
	s11 =	simm.s32 $0x1400  }
.LBB2_1:
0x11: {  	[tilespmem:s3], [sflag:$0x3] =	stream.linear.gather [hbm4b:s6+s3], $0x1400, $0x38;
	[tilespmem:$0x1E800] =	vst v63  }
0x12: {  	_ =	swait.ge [sflag:s10], $0x1400  }
0x13: {  	[sflag:s10] =	ssyncset.done $0x0  }
0x14: {  	[sflag:s10] =	ssyncadd.s32 $0xFFFFEC00  }
0x15: {  	[tilespmem:s11], [sflag:$0x3] =	stream.linear.gather [hbm4b:s7+s3], $0x1400, $0x38;
	[tilespmem:$0x1E800] =	vst v63  }
0x16: {  	_ =	swait.ge [sflag:s10], $0x1400  }
0x17: {  	[sflag:s10] =	ssyncset.done $0x0  }
0x18: {  	[sflag:s10] =	ssyncadd.s32 $0xFFFFEC00  }
0x19: {  	[spmem:s13], [sflag:s12] =	dma.local [hbm:s5], $0x2800  }
0x1a: {  	_ =	swait.ge [sflag:s10], $0x2800  }
0x1b: {  	[sflag:s10] =	ssyncset.done $0x0  }
0x1c: {  	[sflag:s10] =	ssyncadd.s32 $0xFFFFD800  }
0x1d: {  	[bflag:$0x0] =	sbarrier.arrive $0xFFFF  }
0x1e: {  	[tilespmem:s15], [sflag:$0x1] =	stream.indirect.gather [hbm4b:s4+s14], $0x80, s3, s14, $0xb8;
	[tilespmem:$0x1E800] =	vst v63  }
0x1f: {  	s23 =	simm.s32 $0x80  }
0x20: {  	[tilespmem:s16], [sflag:$0x2] =	stream.indirect.gather [hbm4b:s4+s14], $0x80, s23, s14, $0xb8;
	[tilespmem:$0x1E800] =	vst v63  }
0x21: {  	_ =	swait.ge [sflag:s17], $0x3E80  }
0x22: {  	[sflag:s17] =	ssyncset.done $0x0  }
0x23: {  	s29 =	simm.s32 $0x1400;
	[sflag:s17] =	ssyncadd.s32 $0xFFFFC180  }
0x24: {  	[spmem:s2] =	stream.indirect.scatter.add.f32 [tilespmem:s15], [sflag:$0x3], $0x80, s29, s14, $0xb8;
	[tilespmem:$0x1E800] =	vst v63  }
0x25: {  	_ =	swait.ge [sflag:s10], $0x3E80  }
0x26: {  	[sflag:s10] =	ssyncset.done $0x0  }
0x27: {  	s30 =	simm.s32 $0x100;
	[sflag:s10] =	ssyncadd.s32 $0xFFFFC180  }
0x28: {  	[tilespmem:s15], [sflag:$0x1] =	stream.indirect.gather [hbm4b:s4+s14], $0x80, s30, s14, $0xb8;
	[tilespmem:$0x1E800] =	vst v63  }
0x29: {  	_ =	swait.ge [sflag:s18], $0x3E80  }
0x2a: {  	[sflag:s18] =	ssyncset.done $0x0  }
0x2b: {  	s31 =	simm.s32 $0x1480;
	[sflag:s18] =	ssyncadd.s32 $0xFFFFC180  }
0x2c: {  	[spmem:s2] =	stream.indirect.scatter.add.f32 [tilespmem:s16], [sflag:$0x3], $0x80, s31, s14, $0xb8;
	[tilespmem:$0x1E800] =	vst v63  }
0x2d: {  	_ =	swait.ge [sflag:s10], $0x3E80  }
0x2e: {  	s24 =	simm.s32 $0x800;
	s23 =	simm.s32 $0x100;
	[sflag:s10] =	ssyncset.done $0x0  }
.LBB2_2:
0x2f: {  	s25 =	sadd.s32 $0x80, s23  }
0x30: {  	[sflag:s10] =	ssyncadd.s32 $0xFFFFC180;
	s26 =	smov.u32 s24;
	s28 =	sadd.s32 $0x400, s24  }
0x31: {  	[tilespmem:s16], [sflag:$0x2] =	stream.indirect.gather [hbm4b:s4+s14], $0x80, s25, s14, $0xb8;
	[tilespmem:$0x1E800] =	vst v63  }
0x32: {  	p0 =	sne.s32 s24, $0x4800;
	_ =	swait.ge [sflag:s17], $0x3E80  }
0x33: {  	[sflag:s17] =	ssyncset.done $0x0  }
0x34: {  	s24 =	sadd.s32 $0x1400, s23;
	[sflag:s17] =	ssyncadd.s32 $0xFFFFC180  }
0x35: {  	[spmem:s2] =	stream.indirect.scatter.add.f32 [tilespmem:s15], [sflag:$0x3], $0x80, s24, s14, $0xb8;
	[tilespmem:$0x1E800] =	vst v63  }
0x36: {  	_ =	swait.ge [sflag:s10], $0x3E80  }
0x37: {  	[sflag:s10] =	ssyncset.done $0x0  }
0x38: {  	s24 =	sadd.s32 $0x100, s23;
	[sflag:s10] =	ssyncadd.s32 $0xFFFFC180  }
0x39: {  	[tilespmem:s15], [sflag:$0x1] =	stream.indirect.gather [hbm4b:s4+s14], $0x80, s24, s14, $0xb8;
	[tilespmem:$0x1E800] =	vst v63  }
0x3a: {  	_ =	swait.ge [sflag:s18], $0x3E80  }
.Ltmp0:
0x3b: {  	[sflag:s18] =	ssyncset.done $0x0;
	(pc) =	sbr.rel @p0 .LBB2_2-.Ltmp0, $4  }
0x3c: {  	s23 =	sadd.s32 $0x1480, s23;
	[sflag:s18] =	ssyncadd.s32 $0xFFFFC180  }
0x3d: {  	[spmem:s2] =	stream.indirect.scatter.add.f32 [tilespmem:s16], [sflag:$0x3], $0x80, s23, s14, $0xb8;
	[tilespmem:$0x1E800] =	vst v63  }
0x3e: {  	_ =	swait.ge [sflag:s10], $0x3E80  }
0x3f: {  	s24 =	smov.u32 s28;
	s23 =	sshra.s32 s26, $0x2;
	[sflag:s10] =	ssyncset.done $0x0  }
0x40: {  	s24 =	sadd.s32 $0x80, s23;
	[sflag:s10] =	ssyncadd.s32 $0xFFFFC180  }
0x41: {  	[tilespmem:s16], [sflag:$0x2] =	stream.indirect.gather [hbm4b:s4+s14], $0x80, s24, s14, $0xb8;
	[tilespmem:$0x1E800] =	vst v63  }
0x42: {  	_ =	swait.ge [sflag:s17], $0x3E80  }
0x43: {  	[sflag:s17] =	ssyncset.done $0x0  }
0x44: {  	s29 =	sadd.s32 $0x1400, s23;
	[sflag:s17] =	ssyncadd.s32 $0xFFFFC180  }
0x45: {  	[spmem:s2] =	stream.indirect.scatter.add.f32 [tilespmem:s15], [sflag:$0x3], $0x80, s29, s14, $0xb8;
	[tilespmem:$0x1E800] =	vst v63  }
0x46: {  	_ =	swait.ge [sflag:s10], $0x3E80  }
0x47: {  	[sflag:s10] =	ssyncset.done $0x0  }
0x48: {  	s30 =	sadd.s32 $0x100, s23;
	[sflag:s10] =	ssyncadd.s32 $0xFFFFC180  }
0x49: {  	[tilespmem:s15], [sflag:$0x1] =	stream.indirect.gather [hbm4b:s4+s14], $0x80, s30, s14, $0xb8;
	[tilespmem:$0x1E800] =	vst v63  }
0x4a: {  	_ =	swait.ge [sflag:s18], $0x3E80  }
0x4b: {  	[sflag:s18] =	ssyncset.done $0x0  }
0x4c: {  	s31 =	sadd.s32 $0x1480, s23;
	[sflag:s18] =	ssyncadd.s32 $0xFFFFC180  }
0x4d: {  	[spmem:s2] =	stream.indirect.scatter.add.f32 [tilespmem:s16], [sflag:$0x3], $0x80, s31, s14, $0xb8;
	[tilespmem:$0x1E800] =	vst v63  }
0x4e: {  	_ =	swait.ge [sflag:s10], $0x3E80  }
0x4f: {  	[sflag:s10] =	ssyncset.done $0x0  }
0x50: {  	[sflag:s10] =	ssyncadd.s32 $0xFFFFC180  }
0x51: {  	[tilespmem:s16], [sflag:$0x2] =	stream.indirect.gather [hbm4b:s4+s14], $0x80, s19, s14, $0xb8;
	[tilespmem:$0x1E800] =	vst v63  }
0x52: {  	_ =	swait.ge [sflag:s17], $0x3E80  }
0x53: {  	[sflag:s17] =	ssyncset.done $0x0  }
0x54: {  	[sflag:s17] =	ssyncadd.s32 $0xFFFFC180  }
0x55: {  	[spmem:s2] =	stream.indirect.scatter.add.f32 [tilespmem:s15], [sflag:$0x3], $0x80, s20, s14, $0xb8;
	[tilespmem:$0x1E800] =	vst v63  }
0x56: {  	_ =	swait.ge [sflag:s10], $0x3E80  }
0x57: {  	[sflag:s10] =	ssyncset.done $0x0  }
0x58: {  	[sflag:s10] =	ssyncadd.s32 $0xFFFFC180  }
0x59: {  	_ =	swait.ge [sflag:s18], $0x3E80  }
0x5a: {  	[sflag:s18] =	ssyncset.done $0x0  }
0x5b: {  	[sflag:s18] =	ssyncadd.s32 $0xFFFFC180  }
0x5c: {  	[spmem:s2] =	stream.indirect.scatter.add.f32 [tilespmem:s16], [sflag:$0x3], $0x80, s21, s14, $0xb8;
	[tilespmem:$0x1E800] =	vst v63  }
0x5d: {  	_ =	swait.ge [sflag:s10], $0x3E80  }
0x5e: {  	s22 =	sadd.s32 $0x1, s22;
	[sflag:s10] =	ssyncset.done $0x0  }
0x5f: {  	p0 =	sne.s32 s22, s9;
	[sflag:s10] =	ssyncadd.s32 $0xFFFFC180  }
.Ltmp1:
0x60: {  	[bflag:$0x0] =	sbarrier.arrive $0xFFFF;
	(pc) =	sbr.rel @p0 .LBB2_1-.Ltmp1, $4  }
0x61: {  	[hbm:s8], [sflag:s12] =	dma.local [spmem:s13], $0x2800  }
0x62: {  	_ =	swait.ge [sflag:s10], $0x2800  }
0x63: {  	[sflag:s10] =	ssyncset.done $0x0  }
0x64: {  	[sflag:s10] =	ssyncadd.s32 $0xFFFFD800  }
0x65: {  	_ =	sfence.sel $0x180000  }
0x66: {  	[bflag:$0x0] =	sbarrier.arrive $0xFFFF  }
0x67: {  	p0 =	sne.s32 s0, $0x0;
	_ =	strace $0x9000004A  }
0x68: {  	s0 =	sadd.s32 @!p0 $0x100000, s1;
	[bflag:$0x2] =	sbarrier.arrive $0xFFFF  }
0x69: {  	[sflag:s0] =	ssyncadd.tile.s32 @!p0 $0x1;
	_ =	shalt  }
.Lfunc_end2:
_tile_overlayer_lowered:
.L_overlay_start_2:
0x6a: {  	(tag) =	ssettag $0x2  }
0x6b: {  	s0 =	rddreg [dreg:$0x0];
	s2 =	stileid.u32  }
0x6c: {  	s1 =	rddreg [dreg:$0x1];
	p0 =	sne.s32 s2, $0x0  }
0x6d: {  	s3 =	rddreg [dreg:$0x2];
	[bflag:$0x3] =	sbarrier.arrive $0xFFFF;
	s2 =	simm.s32 @!p0 $0x1C03  }
0x6e: {  	[timem:s3], [sflag:s2] =	dma.local @!p0 [hbm:s0], s1  }
0x6f: {  	s0 =	simm.s32 @!p0 $0x3  }
0x70: {  	_ =	swait.ge @!p0 [sflag:s0], s1  }
0x71: {  	s1 =	ssub.s32 @!p0 $0x0, s1;
	[sflag:s0] =	ssyncset.done @!p0 $0x0  }
0x72: {  	[sflag:s0] =	ssyncadd.s32 @!p0 s1  }
0x73: {  	[bflag:$0x3] =	sbarrier.arrive $0xFFFF  }
0x74: {  	_ =	shalt  }

// kernel: kernel.16.cloned.1.call-start
scs
__scs_entry_jumppad:
0x0: {  	(pc) =	sbr.rel $0x88, $3  }
0x1: {  	(tag) =	ssettag $0x0;
	lr =	simm.s32 $0x1  }
0x2: {  	[smem:$0x3F85] =	sst lr;
	_ =	strace $0xD0000000  }
0x3: {  	_ = 	snop  }
0x4: {  	_ = 	snop  }
0x5: {  	_ = 	snop  }
0x6: {  	_ = 	snop  }
0x7: {  	_ = 	snop  }
__scs_overlays_trampoline_lowered:
0x8: {  	[smem:$0x3F94] =	sst s0  }
0x9: {  	[smem:$0x3F95] =	sst s1  }
0xa: {  	[smem:$0x3F96] =	sst s2  }
0xb: {  	[smem:$0x3F97] =	sst s3  }
0xc: {  	[smem:$0x3F98] =	sst s4  }
0xd: {  	[smem:$0x3F99] =	sst s5  }
0xe: {  	[smem:$0x3F9A] =	sst s6  }
0xf: {  	[smem:$0x3F9B] =	sst s7  }
0x10: {  	[smem:$0x3F9C] =	sst s8  }
0x11: {  	[smem:$0x3F9D] =	sst s9;
	s0 =	simm.s32 @!p0 $0x0  }
0x12: {  	s1 =	sld [smem:$0x3F83];
	s0 =	simm.s32 @p0 $0x1  }
0x13: {  	[smem:$0x3F9E] =	sst s0;
	s0 =	simm.s32 @!p1 $0x0  }
0x14: {  	s2 =	sld [smem:$0x3F82];
	s0 =	simm.s32 @p1 $0x1  }
0x15: {  	[smem:$0x3F9F] =	sst s0;
	s0 =	simm.s32 @!p2 $0x0  }
0x16: {  	s3 =	sld [smem:$0x3FDB];
	s0 =	simm.s32 @p2 $0x1  }
0x17: {  	s4 =	simm.s32 $0x1BF5;
	[smem:$0x3FA1] =	sst s0  }
0x18: {  	s0 =	sld [smem:$0x3F84];
	_ =	swait.ge [sflag:s4], $0x0  }
0x19: {  	s7 =	sld [smem:$0x3F85]  }
0x1a: {  	s8 =	sadd.s32 $0xFFFFE003, lr  }
0x1b: {  	s9 =	sadd.s32 $0xFFFFFEF7, lr;
	s5 =	simm.s32 $0xFFFFFFFF;
	p2 =	slt.u32 s8, $0xFFFFF086  }
0x1c: {  	p1 =	slt.u32 s9, $0xF7A;
	s5 =	simm.s32 @!p2 $0x0  }
0x1d: {  	s5 =	simm.s32 @p1 $0x1;
	p0 =	seq.s32 s7, s2  }
0x1e: {  	s7 =	smul.u32 @!p0 $0xF7A, s2;
	p2 =	seq.s32 @!p0 s5, $0x0  }
0x1f: {  	s9 =	smul.u32 $0xF7A, s1;
	s8 =	simm.s32 @!p0 $0x1BF5;
	p2 =	por !p2, p0  }
0x20: {  	[sflag:s8] =	ssyncset.s32 @!p0 $0xFFFFF086;
	s6 =	sadd.s32 @!p0 s3, s7;
	s7 =	simm.s32 @!p0 $0x108  }
0x21: {  	s3 =	sadd.s32 s3, s9;
	s6 =	sadd.s32 @!p0 $0x88, s6;
	s7 =	simm.s32 @p2 $0x1082  }
0x22: {  	[simem:s7], [sflag:s8] =	dma.local @!p0 [hbm:s6], $0xF7A  }
0x23: {  	s9 =	sor.u32 $0xD0000000, s2;
	s6 =	simm.s32 $0x108;
	_ =	swait.ge @!p0 [sflag:s8], $0x0  }
0x24: {  	s3 =	sadd.s32 $0x88, s3;
	s6 =	simm.s32 @!p1 $0x1082;
	[sflag:s4] =	ssyncset.s32 $0xFFFFF086  }
0x25: {  	[simem:s6], [sflag:s4] =	dma.local [hbm:s3], $0xF7A  }
0x26: {  	[smem:$0x3F85] =	sst s1;
	(tag) =	ssettag s2;
	_ =	strace s9  }
0x27: {  	s1 =	sld [smem:$0x3F95]  }
0x28: {  	s2 =	sld [smem:$0x3F96]  }
0x29: {  	s4 =	sld [smem:$0x3F98]  }
0x2a: {  	p0 =	seq.s32 s5, $0x0;
	s5 =	sld [smem:$0x3F99]  }
0x2b: {  	s6 =	sld [smem:$0x3F9A]  }
0x2c: {  	s7 =	sld [smem:$0x3F9B]  }
0x2d: {  	s3 =	simm.s32 $0x108;
	s8 =	sld [smem:$0x3F9C]  }
0x2e: {  	s3 =	simm.s32 @!p0 $0x1082;
	s9 =	sld [smem:$0x3F9D]  }
0x2f: {  	lr =	sadd.s32 s0, s3;
	s0 =	sld [smem:$0x3F94]  }
0x30: {  	s3 =	sld [smem:$0x3F97]  }
0x31: {  	[smem:$0x3FA0] =	sst s10  }
0x32: {  	s10 =	sld [smem:$0x3F9E];
	_ =	sdelay $0x3  }
0x33: {  	p0 =	seq.s32 s10, $0x1;
	s10 =	sld [smem:$0x3FA0];
	_ =	sdelay $0x3  }
0x34: {  	[smem:$0x3FA0] =	sst s10  }
0x35: {  	s10 =	sld [smem:$0x3F9F];
	_ =	sdelay $0x3  }
0x36: {  	p1 =	seq.s32 s10, $0x1;
	s10 =	sld [smem:$0x3FA0];
	_ =	sdelay $0x3  }
0x37: {  	[smem:$0x3FA0] =	sst s10  }
0x38: {  	s10 =	sld [smem:$0x3FA1]  }
0x39: {  	_ = 	snop;
	(pc) =	sbr.ind lr, $3  }
0x3a: {  	_ = 	snop  }
0x3b: {  	_ = 	snop  }
0x3c: {  	p2 =	seq.s32 s10, $0x1;
	s10 =	sld [smem:$0x3FA0]  }
0x3d: {  	_ =	shalt  }
0x3e: {  	_ =	shalt  }
0x3f: {  	_ =	shalt  }
0x40: {  	_ =	shalt  }
0x41: {  	_ =	shalt  }
0x42: {  	_ =	shalt  }
0x43: {  	_ =	shalt  }
0x44: {  	_ =	shalt  }
0x45: {  	_ =	shalt  }
0x46: {  	_ =	shalt  }
0x47: {  	_ =	shalt  }
0x48: {  	_ =	shalt  }
0x49: {  	_ =	shalt  }
0x4a: {  	_ =	shalt  }
0x4b: {  	_ =	shalt  }
0x4c: {  	_ =	shalt  }
0x4d: {  	_ =	shalt  }
0x4e: {  	_ =	shalt  }
0x4f: {  	_ =	shalt  }
0x50: {  	_ =	shalt  }
0x51: {  	_ =	shalt  }
0x52: {  	_ =	shalt  }
0x53: {  	_ =	shalt  }
0x54: {  	_ =	shalt  }
0x55: {  	_ =	shalt  }
0x56: {  	_ =	shalt  }
0x57: {  	_ =	shalt  }
0x58: {  	_ =	shalt  }
0x59: {  	_ =	shalt  }
0x5a: {  	_ =	shalt  }
0x5b: {  	_ =	shalt  }
0x5c: {  	_ =	shalt  }
0x5d: {  	_ =	shalt  }
0x5e: {  	_ =	shalt  }
0x5f: {  	_ =	shalt  }
0x60: {  	_ =	shalt  }
0x61: {  	_ =	shalt  }
0x62: {  	_ =	shalt  }
0x63: {  	_ =	shalt  }
0x64: {  	_ =	shalt  }
0x65: {  	_ =	shalt  }
0x66: {  	_ =	shalt  }
0x67: {  	_ =	shalt  }
0x68: {  	_ =	shalt  }
0x69: {  	_ =	shalt  }
0x6a: {  	_ =	shalt  }
0x6b: {  	_ =	shalt  }
0x6c: {  	_ =	shalt  }
0x6d: {  	_ =	shalt  }
0x6e: {  	_ =	shalt  }
0x6f: {  	_ =	shalt  }
0x70: {  	_ =	shalt  }
0x71: {  	_ =	shalt  }
0x72: {  	_ =	shalt  }
0x73: {  	_ =	shalt  }
0x74: {  	_ =	shalt  }
0x75: {  	_ =	shalt  }
0x76: {  	_ =	shalt  }
0x77: {  	_ =	shalt  }
0x78: {  	_ =	shalt  }
0x79: {  	_ =	shalt  }
0x7a: {  	_ =	shalt  }
0x7b: {  	_ =	shalt  }
0x7c: {  	_ =	shalt  }
0x7d: {  	_ =	shalt  }
0x7e: {  	_ =	shalt  }
0x7f: {  	_ =	shalt  }
0x80: {  	_ =	shalt  }
0x81: {  	_ =	shalt  }
0x82: {  	_ =	shalt  }
0x83: {  	_ =	shalt  }
0x84: {  	_ =	shalt  }
0x85: {  	_ =	shalt  }
0x86: {  	_ =	shalt  }
0x87: {  	_ =	shalt  }
.Lfunc_end0:
.L_simem_size_0:
called_computation.2_lowered:
.L_overlay_start_0:
0x88: {  	s2 =	sld [smem:$0x3FD9]  }
0x89: {  	s3 =	sld [smem:$0x3FFE];
	_ =	sdelay $0x1  }
0x8a: {  	s1 =	srdreg.scid  }
0x8b: {  	s0 =	sand.u32 $0x1, s1  }
0x8c: {  	s16 =	sshll.u32 s0, $0xA;
	s2 =	sadd.s32 s3, s2  }
0x8d: {  	s2 =	sadd.s32 s2, s16  }
0x8e: {  	[smem:$0x3FAC] =	sst s2  }
0x8f: {  	_ = 	snop  }
0x90: {  	(tm) =	ssettm $0x1  }
0x91: {  	s17 =	sld [smem:$0x3FFB];
	_ =	sdelay $0x3  }
0x92: {  	_ =	strace s17  }
0x93: {  	s2 =	sld [smem:$0x3FFC];
	_ =	sdelay $0x3  }
0x94: {  	_ =	strace s2  }
0x95: {  	s2 =	sld [smem:$0x3FFD];
	_ =	sdelay $0x3  }
0x96: {  	_ =	strace s2  }
0x97: {  	_ =	strace $0x8FFFFFFF  }
0x98: {  	s18 =	sld [smem:$0x3FDB];
	_ =	sdelay $0x1  }
0x99: {  	s19 =	simm.s32 $_scs_section_size  }
0x9a: {  	s4 =	simm.s32 $_size__tile_overlayer_lowered;
	s5 =	simm.s32 $_tile_overlayer_lowered  }
0x9b: {  	s22 =	simm.s32 $0x1BFF;
	s21 =	sshll.u32 s5, $0x1;
	s2 =	sadd.s32 s19, s18  }
0x9c: {  	s6 =	simm.s32 $0x0;
	s20 =	sshll.u32 s4, $0x1;
	s4 =	sadd.s32 s21, s2  }
0x9d: {  	[timem:s6], [sflag:s22] =	dma.local [hbm:s4], s20  }
0x9e: {  	_ =	swait.ge [sflag:s22], s20  }
0x9f: {  	s3 =	ssub.s32 $0x0, s20;
	[sflag:s22] =	ssyncset.done $0x0  }
0xa0: {  	[sflag:s22] =	ssyncadd.s32 s3;
	_ =	sdelay $0x1  }
0xa1: {  	s23 =	simm.s32 $0x1B8B  }
0xa2: {  	_ =	swait.ge [sflag:s23], $0x1  }
0xa3: {  	[sflag:s23] =	ssyncset.done $0x0  }
0xa4: {  	s25 =	simm.s32 $0x1B8E;
	s24 =	sld [smem:$0x3FFE];
	[sflag:s23] =	ssyncadd.s32 $0xFFFFFFFF  }
0xa5: {  	s26 =	simm.s32 $execute0_lowered;
	[smem:$0x3FD2] =	sst s25  }
0xa6: {  	s4 =	sshll.u32 s26, $0x1;
	_ =	strace $0x8000004C;
	[dreg:$0x1] =	wrdreg $0xFFFFFFFF  }
0xa7: {  	s28 =	simm.s32 $_size_execute0_lowered;
	s2 =	sadd.s32 s2, s4;
	[dreg:$0x0] =	wrdreg $0x0  }
0xa8: {  	s4 =	sshll.u32 s28, $0x1;
	[dreg:$0x2] =	wrdreg s2  }
0xa9: {  	[dreg:$0x3] =	wrdreg s4  }
0xaa: {  	[dreg:$0x4] =	wrdreg $0xC0  }
0xab: {  	_ =	task [dreg:s6], $0x5FFFF  }
0xac: {  	[dreg:$0x1] =	wrdreg $0xFFFFFFFF  }
0xad: {  	[dreg:$0x0] =	wrdreg $0x60  }
0xae: {  	[dreg:$0x2] =	wrdreg s24  }
0xaf: {  	[dreg:$0x3] =	wrdreg $0xA8000  }
0xb0: {  	[dreg:$0x4] =	wrdreg $0x9  }
0xb1: {  	_ =	task.clear_ibuf [dreg:s6], $0x5FFFF;
	_ =	strace $0x9000004C  }
0xb2: {  	s29 =	simm.s32 $0x9;
	_ =	strace $0x8000004E  }
0xb3: {  	_ =	swait.ge [sflag:s29], $0x1  }
0xb4: {  	[sflag:s29] =	ssyncadd.s32 $0xFFFFFFFF  }
0xb5: {  	_ =	strace $0x9000004E  }
0xb6: {  	_ =	sfence  }
0xb7: {  	s30 =	sld [smem:$0x0];
	_ =	sdelay $0x2  }
0xb8: {  	s31 =	sshll.u32 s1, $0xD;
	s1 =	sshrl.u32 s1, $0x2  }
0xb9: {  	s3 =	sand.u32 $0x4000, s31;
	s1 =	sadd.s32 s1, s30  }
0xba: {  	s0 =	sor.u32 s3, s0;
	s1 =	sshll.u32 s1, $0x11  }
0xbb: {  	s0 =	sor.u32 s1, s0  }
0xbc: {  	s0 =	sadd.s32 $0x8F2B, s0  }
0xbd: {  	[sflag:s0] =	ssyncadd.remote.s32 $0x1  }
0xbe: {  	_ =	sfence.sel $0xFFFF  }
0xbf: {  	[dreg:$0x0] =	wrdreg $0xFFFFFFFF;
	(pc) =	sbr.abs _section_cstart, $3  }
0xc0: {  	[dreg:$0x1] =	wrdreg $0xFFFFFFFF  }
0xc1: {  	_ =	task.clear_ibuf [dreg:s6], $0x2FFFF;
	_ =	strace $0x9FFFFFFF  }
0xc2: {  	(tm) =	ssettm $0x7FFFFFFF  }
0xc3: {  	_ =	shalt  }
tec
execute0_lowered:
.L_overlay_start_1:
0x0: {  	(tag) =	ssettag $0x1  }
0x1: {  	s6 =	rddreg [dreg:$0x0]  }
0x2: {  	s1 =	rddreg [dreg:$0x1]  }
0x3: {  	s2 =	srdreg.scid;
	s3 =	simm.s32 $0x0;
	s16 =	simm.s32 $0x7D  }
0x4: {  	s17 =	simm.s32 $0x2800;
	s18 =	simm.s32 $0x6800;
	s19 =	simm.s32 $0x1  }
0x5: {  	s20 =	simm.s32 $0x2;
	s21 =	simm.s32 $0x1380;
	s22 =	simm.s32 $0x2700  }
0x6: {  	s23 =	simm.s32 $0x2780;
	s10 =	sand.u32 $0x1, s2;
	s2 =	stileid.u32  }
0x7: {  	s24 =	simm.s32 $0x0;
	[smem:$0x7FF] =	sst s3;
	s7 =	smul.u32 $0x14000, s10  }
0x8: {  	s4 =	sadd.s32 $0xBBA00, s6;
	s5 =	sadd.s32 $0xEA00, s6;
	s8 =	smul.u32 $0x1400, s2  }
0x9: {  	_ =	strace $0x8000004D;
	s31 =	ssub.s32 $0x2, s10;
	s11 =	smul.u32 $0x50000, s2  }
0xa: {  	s10 =	smul.u32 $0x640000, s10;
	s14 =	sshll.u32 s2, $0x6;
	s9 =	sshrl.u32 s31, $0x1  }
0xb: {  	s14 =	sor.u32 $0x1C03, s14;
	s7 =	sadd.s32 s8, s7;
	s13 =	ssub.s32 s31, s9  }
0xc: {  	s8 =	smul.u32 $0x280, s2;
	s11 =	sshrl.u32 s11, $0x2;
	s7 =	sshrl.u32 s7, $0x3  }
0xd: {  	s15 =	sadd.s32 s11, s1;
	s11 =	smax.u32 s13, $0x1;
	s13 =	simm.s32 $0x1400  }
0xe: {  	s12 =	sadd.s32 s7, s6;
	s6 =	sadd.s32 $0x183A00, s6;
	s15 =	sshrl.u32 s15, $0x3  }
0xf: {  	s7 =	sadd.s32 $0xB1A00, s12;
	s9 =	sadd.s32 $0xB6A00, s12;
	s12 =	simm.s32 $0x3  }
.LBB2_1:
0x10: {  	[tilespmem:s3], [sflag:$0x3] =	stream.linear.gather [hbm4b:s7+s3], $0x1400, $0x38;
	[tilespmem:$0x1E800] =	vst v63  }
0x11: {  	_ =	swait.ge [sflag:s12], $0x1400  }
0x12: {  	[sflag:s12] =	ssyncset.done $0x0  }
0x13: {  	[sflag:s12] =	ssyncadd.s32 $0xFFFFEC00  }
0x14: {  	[tilespmem:s13], [sflag:$0x3] =	stream.linear.gather [hbm4b:s9+s3], $0x1400, $0x38;
	[tilespmem:$0x1E800] =	vst v63  }
0x15: {  	_ =	swait.ge [sflag:s12], $0x1400  }
0x16: {  	[sflag:s12] =	ssyncset.done $0x0  }
0x17: {  	s25 =	simm.s32 $0x0;
	[sflag:s12] =	ssyncadd.s32 $0xFFFFEC00  }
.LBB2_2:
0x18: {  	[spmem:s15], [sflag:s14] =	dma.local [hbm:s5], $0x2800  }
0x19: {  	_ =	swait.ge [sflag:s12], $0x2800  }
0x1a: {  	s26 =	smul.u32 $0x28000, s25;
	[sflag:s12] =	ssyncset.done $0x0  }
0x1b: {  	[sflag:s12] =	ssyncadd.s32 $0xFFFFD800  }
0x1c: {  	s28 =	simm.s32 $0x0;
	s26 =	sadd.s32 s4, s26;
	[bflag:$0x0] =	sbarrier.arrive $0xFFFF  }
0x1d: {  	[tilespmem:s17], [sflag:$0x1] =	stream.indirect.gather [hbm4b:s26+s16], $0x80, s28, s16, $0xb8;
	[tilespmem:$0x1E800] =	vst v63  }
0x1e: {  	s28 =	simm.s32 $0x80  }
0x1f: {  	[tilespmem:s18], [sflag:$0x2] =	stream.indirect.gather [hbm4b:s26+s16], $0x80, s28, s16, $0xb8;
	[tilespmem:$0x1E800] =	vst v63  }
0x20: {  	_ =	swait.ge [sflag:s19], $0x3E80  }
0x21: {  	[sflag:s19] =	ssyncset.done $0x0  }
0x22: {  	s28 =	simm.s32 $0x1400;
	[sflag:s19] =	ssyncadd.s32 $0xFFFFC180  }
0x23: {  	[spmem:s1] =	stream.indirect.scatter.add.f32 [tilespmem:s17], [sflag:$0x3], $0x80, s28, s16, $0xb8;
	[tilespmem:$0x1E800] =	vst v63  }
0x24: {  	_ =	swait.ge [sflag:s12], $0x3E80  }
0x25: {  	[sflag:s12] =	ssyncset.done $0x0  }
0x26: {  	s28 =	simm.s32 $0x100;
	[sflag:s12] =	ssyncadd.s32 $0xFFFFC180  }
0x27: {  	[tilespmem:s17], [sflag:$0x1] =	stream.indirect.gather [hbm4b:s26+s16], $0x80, s28, s16, $0xb8;
	[tilespmem:$0x1E800] =	vst v63  }
0x28: {  	_ =	swait.ge [sflag:s20], $0x3E80  }
0x29: {  	[sflag:s20] =	ssyncset.done $0x0  }
0x2a: {  	s28 =	simm.s32 $0x1480;
	[sflag:s20] =	ssyncadd.s32 $0xFFFFC180  }
0x2b: {  	[spmem:s1] =	stream.indirect.scatter.add.f32 [tilespmem:s18], [sflag:$0x3], $0x80, s28, s16, $0xb8;
	[tilespmem:$0x1E800] =	vst v63  }
0x2c: {  	_ =	swait.ge [sflag:s12], $0x3E80  }
0x2d: {  	s29 =	simm.s32 $0x800;
	s28 =	simm.s32 $0x100;
	[sflag:s12] =	ssyncset.done $0x0  }
.LBB2_3:
0x2e: {  	s30 =	sadd.s32 $0x80, s28  }
0x2f: {  	[sflag:s12] =	ssyncadd.s32 $0xFFFFC180;
	s31 =	smov.u32 s29;
	s0 =	sadd.s32 $0x400, s29  }
0x30: {  	[tilespmem:s18], [sflag:$0x2] =	stream.indirect.gather [hbm4b:s26+s16], $0x80, s30, s16, $0xb8;
	[tilespmem:$0x1E800] =	vst v63  }
0x31: {  	p0 =	sne.s32 s29, $0x4800;
	_ =	swait.ge [sflag:s19], $0x3E80  }
0x32: {  	[sflag:s19] =	ssyncset.done $0x0  }
0x33: {  	s29 =	sadd.s32 $0x1400, s28;
	[sflag:s19] =	ssyncadd.s32 $0xFFFFC180  }
0x34: {  	[spmem:s1] =	stream.indirect.scatter.add.f32 [tilespmem:s17], [sflag:$0x3], $0x80, s29, s16, $0xb8;
	[tilespmem:$0x1E800] =	vst v63  }
0x35: {  	_ =	swait.ge [sflag:s12], $0x3E80  }
0x36: {  	[sflag:s12] =	ssyncset.done $0x0  }
0x37: {  	s29 =	sadd.s32 $0x100, s28;
	[sflag:s12] =	ssyncadd.s32 $0xFFFFC180  }
0x38: {  	[tilespmem:s17], [sflag:$0x1] =	stream.indirect.gather [hbm4b:s26+s16], $0x80, s29, s16, $0xb8;
	[tilespmem:$0x1E800] =	vst v63  }
0x39: {  	_ =	swait.ge [sflag:s20], $0x3E80  }
.Ltmp0:
0x3a: {  	[sflag:s20] =	ssyncset.done $0x0;
	(pc) =	sbr.rel @p0 .LBB2_3-.Ltmp0, $4  }
0x3b: {  	s28 =	sadd.s32 $0x1480, s28;
	[sflag:s20] =	ssyncadd.s32 $0xFFFFC180  }
0x3c: {  	[spmem:s1] =	stream.indirect.scatter.add.f32 [tilespmem:s18], [sflag:$0x3], $0x80, s28, s16, $0xb8;
	[tilespmem:$0x1E800] =	vst v63  }
0x3d: {  	_ =	swait.ge [sflag:s12], $0x3E80  }
0x3e: {  	s29 =	smov.u32 s0;
	s28 =	sshra.s32 s31, $0x2;
	[sflag:s12] =	ssyncset.done $0x0  }
0x3f: {  	s0 =	sadd.s32 $0x80, s28;
	[sflag:s12] =	ssyncadd.s32 $0xFFFFC180  }
0x40: {  	[tilespmem:s18], [sflag:$0x2] =	stream.indirect.gather [hbm4b:s26+s16], $0x80, s0, s16, $0xb8;
	[tilespmem:$0x1E800] =	vst v63  }
0x41: {  	_ =	swait.ge [sflag:s19], $0x3E80  }
0x42: {  	[sflag:s19] =	ssyncset.done $0x0  }
0x43: {  	s31 =	sadd.s32 $0x1400, s28;
	[sflag:s19] =	ssyncadd.s32 $0xFFFFC180  }
0x44: {  	[spmem:s1] =	stream.indirect.scatter.add.f32 [tilespmem:s17], [sflag:$0x3], $0x80, s31, s16, $0xb8;
	[tilespmem:$0x1E800] =	vst v63  }
0x45: {  	_ =	swait.ge [sflag:s12], $0x3E80  }
0x46: {  	[sflag:s12] =	ssyncset.done $0x0  }
0x47: {  	s29 =	sadd.s32 $0x100, s28;
	[sflag:s12] =	ssyncadd.s32 $0xFFFFC180  }
0x48: {  	[tilespmem:s17], [sflag:$0x1] =	stream.indirect.gather [hbm4b:s26+s16], $0x80, s29, s16, $0xb8;
	[tilespmem:$0x1E800] =	vst v63  }
0x49: {  	_ =	swait.ge [sflag:s20], $0x3E80  }
0x4a: {  	[sflag:s20] =	ssyncset.done $0x0  }
0x4b: {  	s30 =	sadd.s32 $0x1480, s28;
	[sflag:s20] =	ssyncadd.s32 $0xFFFFC180  }
0x4c: {  	[spmem:s1] =	stream.indirect.scatter.add.f32 [tilespmem:s18], [sflag:$0x3], $0x80, s30, s16, $0xb8;
	[tilespmem:$0x1E800] =	vst v63  }
0x4d: {  	_ =	swait.ge [sflag:s12], $0x3E80  }
0x4e: {  	[sflag:s12] =	ssyncset.done $0x0  }
0x4f: {  	[sflag:s12] =	ssyncadd.s32 $0xFFFFC180  }
0x50: {  	[tilespmem:s18], [sflag:$0x2] =	stream.indirect.gather [hbm4b:s26+s16], $0x80, s21, s16, $0xb8;
	[tilespmem:$0x1E800] =	vst v63  }
0x51: {  	_ =	swait.ge [sflag:s19], $0x3E80  }
0x52: {  	[sflag:s19] =	ssyncset.done $0x0  }
0x53: {  	[sflag:s19] =	ssyncadd.s32 $0xFFFFC180  }
0x54: {  	[spmem:s1] =	stream.indirect.scatter.add.f32 [tilespmem:s17], [sflag:$0x3], $0x80, s22, s16, $0xb8;
	[tilespmem:$0x1E800] =	vst v63  }
0x55: {  	_ =	swait.ge [sflag:s12], $0x3E80  }
0x56: {  	[sflag:s12] =	ssyncset.done $0x0  }
0x57: {  	[sflag:s12] =	ssyncadd.s32 $0xFFFFC180  }
0x58: {  	s31 =	smul.u32 $0x2800, s25;
	_ =	swait.ge [sflag:s20], $0x3E80  }
0x59: {  	[sflag:s20] =	ssyncset.done $0x0  }
0x5a: {  	s0 =	sadd.s32 s8, s31;
	[sflag:s20] =	ssyncadd.s32 $0xFFFFC180  }
0x5b: {  	[spmem:s1] =	stream.indirect.scatter.add.f32 [tilespmem:s18], [sflag:$0x3], $0x80, s23, s16, $0xb8;
	[tilespmem:$0x1E800] =	vst v63  }
0x5c: {  	s0 =	sshll.u32 s0, $0x7;
	_ =	swait.ge [sflag:s12], $0x3E80  }
0x5d: {  	s25 =	sadd.s32 $0x1, s25;
	s0 =	sadd.s32 s10, s0;
	[sflag:s12] =	ssyncset.done $0x0  }
0x5e: {  	p0 =	sne.s32 s25, $0x5;
	s0 =	sshrl.u32 s0, $0x3;
	[sflag:s12] =	ssyncadd.s32 $0xFFFFC180  }
.Ltmp1:
0x5f: {  	s0 =	sadd.s32 s6, s0;
	[bflag:$0x0] =	sbarrier.arrive $0xFFFF;
	(pc) =	sbr.rel @p0 .LBB2_2-.Ltmp1, $4  }
0x60: {  	[hbm:s0], [sflag:s14] =	dma.local [spmem:s15], $0x2800  }
0x61: {  	_ =	swait.ge [sflag:s12], $0x2800  }
0x62: {  	[sflag:s12] =	ssyncset.done $0x0  }
0x63: {  	[sflag:s12] =	ssyncadd.s32 $0xFFFFD800  }
0x64: {  	s24 =	sadd.s32 $0x1, s24  }
0x65: {  	p0 =	sne.s32 s24, s11  }
.Ltmp2:
0x66: {  	_ = 	snop;
	(pc) =	sbr.rel @p0 .LBB2_1-.Ltmp2, $1  }
0x67: {  	_ =	sdelay $0x3  }
0x68: {  	_ =	sfence.sel $0x180000  }
0x69: {  	[bflag:$0x0] =	sbarrier.arrive $0xFFFF  }
0x6a: {  	_ =	strace $0x9000004D  }
0x6b: {  	[bflag:$0x2] =	sbarrier.arrive $0xFFFF  }
0x6c: {  	p0 =	sne.s32 s2, $0x0;
	s0 =	rddreg [dreg:$0x2]  }
0x6d: {  	s0 =	sadd.s32 @!p0 $0x100000, s0  }
0x6e: {  	[sflag:s0] =	ssyncadd.tile.s32 @!p0 $0x1;
	_ =	shalt  }
.Lfunc_end2:
_tile_overlayer_lowered:
.L_overlay_start_2:
0x6f: {  	(tag) =	ssettag $0x2  }
0x70: {  	s0 =	rddreg [dreg:$0x0];
	s2 =	stileid.u32  }
0x71: {  	s1 =	rddreg [dreg:$0x1];
	p0 =	sne.s32 s2, $0x0  }
0x72: {  	s3 =	rddreg [dreg:$0x2];
	[bflag:$0x3] =	sbarrier.arrive $0xFFFF;
	s2 =	simm.s32 @!p0 $0x1C03  }
0x73: {  	[timem:s3], [sflag:s2] =	dma.local @!p0 [hbm:s0], s1  }
0x74: {  	s0 =	simm.s32 @!p0 $0x3  }
0x75: {  	_ =	swait.ge @!p0 [sflag:s0], s1  }
0x76: {  	s1 =	ssub.s32 @!p0 $0x0, s1;
	[sflag:s0] =	ssyncset.done @!p0 $0x0  }
0x77: {  	[sflag:s0] =	ssyncadd.s32 @!p0 s1  }
0x78: {  	[bflag:$0x3] =	sbarrier.arrive $0xFFFF  }
0x79: {  	_ =	shalt  }

// kernel: kernel.19.cloned.1.call-start
scs
__scs_entry_jumppad:
0x0: {  	(pc) =	sbr.rel $0x88, $3  }
0x1: {  	(tag) =	ssettag $0x0;
	lr =	simm.s32 $0x1  }
0x2: {  	[smem:$0x3F85] =	sst lr;
	_ =	strace $0xD0000000  }
0x3: {  	_ = 	snop  }
0x4: {  	_ = 	snop  }
0x5: {  	_ = 	snop  }
0x6: {  	_ = 	snop  }
0x7: {  	_ = 	snop  }
__scs_overlays_trampoline_lowered:
0x8: {  	[smem:$0x3F94] =	sst s0  }
0x9: {  	[smem:$0x3F95] =	sst s1  }
0xa: {  	[smem:$0x3F96] =	sst s2  }
0xb: {  	[smem:$0x3F97] =	sst s3  }
0xc: {  	[smem:$0x3F98] =	sst s4  }
0xd: {  	[smem:$0x3F99] =	sst s5  }
0xe: {  	[smem:$0x3F9A] =	sst s6  }
0xf: {  	[smem:$0x3F9B] =	sst s7  }
0x10: {  	[smem:$0x3F9C] =	sst s8  }
0x11: {  	[smem:$0x3F9D] =	sst s9;
	s0 =	simm.s32 @!p0 $0x0  }
0x12: {  	s1 =	sld [smem:$0x3F83];
	s0 =	simm.s32 @p0 $0x1  }
0x13: {  	[smem:$0x3F9E] =	sst s0;
	s0 =	simm.s32 @!p1 $0x0  }
0x14: {  	s2 =	sld [smem:$0x3F82];
	s0 =	simm.s32 @p1 $0x1  }
0x15: {  	[smem:$0x3F9F] =	sst s0;
	s0 =	simm.s32 @!p2 $0x0  }
0x16: {  	s3 =	sld [smem:$0x3FDB];
	s0 =	simm.s32 @p2 $0x1  }
0x17: {  	s4 =	simm.s32 $0x1BF5;
	[smem:$0x3FA1] =	sst s0  }
0x18: {  	s0 =	sld [smem:$0x3F84];
	_ =	swait.ge [sflag:s4], $0x0  }
0x19: {  	s7 =	sld [smem:$0x3F85]  }
0x1a: {  	s8 =	sadd.s32 $0xFFFFE003, lr  }
0x1b: {  	s9 =	sadd.s32 $0xFFFFFEF7, lr;
	s5 =	simm.s32 $0xFFFFFFFF;
	p2 =	slt.u32 s8, $0xFFFFF086  }
0x1c: {  	p1 =	slt.u32 s9, $0xF7A;
	s5 =	simm.s32 @!p2 $0x0  }
0x1d: {  	s5 =	simm.s32 @p1 $0x1;
	p0 =	seq.s32 s7, s2  }
0x1e: {  	s7 =	smul.u32 @!p0 $0xF7A, s2;
	p2 =	seq.s32 @!p0 s5, $0x0  }
0x1f: {  	s9 =	smul.u32 $0xF7A, s1;
	s8 =	simm.s32 @!p0 $0x1BF5;
	p2 =	por !p2, p0  }
0x20: {  	[sflag:s8] =	ssyncset.s32 @!p0 $0xFFFFF086;
	s6 =	sadd.s32 @!p0 s3, s7;
	s7 =	simm.s32 @!p0 $0x108  }
0x21: {  	s3 =	sadd.s32 s3, s9;
	s6 =	sadd.s32 @!p0 $0x88, s6;
	s7 =	simm.s32 @p2 $0x1082  }
0x22: {  	[simem:s7], [sflag:s8] =	dma.local @!p0 [hbm:s6], $0xF7A  }
0x23: {  	s9 =	sor.u32 $0xD0000000, s2;
	s6 =	simm.s32 $0x108;
	_ =	swait.ge @!p0 [sflag:s8], $0x0  }
0x24: {  	s3 =	sadd.s32 $0x88, s3;
	s6 =	simm.s32 @!p1 $0x1082;
	[sflag:s4] =	ssyncset.s32 $0xFFFFF086  }
0x25: {  	[simem:s6], [sflag:s4] =	dma.local [hbm:s3], $0xF7A  }
0x26: {  	[smem:$0x3F85] =	sst s1;
	(tag) =	ssettag s2;
	_ =	strace s9  }
0x27: {  	s1 =	sld [smem:$0x3F95]  }
0x28: {  	s2 =	sld [smem:$0x3F96]  }
0x29: {  	s4 =	sld [smem:$0x3F98]  }
0x2a: {  	p0 =	seq.s32 s5, $0x0;
	s5 =	sld [smem:$0x3F99]  }
0x2b: {  	s6 =	sld [smem:$0x3F9A]  }
0x2c: {  	s7 =	sld [smem:$0x3F9B]  }
0x2d: {  	s3 =	simm.s32 $0x108;
	s8 =	sld [smem:$0x3F9C]  }
0x2e: {  	s3 =	simm.s32 @!p0 $0x1082;
	s9 =	sld [smem:$0x3F9D]  }
0x2f: {  	lr =	sadd.s32 s0, s3;
	s0 =	sld [smem:$0x3F94]  }
0x30: {  	s3 =	sld [smem:$0x3F97]  }
0x31: {  	[smem:$0x3FA0] =	sst s10  }
0x32: {  	s10 =	sld [smem:$0x3F9E];
	_ =	sdelay $0x3  }
0x33: {  	p0 =	seq.s32 s10, $0x1;
	s10 =	sld [smem:$0x3FA0];
	_ =	sdelay $0x3  }
0x34: {  	[smem:$0x3FA0] =	sst s10  }
0x35: {  	s10 =	sld [smem:$0x3F9F];
	_ =	sdelay $0x3  }
0x36: {  	p1 =	seq.s32 s10, $0x1;
	s10 =	sld [smem:$0x3FA0];
	_ =	sdelay $0x3  }
0x37: {  	[smem:$0x3FA0] =	sst s10  }
0x38: {  	s10 =	sld [smem:$0x3FA1]  }
0x39: {  	_ = 	snop;
	(pc) =	sbr.ind lr, $3  }
0x3a: {  	_ = 	snop  }
0x3b: {  	_ = 	snop  }
0x3c: {  	p2 =	seq.s32 s10, $0x1;
	s10 =	sld [smem:$0x3FA0]  }
0x3d: {  	_ =	shalt  }
0x3e: {  	_ =	shalt  }
0x3f: {  	_ =	shalt  }
0x40: {  	_ =	shalt  }
0x41: {  	_ =	shalt  }
0x42: {  	_ =	shalt  }
0x43: {  	_ =	shalt  }
0x44: {  	_ =	shalt  }
0x45: {  	_ =	shalt  }
0x46: {  	_ =	shalt  }
0x47: {  	_ =	shalt  }
0x48: {  	_ =	shalt  }
0x49: {  	_ =	shalt  }
0x4a: {  	_ =	shalt  }
0x4b: {  	_ =	shalt  }
0x4c: {  	_ =	shalt  }
0x4d: {  	_ =	shalt  }
0x4e: {  	_ =	shalt  }
0x4f: {  	_ =	shalt  }
0x50: {  	_ =	shalt  }
0x51: {  	_ =	shalt  }
0x52: {  	_ =	shalt  }
0x53: {  	_ =	shalt  }
0x54: {  	_ =	shalt  }
0x55: {  	_ =	shalt  }
0x56: {  	_ =	shalt  }
0x57: {  	_ =	shalt  }
0x58: {  	_ =	shalt  }
0x59: {  	_ =	shalt  }
0x5a: {  	_ =	shalt  }
0x5b: {  	_ =	shalt  }
0x5c: {  	_ =	shalt  }
0x5d: {  	_ =	shalt  }
0x5e: {  	_ =	shalt  }
0x5f: {  	_ =	shalt  }
0x60: {  	_ =	shalt  }
0x61: {  	_ =	shalt  }
0x62: {  	_ =	shalt  }
0x63: {  	_ =	shalt  }
0x64: {  	_ =	shalt  }
0x65: {  	_ =	shalt  }
0x66: {  	_ =	shalt  }
0x67: {  	_ =	shalt  }
0x68: {  	_ =	shalt  }
0x69: {  	_ =	shalt  }
0x6a: {  	_ =	shalt  }
0x6b: {  	_ =	shalt  }
0x6c: {  	_ =	shalt  }
0x6d: {  	_ =	shalt  }
0x6e: {  	_ =	shalt  }
0x6f: {  	_ =	shalt  }
0x70: {  	_ =	shalt  }
0x71: {  	_ =	shalt  }
0x72: {  	_ =	shalt  }
0x73: {  	_ =	shalt  }
0x74: {  	_ =	shalt  }
0x75: {  	_ =	shalt  }
0x76: {  	_ =	shalt  }
0x77: {  	_ =	shalt  }
0x78: {  	_ =	shalt  }
0x79: {  	_ =	shalt  }
0x7a: {  	_ =	shalt  }
0x7b: {  	_ =	shalt  }
0x7c: {  	_ =	shalt  }
0x7d: {  	_ =	shalt  }
0x7e: {  	_ =	shalt  }
0x7f: {  	_ =	shalt  }
0x80: {  	_ =	shalt  }
0x81: {  	_ =	shalt  }
0x82: {  	_ =	shalt  }
0x83: {  	_ =	shalt  }
0x84: {  	_ =	shalt  }
0x85: {  	_ =	shalt  }
0x86: {  	_ =	shalt  }
0x87: {  	_ =	shalt  }
.Lfunc_end0:
.L_simem_size_0:
called_computation.3_lowered:
.L_overlay_start_0:
0x88: {  	s2 =	sld [smem:$0x3FD9]  }
0x89: {  	s3 =	sld [smem:$0x3FFE];
	_ =	sdelay $0x1  }
0x8a: {  	s1 =	srdreg.scid  }
0x8b: {  	s0 =	sand.u32 $0x1, s1  }
0x8c: {  	s16 =	sshll.u32 s0, $0xA;
	s2 =	sadd.s32 s3, s2  }
0x8d: {  	s2 =	sadd.s32 s2, s16  }
0x8e: {  	[smem:$0x3FAC] =	sst s2  }
0x8f: {  	_ = 	snop  }
0x90: {  	(tm) =	ssettm $0x1  }
0x91: {  	s17 =	sld [smem:$0x3FFB];
	_ =	sdelay $0x3  }
0x92: {  	_ =	strace s17  }
0x93: {  	s2 =	sld [smem:$0x3FFC];
	_ =	sdelay $0x3  }
0x94: {  	_ =	strace s2  }
0x95: {  	s2 =	sld [smem:$0x3FFD];
	_ =	sdelay $0x3  }
0x96: {  	_ =	strace s2  }
0x97: {  	_ =	strace $0x8FFFFFFF  }
0x98: {  	s18 =	sld [smem:$0x3FDB];
	_ =	sdelay $0x1  }
0x99: {  	s19 =	simm.s32 $_scs_section_size  }
0x9a: {  	s4 =	simm.s32 $_size__tile_overlayer_lowered;
	s5 =	simm.s32 $_tile_overlayer_lowered  }
0x9b: {  	s22 =	simm.s32 $0x1BFF;
	s21 =	sshll.u32 s5, $0x1;
	s2 =	sadd.s32 s19, s18  }
0x9c: {  	s6 =	simm.s32 $0x0;
	s20 =	sshll.u32 s4, $0x1;
	s4 =	sadd.s32 s21, s2  }
0x9d: {  	[timem:s6], [sflag:s22] =	dma.local [hbm:s4], s20  }
0x9e: {  	_ =	swait.ge [sflag:s22], s20  }
0x9f: {  	s3 =	ssub.s32 $0x0, s20;
	[sflag:s22] =	ssyncset.done $0x0  }
0xa0: {  	[sflag:s22] =	ssyncadd.s32 s3;
	_ =	sdelay $0x1  }
0xa1: {  	s23 =	simm.s32 $0x1B8B  }
0xa2: {  	_ =	swait.ge [sflag:s23], $0x1  }
0xa3: {  	[sflag:s23] =	ssyncset.done $0x0  }
0xa4: {  	s25 =	simm.s32 $0x1B8E;
	s24 =	sld [smem:$0x3FFE];
	[sflag:s23] =	ssyncadd.s32 $0xFFFFFFFF  }
0xa5: {  	s26 =	simm.s32 $execute0_lowered;
	[smem:$0x3FD2] =	sst s25  }
0xa6: {  	s4 =	sshll.u32 s26, $0x1;
	_ =	strace $0x8000004F;
	[dreg:$0x1] =	wrdreg $0xFFFFFFFF  }
0xa7: {  	s28 =	simm.s32 $_size_execute0_lowered;
	s2 =	sadd.s32 s2, s4;
	[dreg:$0x0] =	wrdreg $0x0  }
0xa8: {  	s4 =	sshll.u32 s28, $0x1;
	[dreg:$0x2] =	wrdreg s2  }
0xa9: {  	[dreg:$0x3] =	wrdreg s4  }
0xaa: {  	[dreg:$0x4] =	wrdreg $0xC0  }
0xab: {  	_ =	task [dreg:s6], $0x5FFFF  }
0xac: {  	[dreg:$0x1] =	wrdreg $0xFFFFFFFF  }
0xad: {  	[dreg:$0x0] =	wrdreg $0x60  }
0xae: {  	[dreg:$0x2] =	wrdreg s24  }
0xaf: {  	[dreg:$0x3] =	wrdreg $0xA8000  }
0xb0: {  	[dreg:$0x4] =	wrdreg $0x9  }
0xb1: {  	_ =	task.clear_ibuf [dreg:s6], $0x5FFFF;
	_ =	strace $0x9000004F  }
0xb2: {  	s29 =	simm.s32 $0x9;
	_ =	strace $0x80000051  }
0xb3: {  	_ =	swait.ge [sflag:s29], $0x1  }
0xb4: {  	[sflag:s29] =	ssyncadd.s32 $0xFFFFFFFF  }
0xb5: {  	_ =	strace $0x90000051  }
0xb6: {  	_ =	sfence  }
0xb7: {  	s30 =	sld [smem:$0x0];
	_ =	sdelay $0x2  }
0xb8: {  	s31 =	sshll.u32 s1, $0xD;
	s1 =	sshrl.u32 s1, $0x2  }
0xb9: {  	s3 =	sand.u32 $0x4000, s31;
	s1 =	sadd.s32 s1, s30  }
0xba: {  	s0 =	sor.u32 s3, s0;
	s1 =	sshll.u32 s1, $0x11  }
0xbb: {  	s0 =	sor.u32 s1, s0  }
0xbc: {  	s0 =	sadd.s32 $0x8F2B, s0  }
0xbd: {  	[sflag:s0] =	ssyncadd.remote.s32 $0x1  }
0xbe: {  	_ =	sfence.sel $0xFFFF  }
0xbf: {  	[dreg:$0x0] =	wrdreg $0xFFFFFFFF;
	(pc) =	sbr.abs _section_cstart, $3  }
0xc0: {  	[dreg:$0x1] =	wrdreg $0xFFFFFFFF  }
0xc1: {  	_ =	task.clear_ibuf [dreg:s6], $0x2FFFF;
	_ =	strace $0x9FFFFFFF  }
0xc2: {  	(tm) =	ssettm $0x7FFFFFFF  }
0xc3: {  	_ =	shalt  }
tec
execute0_lowered:
.L_overlay_start_1:
0x0: {  	(tag) =	ssettag $0x1  }
0x1: {  	s6 =	rddreg [dreg:$0x0]  }
0x2: {  	s1 =	rddreg [dreg:$0x1]  }
0x3: {  	s2 =	srdreg.scid;
	s3 =	simm.s32 $0x0;
	s16 =	simm.s32 $0x7D  }
0x4: {  	s17 =	simm.s32 $0x2800;
	s18 =	simm.s32 $0x6800;
	s19 =	simm.s32 $0x1  }
0x5: {  	s20 =	simm.s32 $0x2;
	s21 =	simm.s32 $0x1380;
	s22 =	simm.s32 $0x2700  }
0x6: {  	s23 =	simm.s32 $0x2780;
	s10 =	sand.u32 $0x1, s2;
	s2 =	stileid.u32  }
0x7: {  	s24 =	simm.s32 $0x0;
	[smem:$0x7FF] =	sst s3;
	s7 =	smul.u32 $0x14000, s10  }
0x8: {  	s4 =	sadd.s32 $0x313A00, s6;
	s5 =	sadd.s32 $0xEA00, s6;
	s8 =	smul.u32 $0x1400, s2  }
0x9: {  	_ =	strace $0x80000050;
	s31 =	ssub.s32 $0x2, s10;
	s11 =	smul.u32 $0x50000, s2  }
0xa: {  	s10 =	smul.u32 $0x1900000, s10;
	s14 =	sshll.u32 s2, $0x6;
	s9 =	sshrl.u32 s31, $0x1  }
0xb: {  	s14 =	sor.u32 $0x1C03, s14;
	s7 =	sadd.s32 s8, s7;
	s13 =	ssub.s32 s31, s9  }
0xc: {  	s8 =	smul.u32 $0x280, s2;
	s11 =	sshrl.u32 s11, $0x2;
	s7 =	sshrl.u32 s7, $0x3  }
0xd: {  	s15 =	sadd.s32 s11, s1;
	s11 =	smax.u32 s13, $0x1;
	s13 =	simm.s32 $0x1400  }
0xe: {  	s12 =	sadd.s32 s7, s6;
	s6 =	sadd.s32 $0x633A00, s6;
	s15 =	sshrl.u32 s15, $0x3  }
0xf: {  	s7 =	sadd.s32 $0xB1A00, s12;
	s9 =	sadd.s32 $0xB6A00, s12;
	s12 =	simm.s32 $0x3  }
.LBB2_1:
0x10: {  	[tilespmem:s3], [sflag:$0x3] =	stream.linear.gather [hbm4b:s7+s3], $0x1400, $0x38;
	[tilespmem:$0x1E800] =	vst v63  }
0x11: {  	_ =	swait.ge [sflag:s12], $0x1400  }
0x12: {  	[sflag:s12] =	ssyncset.done $0x0  }
0x13: {  	[sflag:s12] =	ssyncadd.s32 $0xFFFFEC00  }
0x14: {  	[tilespmem:s13], [sflag:$0x3] =	stream.linear.gather [hbm4b:s9+s3], $0x1400, $0x38;
	[tilespmem:$0x1E800] =	vst v63  }
0x15: {  	_ =	swait.ge [sflag:s12], $0x1400  }
0x16: {  	[sflag:s12] =	ssyncset.done $0x0  }
0x17: {  	s25 =	simm.s32 $0x0;
	[sflag:s12] =	ssyncadd.s32 $0xFFFFEC00  }
.LBB2_2:
0x18: {  	[spmem:s15], [sflag:s14] =	dma.local [hbm:s5], $0x2800  }
0x19: {  	_ =	swait.ge [sflag:s12], $0x2800  }
0x1a: {  	s26 =	smul.u32 $0x28000, s25;
	[sflag:s12] =	ssyncset.done $0x0  }
0x1b: {  	[sflag:s12] =	ssyncadd.s32 $0xFFFFD800  }
0x1c: {  	s28 =	simm.s32 $0x0;
	s26 =	sadd.s32 s4, s26;
	[bflag:$0x0] =	sbarrier.arrive $0xFFFF  }
0x1d: {  	[tilespmem:s17], [sflag:$0x1] =	stream.indirect.gather [hbm4b:s26+s16], $0x80, s28, s16, $0xb8;
	[tilespmem:$0x1E800] =	vst v63  }
0x1e: {  	s28 =	simm.s32 $0x80  }
0x1f: {  	[tilespmem:s18], [sflag:$0x2] =	stream.indirect.gather [hbm4b:s26+s16], $0x80, s28, s16, $0xb8;
	[tilespmem:$0x1E800] =	vst v63  }
0x20: {  	_ =	swait.ge [sflag:s19], $0x3E80  }
0x21: {  	[sflag:s19] =	ssyncset.done $0x0  }
0x22: {  	s28 =	simm.s32 $0x1400;
	[sflag:s19] =	ssyncadd.s32 $0xFFFFC180  }
0x23: {  	[spmem:s1] =	stream.indirect.scatter.add.f32 [tilespmem:s17], [sflag:$0x3], $0x80, s28, s16, $0xb8;
	[tilespmem:$0x1E800] =	vst v63  }
0x24: {  	_ =	swait.ge [sflag:s12], $0x3E80  }
0x25: {  	[sflag:s12] =	ssyncset.done $0x0  }
0x26: {  	s28 =	simm.s32 $0x100;
	[sflag:s12] =	ssyncadd.s32 $0xFFFFC180  }
0x27: {  	[tilespmem:s17], [sflag:$0x1] =	stream.indirect.gather [hbm4b:s26+s16], $0x80, s28, s16, $0xb8;
	[tilespmem:$0x1E800] =	vst v63  }
0x28: {  	_ =	swait.ge [sflag:s20], $0x3E80  }
0x29: {  	[sflag:s20] =	ssyncset.done $0x0  }
0x2a: {  	s28 =	simm.s32 $0x1480;
	[sflag:s20] =	ssyncadd.s32 $0xFFFFC180  }
0x2b: {  	[spmem:s1] =	stream.indirect.scatter.add.f32 [tilespmem:s18], [sflag:$0x3], $0x80, s28, s16, $0xb8;
	[tilespmem:$0x1E800] =	vst v63  }
0x2c: {  	_ =	swait.ge [sflag:s12], $0x3E80  }
0x2d: {  	s29 =	simm.s32 $0x800;
	s28 =	simm.s32 $0x100;
	[sflag:s12] =	ssyncset.done $0x0  }
.LBB2_3:
0x2e: {  	s30 =	sadd.s32 $0x80, s28  }
0x2f: {  	[sflag:s12] =	ssyncadd.s32 $0xFFFFC180;
	s31 =	smov.u32 s29;
	s0 =	sadd.s32 $0x400, s29  }
0x30: {  	[tilespmem:s18], [sflag:$0x2] =	stream.indirect.gather [hbm4b:s26+s16], $0x80, s30, s16, $0xb8;
	[tilespmem:$0x1E800] =	vst v63  }
0x31: {  	p0 =	sne.s32 s29, $0x4800;
	_ =	swait.ge [sflag:s19], $0x3E80  }
0x32: {  	[sflag:s19] =	ssyncset.done $0x0  }
0x33: {  	s29 =	sadd.s32 $0x1400, s28;
	[sflag:s19] =	ssyncadd.s32 $0xFFFFC180  }
0x34: {  	[spmem:s1] =	stream.indirect.scatter.add.f32 [tilespmem:s17], [sflag:$0x3], $0x80, s29, s16, $0xb8;
	[tilespmem:$0x1E800] =	vst v63  }
0x35: {  	_ =	swait.ge [sflag:s12], $0x3E80  }
0x36: {  	[sflag:s12] =	ssyncset.done $0x0  }
0x37: {  	s29 =	sadd.s32 $0x100, s28;
	[sflag:s12] =	ssyncadd.s32 $0xFFFFC180  }
0x38: {  	[tilespmem:s17], [sflag:$0x1] =	stream.indirect.gather [hbm4b:s26+s16], $0x80, s29, s16, $0xb8;
	[tilespmem:$0x1E800] =	vst v63  }
0x39: {  	_ =	swait.ge [sflag:s20], $0x3E80  }
.Ltmp0:
0x3a: {  	[sflag:s20] =	ssyncset.done $0x0;
	(pc) =	sbr.rel @p0 .LBB2_3-.Ltmp0, $4  }
0x3b: {  	s28 =	sadd.s32 $0x1480, s28;
	[sflag:s20] =	ssyncadd.s32 $0xFFFFC180  }
0x3c: {  	[spmem:s1] =	stream.indirect.scatter.add.f32 [tilespmem:s18], [sflag:$0x3], $0x80, s28, s16, $0xb8;
	[tilespmem:$0x1E800] =	vst v63  }
0x3d: {  	_ =	swait.ge [sflag:s12], $0x3E80  }
0x3e: {  	s29 =	smov.u32 s0;
	s28 =	sshra.s32 s31, $0x2;
	[sflag:s12] =	ssyncset.done $0x0  }
0x3f: {  	s0 =	sadd.s32 $0x80, s28;
	[sflag:s12] =	ssyncadd.s32 $0xFFFFC180  }
0x40: {  	[tilespmem:s18], [sflag:$0x2] =	stream.indirect.gather [hbm4b:s26+s16], $0x80, s0, s16, $0xb8;
	[tilespmem:$0x1E800] =	vst v63  }
0x41: {  	_ =	swait.ge [sflag:s19], $0x3E80  }
0x42: {  	[sflag:s19] =	ssyncset.done $0x0  }
0x43: {  	s31 =	sadd.s32 $0x1400, s28;
	[sflag:s19] =	ssyncadd.s32 $0xFFFFC180  }
0x44: {  	[spmem:s1] =	stream.indirect.scatter.add.f32 [tilespmem:s17], [sflag:$0x3], $0x80, s31, s16, $0xb8;
	[tilespmem:$0x1E800] =	vst v63  }
0x45: {  	_ =	swait.ge [sflag:s12], $0x3E80  }
0x46: {  	[sflag:s12] =	ssyncset.done $0x0  }
0x47: {  	s29 =	sadd.s32 $0x100, s28;
	[sflag:s12] =	ssyncadd.s32 $0xFFFFC180  }
0x48: {  	[tilespmem:s17], [sflag:$0x1] =	stream.indirect.gather [hbm4b:s26+s16], $0x80, s29, s16, $0xb8;
	[tilespmem:$0x1E800] =	vst v63  }
0x49: {  	_ =	swait.ge [sflag:s20], $0x3E80  }
0x4a: {  	[sflag:s20] =	ssyncset.done $0x0  }
0x4b: {  	s30 =	sadd.s32 $0x1480, s28;
	[sflag:s20] =	ssyncadd.s32 $0xFFFFC180  }
0x4c: {  	[spmem:s1] =	stream.indirect.scatter.add.f32 [tilespmem:s18], [sflag:$0x3], $0x80, s30, s16, $0xb8;
	[tilespmem:$0x1E800] =	vst v63  }
0x4d: {  	_ =	swait.ge [sflag:s12], $0x3E80  }
0x4e: {  	[sflag:s12] =	ssyncset.done $0x0  }
0x4f: {  	[sflag:s12] =	ssyncadd.s32 $0xFFFFC180  }
0x50: {  	[tilespmem:s18], [sflag:$0x2] =	stream.indirect.gather [hbm4b:s26+s16], $0x80, s21, s16, $0xb8;
	[tilespmem:$0x1E800] =	vst v63  }
0x51: {  	_ =	swait.ge [sflag:s19], $0x3E80  }
0x52: {  	[sflag:s19] =	ssyncset.done $0x0  }
0x53: {  	[sflag:s19] =	ssyncadd.s32 $0xFFFFC180  }
0x54: {  	[spmem:s1] =	stream.indirect.scatter.add.f32 [tilespmem:s17], [sflag:$0x3], $0x80, s22, s16, $0xb8;
	[tilespmem:$0x1E800] =	vst v63  }
0x55: {  	_ =	swait.ge [sflag:s12], $0x3E80  }
0x56: {  	[sflag:s12] =	ssyncset.done $0x0  }
0x57: {  	[sflag:s12] =	ssyncadd.s32 $0xFFFFC180  }
0x58: {  	s31 =	smul.u32 $0x2800, s25;
	_ =	swait.ge [sflag:s20], $0x3E80  }
0x59: {  	[sflag:s20] =	ssyncset.done $0x0  }
0x5a: {  	s0 =	sadd.s32 s8, s31;
	[sflag:s20] =	ssyncadd.s32 $0xFFFFC180  }
0x5b: {  	[spmem:s1] =	stream.indirect.scatter.add.f32 [tilespmem:s18], [sflag:$0x3], $0x80, s23, s16, $0xb8;
	[tilespmem:$0x1E800] =	vst v63  }
0x5c: {  	s0 =	sshll.u32 s0, $0x7;
	_ =	swait.ge [sflag:s12], $0x3E80  }
0x5d: {  	s25 =	sadd.s32 $0x1, s25;
	s0 =	sadd.s32 s10, s0;
	[sflag:s12] =	ssyncset.done $0x0  }
0x5e: {  	p0 =	sne.s32 s25, $0x14;
	s0 =	sshrl.u32 s0, $0x3;
	[sflag:s12] =	ssyncadd.s32 $0xFFFFC180  }
.Ltmp1:
0x5f: {  	s0 =	sadd.s32 s6, s0;
	[bflag:$0x0] =	sbarrier.arrive $0xFFFF;
	(pc) =	sbr.rel @p0 .LBB2_2-.Ltmp1, $4  }
0x60: {  	[hbm:s0], [sflag:s14] =	dma.local [spmem:s15], $0x2800  }
0x61: {  	_ =	swait.ge [sflag:s12], $0x2800  }
0x62: {  	[sflag:s12] =	ssyncset.done $0x0  }
0x63: {  	[sflag:s12] =	ssyncadd.s32 $0xFFFFD800  }
0x64: {  	s24 =	sadd.s32 $0x1, s24  }
0x65: {  	p0 =	sne.s32 s24, s11  }
.Ltmp2:
0x66: {  	_ = 	snop;
	(pc) =	sbr.rel @p0 .LBB2_1-.Ltmp2, $1  }
0x67: {  	_ =	sdelay $0x3  }
0x68: {  	_ =	sfence.sel $0x180000  }
0x69: {  	[bflag:$0x0] =	sbarrier.arrive $0xFFFF  }
0x6a: {  	_ =	strace $0x90000050  }
0x6b: {  	[bflag:$0x2] =	sbarrier.arrive $0xFFFF  }
0x6c: {  	p0 =	sne.s32 s2, $0x0;
	s0 =	rddreg [dreg:$0x2]  }
0x6d: {  	s0 =	sadd.s32 @!p0 $0x100000, s0  }
0x6e: {  	[sflag:s0] =	ssyncadd.tile.s32 @!p0 $0x1;
	_ =	shalt  }
.Lfunc_end2:
_tile_overlayer_lowered:
.L_overlay_start_2:
0x6f: {  	(tag) =	ssettag $0x2  }
0x70: {  	s0 =	rddreg [dreg:$0x0];
	s2 =	stileid.u32  }
0x71: {  	s1 =	rddreg [dreg:$0x1];
	p0 =	sne.s32 s2, $0x0  }
0x72: {  	s3 =	rddreg [dreg:$0x2];
	[bflag:$0x3] =	sbarrier.arrive $0xFFFF;
	s2 =	simm.s32 @!p0 $0x1C03  }
0x73: {  	[timem:s3], [sflag:s2] =	dma.local @!p0 [hbm:s0], s1  }
0x74: {  	s0 =	simm.s32 @!p0 $0x3  }
0x75: {  	_ =	swait.ge @!p0 [sflag:s0], s1  }
0x76: {  	s1 =	ssub.s32 @!p0 $0x0, s1;
	[sflag:s0] =	ssyncset.done @!p0 $0x0  }
0x77: {  	[sflag:s0] =	ssyncadd.s32 @!p0 s1  }
0x78: {  	[bflag:$0x3] =	sbarrier.arrive $0xFFFF  }
0x79: {  	_ =	shalt  }

</sc_bundles>
